<compile_context>
chip_gen: v7x
topology: tpu7x:2x2x1
jax: 0.10.2.dev20260603
libtpu: 0.0.44.dev20260713+nightly
codegen_flags: <defaults>
</compile_context>

<pallas_src>
import functools

import jax
import jax.numpy as jnp
from jax import lax
from jax.experimental import pallas as pl
from jax.experimental.pallas import tpu as pltpu
from jax.experimental.pallas import tpu_sc as plsc

N = 10000
NPAD = 10240
E = 160000
EPAD = 163840
NW = 32
NCHUNK = 10
C = 512
NBUF = 5
RPT = NPAD // 16
ZR = 128

@functools.lru_cache(maxsize=None)
def _mesh():
    return plsc.VectorSubcoreMesh(core_axis_name="c", subcore_axis_name="s",
                                  num_cores=2, num_subcores=16)


def _zero_fill(buf, nrow, ncol16):
    def body(i, _):
        for j in range(ncol16):
            buf[i, pl.ds(j * 16, 16)] = jnp.zeros((16,), jnp.float32)
        return 0
    lax.fori_loop(0, nrow, body, 0)


def _deg_body(dst_hbm, deg_out, idx_v, ones_v, zbuf_v, acc):
    c = lax.axis_index("c")
    s = lax.axis_index("s")
    wid = s * 2 + c
    pltpu.sync_copy(dst_hbm.at[wid], idx_v)

    def fill_ones(i, _):
        ones_v[pl.ds(i * 16, 16)] = jnp.ones((16,), jnp.float32)
        return 0
    lax.fori_loop(0, C // 16, fill_ones, 0)

    def fill_z(i, _):
        zbuf_v[pl.ds(i * 16, 16)] = jnp.zeros((16,), jnp.float32)
        return 0
    lax.fori_loop(0, RPT // 16, fill_z, 0)
    pltpu.sync_copy(zbuf_v, acc.at[pl.ds(s * RPT, RPT)])
    plsc.subcore_barrier()

    def chunk(k, _):
        pltpu.sync_copy(ones_v, acc.at[idx_v.at[k]], add=True)
        return 0
    lax.fori_loop(0, NCHUNK, chunk, 0)
    plsc.subcore_barrier()
    pltpu.sync_copy(acc.at[pl.ds(s * RPT, RPT)],
                    deg_out.at[c, pl.ds(s * RPT, RPT)])


@functools.lru_cache(maxsize=None)
def _deg_call():
    return pl.kernel(
        _deg_body,
        out_type=jax.ShapeDtypeStruct((2, NPAD), jnp.float32),
        mesh=_mesh(),
        compiler_params=pltpu.CompilerParams(use_tc_tiling_on_sc=False),
        scratch_types=[
            pltpu.VMEM((NCHUNK, C), jnp.int32),
            pltpu.VMEM((C,), jnp.float32),
            pltpu.VMEM((RPT,), jnp.float32),
            pltpu.VMEM_SHARED((NPAD,), jnp.float32),
        ],
    )


def _agg_body(F, y_hbm, src_hbm, dst_hbm, out_hbm,
              sidx_v, didx_v, bufs, zbuf_v, acc, gsems, ssems, isem):
    c = lax.axis_index("c")
    s = lax.axis_index("s")
    wid = s * 2 + c
    pltpu.async_copy(src_hbm.at[wid], sidx_v, isem)
    pltpu.async_copy(dst_hbm.at[wid], didx_v, isem)
    _zero_fill(zbuf_v, ZR, F // 16)
    for j in range(RPT // ZR):
        pltpu.sync_copy(zbuf_v, acc.at[pl.ds(s * RPT + j * ZR, ZR)])
    pltpu.make_async_copy(src_hbm.at[wid], sidx_v, isem).wait()
    pltpu.make_async_copy(dst_hbm.at[wid], didx_v, isem).wait()
    plsc.subcore_barrier()

    def fire_g(k):
        b = k % NBUF
        pltpu.async_copy(y_hbm.at[sidx_v.at[k]], bufs[b], gsems[b])

    def wait_g(k):
        b = k % NBUF
        pltpu.make_async_copy(y_hbm.at[sidx_v.at[k]], bufs[b], gsems[b]).wait()

    def fire_s(k):
        b = k % NBUF
        pltpu.async_copy(bufs[b], acc.at[didx_v.at[k]], ssems[b], add=True)

    def wait_s(k):
        b = k % NBUF
        pltpu.make_async_copy(bufs[b], acc.at[didx_v.at[k]], ssems[b]).wait()

    for k in range(2):
        fire_g(k)
    for k in range(NCHUNK):
        wait_g(k)
        fire_s(k)
        if k >= 3:
            wait_s(k - 3)
        if k + 2 < NCHUNK:
            fire_g(k + 2)
    for k in range(max(0, NCHUNK - 3), NCHUNK):
        wait_s(k)
    plsc.subcore_barrier()
    pltpu.sync_copy(acc.at[pl.ds(s * RPT, RPT)],
                    out_hbm.at[c, pl.ds(s * RPT, RPT)])


@functools.lru_cache(maxsize=None)
def _make_agg(F):
    return pl.kernel(
        functools.partial(_agg_body, F),
        out_type=jax.ShapeDtypeStruct((2, NPAD, F), jnp.float32),
        mesh=_mesh(),
        compiler_params=pltpu.CompilerParams(use_tc_tiling_on_sc=False),
        scratch_types=[
            pltpu.VMEM((NCHUNK, C), jnp.int32),
            pltpu.VMEM((NCHUNK, C), jnp.int32),
            tuple(pltpu.VMEM((C, F), jnp.float32) for _ in range(NBUF)),
            pltpu.VMEM((ZR, F), jnp.float32),
            pltpu.VMEM_SHARED((NPAD, F), jnp.float32),
            tuple(pltpu.SemaphoreType.DMA for _ in range(NBUF)),
            tuple(pltpu.SemaphoreType.DMA for _ in range(NBUF)),
            pltpu.SemaphoreType.DMA,
        ],
    )

_BLK = 1024
_NBLK = NPAD // _BLK


def _dinv_from(deg_blk):
    return lax.rsqrt(deg_blk[0] + deg_blk[1] + 1.0)[:, None]


def _sel_pack(rows_out, rows_in, g, j):
    ii = lax.broadcasted_iota(jnp.int32, (rows_out, rows_in), 0)
    kk = lax.broadcasted_iota(jnp.int32, (rows_out, rows_in), 1)
    return jnp.where(kk == g * ii + j, 1.0, 0.0)


def _pack(v, g):
    R, F = v.shape
    out = None
    for j in range(g):
        e = _sel_pack(R // g, R, g, j)
        pj = jnp.dot(e, v, preferred_element_type=jnp.float32)
        pj = jnp.pad(pj, ((0, 0), (j * F, (g - 1 - j) * F)))
        out = pj if out is None else out + pj
    return out


def _blockdiag(w, g):
    K, F = w.shape
    out = None
    for j in range(g):
        pj = jnp.pad(w, ((j * K, (g - 1 - j) * K), (j * F, (g - 1 - j) * F)))
        out = pj if out is None else out + pj
    return out


def _mm1_body(x_ref, w_ref, deg_ref, o_ref):
    dinv = _dinv_from(deg_ref[...])
    y = jnp.dot(x_ref[...], w_ref[...],
                preferred_element_type=jnp.float32) * dinv
    o_ref[...] = _pack(y, 4)


_mm1_call = pl.pallas_call(
    _mm1_body,
    grid=(_NBLK,),
    in_specs=[
        pl.BlockSpec((_BLK, 256), lambda i: (i, 0)),
        pl.BlockSpec((256, 32), lambda i: (0, 0)),
        pl.BlockSpec((2, _BLK), lambda i: (0, i)),
    ],
    out_specs=pl.BlockSpec((_BLK // 4, 128), lambda i: (i, 0)),
    out_shape=jax.ShapeDtypeStruct((NPAD // 4, 128), jnp.float32),
)


def _mid_body(p_ref, y_ref, deg_ref, w_ref, b_ref, o_ref):
    d = deg_ref[...]
    dinv4 = lax.rsqrt(d[0] + d[1] + 1.0)
    p = p_ref[...]
    s = p[0] + p[1] + y_ref[...]
    h = jnp.maximum(s * dinv4 + b_ref[...], 0.0) * dinv4
    w4 = _blockdiag(w_ref[...], 4)
    y2 = jnp.dot(h, w4, preferred_element_type=jnp.float32)
    rp = y2.shape[0] // 2
    e0 = _sel_pack(rp, y2.shape[0], 2, 0)
    e1 = _sel_pack(rp, y2.shape[0], 2, 1)
    lo = jnp.dot(e0, y2, preferred_element_type=jnp.float32)
    hi = jnp.dot(e1, y2, preferred_element_type=jnp.float32)
    o_ref[...] = jnp.pad(lo, ((0, 0), (0, 64))) + jnp.pad(hi, ((0, 0), (64, 0)))


_mid_call = pl.pallas_call(
    _mid_body,
    grid=(_NBLK,),
    in_specs=[
        pl.BlockSpec((2, _BLK // 4, 128), lambda i: (0, i, 0)),
        pl.BlockSpec((_BLK // 4, 128), lambda i: (i, 0)),
        pl.BlockSpec((2, _BLK // 4, 128), lambda i: (0, i, 0)),
        pl.BlockSpec((32, 16), lambda i: (0, 0)),
        pl.BlockSpec((1, 128), lambda i: (0, 0)),
    ],
    out_specs=pl.BlockSpec((_BLK // 8, 128), lambda i: (i, 0)),
    out_shape=jax.ShapeDtypeStruct((NPAD // 8, 128), jnp.float32),
)


def _fin_body(p_ref, y_ref, deg_ref, w_ref, b2_ref, bfc_ref, o_ref):
    d = deg_ref[...]
    dinv8 = lax.rsqrt(d[0] + d[1] + 1.0)
    p = p_ref[...]
    h = (p[0] + p[1] + y_ref[...]) * dinv8 + b2_ref[...]
    w8 = _blockdiag(w_ref[...], 8)
    z = jnp.dot(h, w8, preferred_element_type=jnp.float32) + bfc_ref[...]
    lane = lax.broadcasted_iota(jnp.int32, z.shape, 1)
    zl = jnp.concatenate([z[:, 1:], z[:, :1]], axis=1)
    zr = jnp.concatenate([z[:, -1:], z[:, :-1]], axis=1)
    partner = jnp.where(lane % 2 == 0, zl, zr)
    m = jnp.maximum(z, partner)
    o_ref[...] = z - (m + jnp.log(jnp.exp(z - m) + jnp.exp(partner - m)))


_fin_call = pl.pallas_call(
    _fin_body,
    grid=(_NBLK,),
    in_specs=[
        pl.BlockSpec((2, _BLK // 8, 128), lambda i: (0, i, 0)),
        pl.BlockSpec((_BLK // 8, 128), lambda i: (i, 0)),
        pl.BlockSpec((2, _BLK // 8, 128), lambda i: (0, i, 0)),
        pl.BlockSpec((16, 2), lambda i: (0, 0)),
        pl.BlockSpec((1, 128), lambda i: (0, 0)),
        pl.BlockSpec((1, 16), lambda i: (0, 0)),
    ],
    out_specs=pl.BlockSpec((_BLK // 8, 16), lambda i: (i, 0)),
    out_shape=jax.ShapeDtypeStruct((NPAD // 8, 16), jnp.float32),
)


def kernel(x, edge_index, W1, b1, W2, b2, Wfc, bfc):
    src = edge_index[0].astype(jnp.int32)
    dst = edge_index[1].astype(jnp.int32)
    pad = N + (jnp.arange(EPAD - E, dtype=jnp.int32) % (NPAD - N))
    srcp = jnp.concatenate([src, pad]).reshape(NW, NCHUNK, C)
    dstp = jnp.concatenate([dst, pad]).reshape(NW, NCHUNK, C)

    degp = _deg_call()(dstp)
    deg4 = jnp.broadcast_to(degp.reshape(2, NPAD // 4, 4, 1),
                            (2, NPAD // 4, 4, 32)).reshape(2, NPAD // 4, 128)
    deg8 = jnp.broadcast_to(degp.reshape(2, NPAD // 8, 8, 1),
                            (2, NPAD // 8, 8, 16)).reshape(2, NPAD // 8, 128)
    y1p = _mm1_call(x, W1, degp)
    p1 = _make_agg(32)(y1p.reshape(NPAD, 32), srcp, dstp)
    y2p = _mid_call(p1.reshape(2, NPAD // 4, 128), y1p, deg4, W2,
                    jnp.tile(b1, 4).reshape(1, 128))
    p2 = _make_agg(16)(y2p.reshape(NPAD, 16), srcp, dstp)
    out = _fin_call(p2.reshape(2, NPAD // 8, 128), y2p, deg8, Wfc,
                    jnp.tile(b2, 8).reshape(1, 128),
                    jnp.tile(bfc, 8).reshape(1, 16))
    return out.reshape(NPAD, 2)[:N]

# --- scband reference (transcript-rebuilt; emitter-appended) ---
"""Pipeline reference for scband-simple-gnn-34514357190756 (READ-ONLY COPY).

The authoritative reference and input builder live on the scoring server;
editing this copy changes nothing except your own understanding.
"""

import jax, jax.numpy as jnp
import numpy as np

N_NODES = 10000
N_EDGES = 160000
D_FEAT = 256
H1 = 32
H2 = 16
OUT = 2


def setup_inputs(seed: int = 0) -> dict:
    key = jax.random.key(seed)
    ks = jax.random.split(key, 8)
    x = jax.random.normal(ks[0], (N_NODES, D_FEAT), dtype=jnp.float32)
    edge_index = jax.random.randint(ks[1], (2, N_EDGES), 0, N_NODES, dtype=jnp.int64)
    W1 = jax.random.normal(ks[2], (D_FEAT, H1), dtype=jnp.float32) * (1.0 / np.sqrt(D_FEAT))
    b1 = jnp.zeros((H1,), dtype=jnp.float32)
    W2 = jax.random.normal(ks[3], (H1, H2), dtype=jnp.float32) * (1.0 / np.sqrt(H1))
    b2 = jnp.zeros((H2,), dtype=jnp.float32)
    Wfc = jax.random.normal(ks[4], (H2, OUT), dtype=jnp.float32) * (1.0 / np.sqrt(H2))
    bfc = jnp.zeros((OUT,), dtype=jnp.float32)
    return {"x": x, "edge_index": edge_index, "W1": W1, "b1": b1, "W2": W2, "b2": b2, "Wfc": Wfc, "bfc": bfc}


def _gcn_conv(x, edge_index, W, b, num_nodes):
    # x' = D^{-1/2} (A + I) D^{-1/2} X W + b  (PyG GCNConv semantics, add_self_loops=True)
    xw = x @ W
    src = edge_index[0]
    dst = edge_index[1]
    loop = jnp.arange(num_nodes, dtype=src.dtype)
    src = jnp.concatenate([src, loop])
    dst = jnp.concatenate([dst, loop])
    deg = jnp.zeros((num_nodes,), dtype=xw.dtype).at[dst].add(1.0)
    dinv = jnp.where(deg > 0, 1.0 / jnp.sqrt(deg), 0.0)
    norm = dinv[src] * dinv[dst]
    msg = xw[src] * norm[:, None]
    out = jnp.zeros((num_nodes, xw.shape[1]), dtype=xw.dtype).at[dst].add(msg)
    return out + b


def reference(x, edge_index, W1, b1, W2, b2, Wfc, bfc):
    n = x.shape[0]
    h = _gcn_conv(x, edge_index, W1, b1, n)
    h = jax.nn.relu(h)
    # dropout p=0.2 is identity in eval mode (self.training == False)
    h = _gcn_conv(h, edge_index, W2, b2, n)
    h = h @ Wfc + bfc
    return jax.nn.log_softmax(h, axis=1)

if __name__ == "__main__":
    import jax
    _d = setup_inputs()
    print(jax.jit(kernel)(*tuple(_d.values())))

</pallas_src>

<mosaic_0001>
#map = affine_map<(d0, d1) -> (0, 0, 0)>
#map1 = affine_map<(d0, d1) -> (0, 0)>
module attributes {stable_mosaic.version = 14 : i64} {
  func.func @_deg_body(%arg0: i32, %arg1: i32, %arg2: memref<32x10x512xi32, #tpu.memory_space<hbm>>, %arg3: memref<2x10240xf32, #tpu.memory_space<hbm>>, %arg4: memref<10x512xi32, #tpu.memory_space<vmem>>, %arg5: memref<512xf32, #tpu.memory_space<vmem>>, %arg6: memref<640xf32, #tpu.memory_space<vmem>>, %arg7: memref<10240xf32, #tpu.memory_space<vmem_shared>>) attributes {dimension_semantics = [#tpu.dimension_semantics<core_parallel>, #tpu.dimension_semantics<subcore_parallel>], iteration_bounds = array<i64: 2, 16>, scalar_prefetch = 0 : i64, scratch_operands = 4 : i64, tpu.core_type = #tpu.core_type<sc_vector_subcore>, window_params = [{transform_indices = #map}, {transform_indices = #map1}]} {
    %mul3A = arith.constant 2 : i32
    %mul3A_0 = arith.muli %arg1, %mul3A : i32
    %add3A = arith.addi %mul3A_0, %arg0 : i32
    "tpu.region"() ({
      %run_scoped3A = tpu.sem_alloc : memref<!tpu.dma_semaphore, #tpu.memory_space<semaphore_mem>>
      %dma_start3A = arith.constant 0 : i32
      %dma_start3A_28 = arith.constant 0 : i32
      %dma_start3A_29 = tpu.memref_slice %arg2[%add3A, %dma_start3A, %dma_start3A_28] : memref<32x10x512xi32, #tpu.memory_space<hbm>> -> memref<1x10x512xi32, #tpu.memory_space<hbm>>
      %dma_start3A_30 = tpu.memref_squeeze %dma_start3A_29 : memref<1x10x512xi32, #tpu.memory_space<hbm>> -> memref<10x512xi32, #tpu.memory_space<hbm>>
      %dma_start3A_31 = arith.constant 0 : i32
      %dma_start3A_32 = arith.constant 0 : i32
      %dma_start3A_33 = tpu.memref_slice %arg2[%add3A, %dma_start3A_31, %dma_start3A_32] : memref<32x10x512xi32, #tpu.memory_space<hbm>> -> memref<1x10x512xi32, #tpu.memory_space<hbm>>
      %dma_start3A_34 = tpu.memref_squeeze %dma_start3A_33 : memref<1x10x512xi32, #tpu.memory_space<hbm>> -> memref<10x512xi32, #tpu.memory_space<hbm>>
      tpu.enqueue_dma source(%dma_start3A_34 : memref<10x512xi32, #tpu.memory_space<hbm>>) target(%arg4 : memref<10x512xi32, #tpu.memory_space<vmem>>) target_semaphore(%run_scoped3A : memref<!tpu.dma_semaphore, #tpu.memory_space<semaphore_mem>>)
      %dma_wait3A = arith.constant 0 : i32
      %dma_wait3A_35 = arith.constant 0 : i32
      %dma_wait3A_36 = tpu.memref_slice %arg2[%add3A, %dma_wait3A, %dma_wait3A_35] : memref<32x10x512xi32, #tpu.memory_space<hbm>> -> memref<1x10x512xi32, #tpu.memory_space<hbm>>
      %dma_wait3A_37 = tpu.memref_squeeze %dma_wait3A_36 : memref<1x10x512xi32, #tpu.memory_space<hbm>> -> memref<10x512xi32, #tpu.memory_space<hbm>>
      %dma_wait3A_38 = arith.constant 0 : i32
      %dma_wait3A_39 = arith.constant 0 : i32
      %dma_wait3A_40 = tpu.memref_slice %arg2[%add3A, %dma_wait3A_38, %dma_wait3A_39] : memref<32x10x512xi32, #tpu.memory_space<hbm>> -> memref<1x10x512xi32, #tpu.memory_space<hbm>>
      %dma_wait3A_41 = tpu.memref_squeeze %dma_wait3A_40 : memref<1x10x512xi32, #tpu.memory_space<hbm>> -> memref<10x512xi32, #tpu.memory_space<hbm>>
      tpu.wait_dma2 semaphore(%run_scoped3A : memref<!tpu.dma_semaphore, #tpu.memory_space<semaphore_mem>>) src(%dma_wait3A_41 : memref<10x512xi32, #tpu.memory_space<hbm>>) dst(%arg4 : memref<10x512xi32, #tpu.memory_space<vmem>>)
      tpu.yield
    }) : () -> ()
    %scan3A = arith.constant 0 : i32
    %scan3A_1 = arith.constant 0 : i32
    %scan3A_2 = arith.constant 32 : i32
    %scan3A_3 = arith.addi %scan3A_1, %scan3A_2 : i32
    %scan3A_4 = arith.constant 1 : i32
    %scan3A_5 = scf.for %scan3A_28 = %scan3A_1 to %scan3A_3 step %scan3A_4 iter_args(%scan3A_29 = %scan3A) -> (i32)  : i32 {
      %broadcast_in_dim3A = arith.constant 1.000000e+00 : f32
      %broadcast_in_dim3A_30 = vector.broadcast %broadcast_in_dim3A : f32 to vector<16xf32>
      %mul3A_31 = arith.constant 16 : i32
      %mul3A_32 = arith.muli %scan3A_28, %mul3A_31 : i32
      %swap3A = arith.index_cast %mul3A_32 : i32 to index
      %swap3A_33 = tpu.vector_load %arg5[%swap3A] {strides = array<i32>} : memref<512xf32, #tpu.memory_space<vmem>>, vector<16xf32>,
      %swap3A_34 = vector.shape_cast %swap3A_33 : vector<16xf32> to vector<16xf32>
      %swap3A_35 = vector.shape_cast %broadcast_in_dim3A_30 : vector<16xf32> to vector<16xf32>
      tpu.vector_store %arg5[%swap3A], %swap3A_35 {strides = array<i32>} : memref<512xf32, #tpu.memory_space<vmem>>, vector<16xf32>,
      %scan3A_36 = arith.constant 0 : i32
      scf.yield %scan3A_36 : i32
    }
    %scan3A_6 = arith.constant 32 : i32
    %scan3A_7 = arith.constant 0 : i32
    %scan3A_8 = arith.constant 0 : i32
    %scan3A_9 = arith.constant 40 : i32
    %scan3A_10 = arith.addi %scan3A_8, %scan3A_9 : i32
    %scan3A_11 = arith.constant 1 : i32
    %scan3A_12 = scf.for %scan3A_28 = %scan3A_8 to %scan3A_10 step %scan3A_11 iter_args(%scan3A_29 = %scan3A_7) -> (i32)  : i32 {
      %broadcast_in_dim3A = arith.constant 0.000000e+00 : f32
      %broadcast_in_dim3A_30 = vector.broadcast %broadcast_in_dim3A : f32 to vector<16xf32>
      %mul3A_31 = arith.constant 16 : i32
      %mul3A_32 = arith.muli %scan3A_28, %mul3A_31 : i32
      %swap3A = arith.index_cast %mul3A_32 : i32 to index
      %swap3A_33 = tpu.vector_load %arg6[%swap3A] {strides = array<i32>} : memref<640xf32, #tpu.memory_space<vmem>>, vector<16xf32>,
      %swap3A_34 = vector.shape_cast %swap3A_33 : vector<16xf32> to vector<16xf32>
      %swap3A_35 = vector.shape_cast %broadcast_in_dim3A_30 : vector<16xf32> to vector<16xf32>
      tpu.vector_store %arg6[%swap3A], %swap3A_35 {strides = array<i32>} : memref<640xf32, #tpu.memory_space<vmem>>, vector<16xf32>,
      %scan3A_36 = arith.constant 0 : i32
      scf.yield %scan3A_36 : i32
    }
    %scan3A_13 = arith.constant 40 : i32
    %mul3A_14 = arith.constant 640 : i32
    %mul3A_15 = arith.muli %arg1, %mul3A_14 : i32
    "tpu.region"() ({
      %run_scoped3A = tpu.sem_alloc : memref<!tpu.dma_semaphore, #tpu.memory_space<semaphore_mem>>
      %dma_start3A = tpu.memref_slice %arg7[%mul3A_15] : memref<10240xf32, #tpu.memory_space<vmem_shared>> -> memref<640xf32, #tpu.memory_space<vmem_shared>>
      %dma_start3A_28 = tpu.memref_slice %arg7[%mul3A_15] : memref<10240xf32, #tpu.memory_space<vmem_shared>> -> memref<640xf32, #tpu.memory_space<vmem_shared>>
      tpu.enqueue_dma source(%arg6 : memref<640xf32, #tpu.memory_space<vmem>>) target(%dma_start3A_28 : memref<640xf32, #tpu.memory_space<vmem_shared>>) target_semaphore(%run_scoped3A : memref<!tpu.dma_semaphore, #tpu.memory_space<semaphore_mem>>)
      %dma_wait3A = tpu.memref_slice %arg7[%mul3A_15] : memref<10240xf32, #tpu.memory_space<vmem_shared>> -> memref<640xf32, #tpu.memory_space<vmem_shared>>
      %dma_wait3A_29 = tpu.memref_slice %arg7[%mul3A_15] : memref<10240xf32, #tpu.memory_space<vmem_shared>> -> memref<640xf32, #tpu.memory_space<vmem_shared>>
      tpu.wait_dma2 semaphore(%run_scoped3A : memref<!tpu.dma_semaphore, #tpu.memory_space<semaphore_mem>>) src(%arg6 : memref<640xf32, #tpu.memory_space<vmem>>) dst(%dma_wait3A_29 : memref<640xf32, #tpu.memory_space<vmem_shared>>)
      tpu.yield
    }) : () -> ()
    %barrier3A = arith.constant 0 : index
    tpu.barrier barrier_id(%barrier3A)
    %scan3A_16 = arith.constant 0 : i32
    %scan3A_17 = arith.constant 0 : i32
    %scan3A_18 = arith.constant 10 : i32
    %scan3A_19 = arith.addi %scan3A_17, %scan3A_18 : i32
    %scan3A_20 = arith.constant 1 : i32
    %scan3A_21 = scf.for %scan3A_28 = %scan3A_17 to %scan3A_19 step %scan3A_20 iter_args(%scan3A_29 = %scan3A_16) -> (i32)  : i32 {
      "tpu.region"() ({
        %run_scoped3A = tpu.sem_alloc : memref<!tpu.dma_semaphore, #tpu.memory_space<semaphore_mem>>
        %dma_start3A = arith.constant 0 : i32
        %dma_start3A_31 = tpu.memref_slice %arg4[%scan3A_28, %dma_start3A] : memref<10x512xi32, #tpu.memory_space<vmem>> -> memref<1x512xi32, #tpu.memory_space<vmem>>
        %dma_start3A_32 = tpu.memref_squeeze %dma_start3A_31 : memref<1x512xi32, #tpu.memory_space<vmem>> -> memref<512xi32, #tpu.memory_space<vmem>>
        %dma_start3A_33 = arith.constant 0 : i32
        %dma_start3A_34 = tpu.memref_slice %arg7[%dma_start3A_33] : memref<10240xf32, #tpu.memory_space<vmem_shared>> -> memref<10240xf32, #tpu.memory_space<vmem_shared>>
        tpu.enqueue_indirect_dma source(%arg5 : memref<512xf32, #tpu.memory_space<vmem>>) target(%dma_start3A_34 : memref<10240xf32, #tpu.memory_space<vmem_shared>>) offsets(%dma_start3A_32 : memref<512xi32, #tpu.memory_space<vmem>>) semaphore(%run_scoped3A : memref<!tpu.dma_semaphore, #tpu.memory_space<semaphore_mem>>) {add = true}
        %dma_wait3A = arith.constant 0 : i32
        %dma_wait3A_35 = tpu.memref_slice %arg4[%scan3A_28, %dma_wait3A] : memref<10x512xi32, #tpu.memory_space<vmem>> -> memref<1x512xi32, #tpu.memory_space<vmem>>
        %dma_wait3A_36 = tpu.memref_squeeze %dma_wait3A_35 : memref<1x512xi32, #tpu.memory_space<vmem>> -> memref<512xi32, #tpu.memory_space<vmem>>
        %dma_wait3A_37 = arith.constant 0 : i32
        %dma_wait3A_38 = tpu.memref_slice %arg7[%dma_wait3A_37] : memref<10240xf32, #tpu.memory_space<vmem_shared>> -> memref<10240xf32, #tpu.memory_space<vmem_shared>>
        tpu.wait_indirect_dma semaphore(%run_scoped3A : memref<!tpu.dma_semaphore, #tpu.memory_space<semaphore_mem>>) src(%arg5 : memref<512xf32, #tpu.memory_space<vmem>>) dst(%dma_wait3A_38 : memref<10240xf32, #tpu.memory_space<vmem_shared>>)
        tpu.yield
      }) : () -> ()
      %scan3A_30 = arith.constant 0 : i32
      scf.yield %scan3A_30 : i32
    }
    %scan3A_22 = arith.constant 10 : i32
    %barrier3A_23 = arith.constant 0 : index
    tpu.barrier barrier_id(%barrier3A_23)
    %mul3A_24 = arith.constant 640 : i32
    %mul3A_25 = arith.muli %arg1, %mul3A_24 : i32
    %mul3A_26 = arith.constant 640 : i32
    %mul3A_27 = arith.muli %arg1, %mul3A_26 : i32
    "tpu.region"() ({
      %run_scoped3A = tpu.sem_alloc : memref<!tpu.dma_semaphore, #tpu.memory_space<semaphore_mem>>
      %dma_start3A = tpu.memref_slice %arg3[%arg0, %mul3A_27] : memref<2x10240xf32, #tpu.memory_space<hbm>> -> memref<1x640xf32, #tpu.memory_space<hbm>>
      %dma_start3A_28 = tpu.memref_squeeze %dma_start3A : memref<1x640xf32, #tpu.memory_space<hbm>> -> memref<640xf32, #tpu.memory_space<hbm>>
      %dma_start3A_29 = tpu.memref_slice %arg7[%mul3A_25] : memref<10240xf32, #tpu.memory_space<vmem_shared>> -> memref<640xf32, #tpu.memory_space<vmem_shared>>
      tpu.enqueue_dma source(%dma_start3A_29 : memref<640xf32, #tpu.memory_space<vmem_shared>>) target(%dma_start3A_28 : memref<640xf32, #tpu.memory_space<hbm>>) target_semaphore(%run_scoped3A : memref<!tpu.dma_semaphore, #tpu.memory_space<semaphore_mem>>)
      %dma_wait3A = tpu.memref_slice %arg3[%arg0, %mul3A_27] : memref<2x10240xf32, #tpu.memory_space<hbm>> -> memref<1x640xf32, #tpu.memory_space<hbm>>
      %dma_wait3A_30 = tpu.memref_squeeze %dma_wait3A : memref<1x640xf32, #tpu.memory_space<hbm>> -> memref<640xf32, #tpu.memory_space<hbm>>
      %dma_wait3A_31 = tpu.memref_slice %arg7[%mul3A_25] : memref<10240xf32, #tpu.memory_space<vmem_shared>> -> memref<640xf32, #tpu.memory_space<vmem_shared>>
      tpu.wait_dma2 semaphore(%run_scoped3A : memref<!tpu.dma_semaphore, #tpu.memory_space<semaphore_mem>>) src(%dma_wait3A_31 : memref<640xf32, #tpu.memory_space<vmem_shared>>) dst(%dma_wait3A_30 : memref<640xf32, #tpu.memory_space<hbm>>)
      tpu.yield
    }) : () -> ()
    return
  }
}

#map = affine_map<(d0, d1) -> (0, 0)>
#map1 = affine_map<(d0, d1) -> (0, 0, 0)>
module attributes {stable_mosaic.version = 14 : i64} {
  func.func @_agg_body(%arg0: i32, %arg1: i32, %arg2: memref<10240x16xf32, #tpu.memory_space<hbm>>, %arg3: memref<32x10x512xi32, #tpu.memory_space<hbm>>, %arg4: memref<32x10x512xi32, #tpu.memory_space<hbm>>, %arg5: memref<2x10240x16xf32, #tpu.memory_space<hbm>>, %arg6: memref<10x512xi32, #tpu.memory_space<vmem>>, %arg7: memref<10x512xi32, #tpu.memory_space<vmem>>, %arg8: memref<512x16xf32, #tpu.memory_space<vmem>>, %arg9: memref<512x16xf32, #tpu.memory_space<vmem>>, %arg10: memref<512x16xf32, #tpu.memory_space<vmem>>, %arg11: memref<512x16xf32, #tpu.memory_space<vmem>>, %arg12: memref<512x16xf32, #tpu.memory_space<vmem>>, %arg13: memref<128x16xf32, #tpu.memory_space<vmem>>, %arg14: memref<10240x16xf32, #tpu.memory_space<vmem_shared>>, %arg15: memref<!tpu.dma_semaphore, #tpu.memory_space<semaphore_mem>>, %arg16: memref<!tpu.dma_semaphore, #tpu.memory_space<semaphore_mem>>, %arg17: memref<!tpu.dma_semaphore, #tpu.memory_space<semaphore_mem>>, %arg18: memref<!tpu.dma_semaphore, #tpu.memory_space<semaphore_mem>>, %arg19: memref<!tpu.dma_semaphore, #tpu.memory_space<semaphore_mem>>, %arg20: memref<!tpu.dma_semaphore, #tpu.memory_space<semaphore_mem>>, %arg21: memref<!tpu.dma_semaphore, #tpu.memory_space<semaphore_mem>>, %arg22: memref<!tpu.dma_semaphore, #tpu.memory_space<semaphore_mem>>, %arg23: memref<!tpu.dma_semaphore, #tpu.memory_space<semaphore_mem>>, %arg24: memref<!tpu.dma_semaphore, #tpu.memory_space<semaphore_mem>>, %arg25: memref<!tpu.dma_semaphore, #tpu.memory_space<semaphore_mem>>) attributes {dimension_semantics = [#tpu.dimension_semantics<core_parallel>, #tpu.dimension_semantics<subcore_parallel>], iteration_bounds = array<i64: 2, 16>, scalar_prefetch = 0 : i64, scratch_operands = 20 : i64, tpu.core_type = #tpu.core_type<sc_vector_subcore>, window_params = [{transform_indices = #map}, {transform_indices = #map1}, {transform_indices = #map1}, {transform_indices = #map1}]} {
    %mul3A = arith.constant 2 : i32
    %mul3A_0 = arith.muli %arg1, %mul3A : i32
    %add3A = arith.addi %mul3A_0, %arg0 : i32
    %dma_start3A = arith.constant 0 : i32
    %dma_start3A_1 = arith.constant 0 : i32
    %dma_start3A_2 = tpu.memref_slice %arg3[%add3A, %dma_start3A, %dma_start3A_1] : memref<32x10x512xi32, #tpu.memory_space<hbm>> -> memref<1x10x512xi32, #tpu.memory_space<hbm>>
    %dma_start3A_3 = tpu.memref_squeeze %dma_start3A_2 : memref<1x10x512xi32, #tpu.memory_space<hbm>> -> memref<10x512xi32, #tpu.memory_space<hbm>>
    %dma_start3A_4 = arith.constant 0 : i32
    %dma_start3A_5 = arith.constant 0 : i32
    %dma_start3A_6 = tpu.memref_slice %arg3[%add3A, %dma_start3A_4, %dma_start3A_5] : memref<32x10x512xi32, #tpu.memory_space<hbm>> -> memref<1x10x512xi32, #tpu.memory_space<hbm>>
    %dma_start3A_7 = tpu.memref_squeeze %dma_start3A_6 : memref<1x10x512xi32, #tpu.memory_space<hbm>> -> memref<10x512xi32, #tpu.memory_space<hbm>>
    tpu.enqueue_dma source(%dma_start3A_7 : memref<10x512xi32, #tpu.memory_space<hbm>>) target(%arg6 : memref<10x512xi32, #tpu.memory_space<vmem>>) target_semaphore(%arg25 : memref<!tpu.dma_semaphore, #tpu.memory_space<semaphore_mem>>)
    %dma_start3A_8 = arith.constant 0 : i32
    %dma_start3A_9 = arith.constant 0 : i32
    %dma_start3A_10 = tpu.memref_slice %arg4[%add3A, %dma_start3A_8, %dma_start3A_9] : memref<32x10x512xi32, #tpu.memory_space<hbm>> -> memref<1x10x512xi32, #tpu.memory_space<hbm>>
    %dma_start3A_11 = tpu.memref_squeeze %dma_start3A_10 : memref<1x10x512xi32, #tpu.memory_space<hbm>> -> memref<10x512xi32, #tpu.memory_space<hbm>>
    %dma_start3A_12 = arith.constant 0 : i32
    %dma_start3A_13 = arith.constant 0 : i32
    %dma_start3A_14 = tpu.memref_slice %arg4[%add3A, %dma_start3A_12, %dma_start3A_13] : memref<32x10x512xi32, #tpu.memory_space<hbm>> -> memref<1x10x512xi32, #tpu.memory_space<hbm>>
    %dma_start3A_15 = tpu.memref_squeeze %dma_start3A_14 : memref<1x10x512xi32, #tpu.memory_space<hbm>> -> memref<10x512xi32, #tpu.memory_space<hbm>>
    tpu.enqueue_dma source(%dma_start3A_15 : memref<10x512xi32, #tpu.memory_space<hbm>>) target(%arg7 : memref<10x512xi32, #tpu.memory_space<vmem>>) target_semaphore(%arg25 : memref<!tpu.dma_semaphore, #tpu.memory_space<semaphore_mem>>)
    %scan3A = arith.constant 0 : i32
    %scan3A_16 = arith.constant 0 : i32
    %scan3A_17 = arith.constant 128 : i32
    %scan3A_18 = arith.addi %scan3A_16, %scan3A_17 : i32
    %scan3A_19 = arith.constant 1 : i32
    %scan3A_20 = scf.for %scan3A_342 = %scan3A_16 to %scan3A_18 step %scan3A_19 iter_args(%scan3A_343 = %scan3A) -> (i32)  : i32 {
      %broadcast_in_dim3A = arith.constant 0.000000e+00 : f32
      %broadcast_in_dim3A_344 = vector.broadcast %broadcast_in_dim3A : f32 to vector<16xf32>
      %swap3A = arith.index_cast %scan3A_342 : i32 to index
      %swap3A_345 = arith.constant 0 : index
      %swap3A_346 = tpu.vector_load %arg13[%swap3A, %swap3A_345] {strides = array<i32>} : memref<128x16xf32, #tpu.memory_space<vmem>>, vector<1x16xf32>,
      %swap3A_347 = vector.shape_cast %swap3A_346 : vector<1x16xf32> to vector<16xf32>
      %swap3A_348 = vector.shape_cast %broadcast_in_dim3A_344 : vector<16xf32> to vector<1x16xf32>
      tpu.vector_store %arg13[%swap3A, %swap3A_345], %swap3A_348 {strides = array<i32>} : memref<128x16xf32, #tpu.memory_space<vmem>>, vector<1x16xf32>,
      %scan3A_349 = arith.constant 0 : i32
      scf.yield %scan3A_349 : i32
    }
    %scan3A_21 = arith.constant 128 : i32
    %mul3A_22 = arith.constant 640 : i32
    %mul3A_23 = arith.muli %arg1, %mul3A_22 : i32
    %add3A_24 = arith.constant 0 : i32
    %add3A_25 = arith.addi %mul3A_23, %add3A_24 : i32
    "tpu.region"() ({
      %run_scoped3A = tpu.sem_alloc : memref<!tpu.dma_semaphore, #tpu.memory_space<semaphore_mem>>
      %dma_start3A_342 = arith.constant 0 : i32
      %dma_start3A_343 = tpu.memref_slice %arg14[%add3A_25, %dma_start3A_342] : memref<10240x16xf32, #tpu.memory_space<vmem_shared>> -> memref<128x16xf32, #tpu.memory_space<vmem_shared>>
      %dma_start3A_344 = arith.constant 0 : i32
      %dma_start3A_345 = tpu.memref_slice %arg14[%add3A_25, %dma_start3A_344] : memref<10240x16xf32, #tpu.memory_space<vmem_shared>> -> memref<128x16xf32, #tpu.memory_space<vmem_shared>>
      tpu.enqueue_dma source(%arg13 : memref<128x16xf32, #tpu.memory_space<vmem>>) target(%dma_start3A_345 : memref<128x16xf32, #tpu.memory_space<vmem_shared>>) target_semaphore(%run_scoped3A : memref<!tpu.dma_semaphore, #tpu.memory_space<semaphore_mem>>)
      %dma_wait3A_346 = arith.constant 0 : i32
      %dma_wait3A_347 = tpu.memref_slice %arg14[%add3A_25, %dma_wait3A_346] : memref<10240x16xf32, #tpu.memory_space<vmem_shared>> -> memref<128x16xf32, #tpu.memory_space<vmem_shared>>
      %dma_wait3A_348 = arith.constant 0 : i32
      %dma_wait3A_349 = tpu.memref_slice %arg14[%add3A_25, %dma_wait3A_348] : memref<10240x16xf32, #tpu.memory_space<vmem_shared>> -> memref<128x16xf32, #tpu.memory_space<vmem_shared>>
      tpu.wait_dma2 semaphore(%run_scoped3A : memref<!tpu.dma_semaphore, #tpu.memory_space<semaphore_mem>>) src(%arg13 : memref<128x16xf32, #tpu.memory_space<vmem>>) dst(%dma_wait3A_349 : memref<128x16xf32, #tpu.memory_space<vmem_shared>>)
      tpu.yield
    }) : () -> ()
    %mul3A_26 = arith.constant 640 : i32
    %mul3A_27 = arith.muli %arg1, %mul3A_26 : i32
    %add3A_28 = arith.constant 128 : i32
    %add3A_29 = arith.addi %mul3A_27, %add3A_28 : i32
    "tpu.region"() ({
      %run_scoped3A = tpu.sem_alloc : memref<!tpu.dma_semaphore, #tpu.memory_space<semaphore_mem>>
      %dma_start3A_342 = arith.constant 0 : i32
      %dma_start3A_343 = tpu.memref_slice %arg14[%add3A_29, %dma_start3A_342] : memref<10240x16xf32, #tpu.memory_space<vmem_shared>> -> memref<128x16xf32, #tpu.memory_space<vmem_shared>>
      %dma_start3A_344 = arith.constant 0 : i32
      %dma_start3A_345 = tpu.memref_slice %arg14[%add3A_29, %dma_start3A_344] : memref<10240x16xf32, #tpu.memory_space<vmem_shared>> -> memref<128x16xf32, #tpu.memory_space<vmem_shared>>
      tpu.enqueue_dma source(%arg13 : memref<128x16xf32, #tpu.memory_space<vmem>>) target(%dma_start3A_345 : memref<128x16xf32, #tpu.memory_space<vmem_shared>>) target_semaphore(%run_scoped3A : memref<!tpu.dma_semaphore, #tpu.memory_space<semaphore_mem>>)
      %dma_wait3A_346 = arith.constant 0 : i32
      %dma_wait3A_347 = tpu.memref_slice %arg14[%add3A_29, %dma_wait3A_346] : memref<10240x16xf32, #tpu.memory_space<vmem_shared>> -> memref<128x16xf32, #tpu.memory_space<vmem_shared>>
      %dma_wait3A_348 = arith.constant 0 : i32
      %dma_wait3A_349 = tpu.memref_slice %arg14[%add3A_29, %dma_wait3A_348] : memref<10240x16xf32, #tpu.memory_space<vmem_shared>> -> memref<128x16xf32, #tpu.memory_space<vmem_shared>>
      tpu.wait_dma2 semaphore(%run_scoped3A : memref<!tpu.dma_semaphore, #tpu.memory_space<semaphore_mem>>) src(%arg13 : memref<128x16xf32, #tpu.memory_space<vmem>>) dst(%dma_wait3A_349 : memref<128x16xf32, #tpu.memory_space<vmem_shared>>)
      tpu.yield
    }) : () -> ()
    %mul3A_30 = arith.constant 640 : i32
    %mul3A_31 = arith.muli %arg1, %mul3A_30 : i32
    %add3A_32 = arith.constant 256 : i32
    %add3A_33 = arith.addi %mul3A_31, %add3A_32 : i32
    "tpu.region"() ({
      %run_scoped3A = tpu.sem_alloc : memref<!tpu.dma_semaphore, #tpu.memory_space<semaphore_mem>>
      %dma_start3A_342 = arith.constant 0 : i32
      %dma_start3A_343 = tpu.memref_slice %arg14[%add3A_33, %dma_start3A_342] : memref<10240x16xf32, #tpu.memory_space<vmem_shared>> -> memref<128x16xf32, #tpu.memory_space<vmem_shared>>
      %dma_start3A_344 = arith.constant 0 : i32
      %dma_start3A_345 = tpu.memref_slice %arg14[%add3A_33, %dma_start3A_344] : memref<10240x16xf32, #tpu.memory_space<vmem_shared>> -> memref<128x16xf32, #tpu.memory_space<vmem_shared>>
      tpu.enqueue_dma source(%arg13 : memref<128x16xf32, #tpu.memory_space<vmem>>) target(%dma_start3A_345 : memref<128x16xf32, #tpu.memory_space<vmem_shared>>) target_semaphore(%run_scoped3A : memref<!tpu.dma_semaphore, #tpu.memory_space<semaphore_mem>>)
      %dma_wait3A_346 = arith.constant 0 : i32
      %dma_wait3A_347 = tpu.memref_slice %arg14[%add3A_33, %dma_wait3A_346] : memref<10240x16xf32, #tpu.memory_space<vmem_shared>> -> memref<128x16xf32, #tpu.memory_space<vmem_shared>>
      %dma_wait3A_348 = arith.constant 0 : i32
      %dma_wait3A_349 = tpu.memref_slice %arg14[%add3A_33, %dma_wait3A_348] : memref<10240x16xf32, #tpu.memory_space<vmem_shared>> -> memref<128x16xf32, #tpu.memory_space<vmem_shared>>
      tpu.wait_dma2 semaphore(%run_scoped3A : memref<!tpu.dma_semaphore, #tpu.memory_space<semaphore_mem>>) src(%arg13 : memref<128x16xf32, #tpu.memory_space<vmem>>) dst(%dma_wait3A_349 : memref<128x16xf32, #tpu.memory_space<vmem_shared>>)
      tpu.yield
    }) : () -> ()
    %mul3A_34 = arith.constant 640 : i32
    %mul3A_35 = arith.muli %arg1, %mul3A_34 : i32
    %add3A_36 = arith.constant 384 : i32
    %add3A_37 = arith.addi %mul3A_35, %add3A_36 : i32
    "tpu.region"() ({
      %run_scoped3A = tpu.sem_alloc : memref<!tpu.dma_semaphore, #tpu.memory_space<semaphore_mem>>
      %dma_start3A_342 = arith.constant 0 : i32
      %dma_start3A_343 = tpu.memref_slice %arg14[%add3A_37, %dma_start3A_342] : memref<10240x16xf32, #tpu.memory_space<vmem_shared>> -> memref<128x16xf32, #tpu.memory_space<vmem_shared>>
      %dma_start3A_344 = arith.constant 0 : i32
      %dma_start3A_345 = tpu.memref_slice %arg14[%add3A_37, %dma_start3A_344] : memref<10240x16xf32, #tpu.memory_space<vmem_shared>> -> memref<128x16xf32, #tpu.memory_space<vmem_shared>>
      tpu.enqueue_dma source(%arg13 : memref<128x16xf32, #tpu.memory_space<vmem>>) target(%dma_start3A_345 : memref<128x16xf32, #tpu.memory_space<vmem_shared>>) target_semaphore(%run_scoped3A : memref<!tpu.dma_semaphore, #tpu.memory_space<semaphore_mem>>)
      %dma_wait3A_346 = arith.constant 0 : i32
      %dma_wait3A_347 = tpu.memref_slice %arg14[%add3A_37, %dma_wait3A_346] : memref<10240x16xf32, #tpu.memory_space<vmem_shared>> -> memref<128x16xf32, #tpu.memory_space<vmem_shared>>
      %dma_wait3A_348 = arith.constant 0 : i32
      %dma_wait3A_349 = tpu.memref_slice %arg14[%add3A_37, %dma_wait3A_348] : memref<10240x16xf32, #tpu.memory_space<vmem_shared>> -> memref<128x16xf32, #tpu.memory_space<vmem_shared>>
      tpu.wait_dma2 semaphore(%run_scoped3A : memref<!tpu.dma_semaphore, #tpu.memory_space<semaphore_mem>>) src(%arg13 : memref<128x16xf32, #tpu.memory_space<vmem>>) dst(%dma_wait3A_349 : memref<128x16xf32, #tpu.memory_space<vmem_shared>>)
      tpu.yield
    }) : () -> ()
    %mul3A_38 = arith.constant 640 : i32
    %mul3A_39 = arith.muli %arg1, %mul3A_38 : i32
    %add3A_40 = arith.constant 512 : i32
    %add3A_41 = arith.addi %mul3A_39, %add3A_40 : i32
    "tpu.region"() ({
      %run_scoped3A = tpu.sem_alloc : memref<!tpu.dma_semaphore, #tpu.memory_space<semaphore_mem>>
      %dma_start3A_342 = arith.constant 0 : i32
      %dma_start3A_343 = tpu.memref_slice %arg14[%add3A_41, %dma_start3A_342] : memref<10240x16xf32, #tpu.memory_space<vmem_shared>> -> memref<128x16xf32, #tpu.memory_space<vmem_shared>>
      %dma_start3A_344 = arith.constant 0 : i32
      %dma_start3A_345 = tpu.memref_slice %arg14[%add3A_41, %dma_start3A_344] : memref<10240x16xf32, #tpu.memory_space<vmem_shared>> -> memref<128x16xf32, #tpu.memory_space<vmem_shared>>
      tpu.enqueue_dma source(%arg13 : memref<128x16xf32, #tpu.memory_space<vmem>>) target(%dma_start3A_345 : memref<128x16xf32, #tpu.memory_space<vmem_shared>>) target_semaphore(%run_scoped3A : memref<!tpu.dma_semaphore, #tpu.memory_space<semaphore_mem>>)
      %dma_wait3A_346 = arith.constant 0 : i32
      %dma_wait3A_347 = tpu.memref_slice %arg14[%add3A_41, %dma_wait3A_346] : memref<10240x16xf32, #tpu.memory_space<vmem_shared>> -> memref<128x16xf32, #tpu.memory_space<vmem_shared>>
      %dma_wait3A_348 = arith.constant 0 : i32
      %dma_wait3A_349 = tpu.memref_slice %arg14[%add3A_41, %dma_wait3A_348] : memref<10240x16xf32, #tpu.memory_space<vmem_shared>> -> memref<128x16xf32, #tpu.memory_space<vmem_shared>>
      tpu.wait_dma2 semaphore(%run_scoped3A : memref<!tpu.dma_semaphore, #tpu.memory_space<semaphore_mem>>) src(%arg13 : memref<128x16xf32, #tpu.memory_space<vmem>>) dst(%dma_wait3A_349 : memref<128x16xf32, #tpu.memory_space<vmem_shared>>)
      tpu.yield
    }) : () -> ()
    %dma_wait3A = arith.constant 0 : i32
    %dma_wait3A_42 = arith.constant 0 : i32
    %dma_wait3A_43 = tpu.memref_slice %arg3[%add3A, %dma_wait3A, %dma_wait3A_42] : memref<32x10x512xi32, #tpu.memory_space<hbm>> -> memref<1x10x512xi32, #tpu.memory_space<hbm>>
    %dma_wait3A_44 = tpu.memref_squeeze %dma_wait3A_43 : memref<1x10x512xi32, #tpu.memory_space<hbm>> -> memref<10x512xi32, #tpu.memory_space<hbm>>
    %dma_wait3A_45 = arith.constant 0 : i32
    %dma_wait3A_46 = arith.constant 0 : i32
    %dma_wait3A_47 = tpu.memref_slice %arg3[%add3A, %dma_wait3A_45, %dma_wait3A_46] : memref<32x10x512xi32, #tpu.memory_space<hbm>> -> memref<1x10x512xi32, #tpu.memory_space<hbm>>
    %dma_wait3A_48 = tpu.memref_squeeze %dma_wait3A_47 : memref<1x10x512xi32, #tpu.memory_space<hbm>> -> memref<10x512xi32, #tpu.memory_space<hbm>>
    tpu.wait_dma2 semaphore(%arg25 : memref<!tpu.dma_semaphore, #tpu.memory_space<semaphore_mem>>) src(%dma_wait3A_48 : memref<10x512xi32, #tpu.memory_space<hbm>>) dst(%arg6 : memref<10x512xi32, #tpu.memory_space<vmem>>)
    %dma_wait3A_49 = arith.constant 0 : i32
    %dma_wait3A_50 = arith.constant 0 : i32
    %dma_wait3A_51 = tpu.memref_slice %arg4[%add3A, %dma_wait3A_49, %dma_wait3A_50] : memref<32x10x512xi32, #tpu.memory_space<hbm>> -> memref<1x10x512xi32, #tpu.memory_space<hbm>>
    %dma_wait3A_52 = tpu.memref_squeeze %dma_wait3A_51 : memref<1x10x512xi32, #tpu.memory_space<hbm>> -> memref<10x512xi32, #tpu.memory_space<hbm>>
    %dma_wait3A_53 = arith.constant 0 : i32
    %dma_wait3A_54 = arith.constant 0 : i32
    %dma_wait3A_55 = tpu.memref_slice %arg4[%add3A, %dma_wait3A_53, %dma_wait3A_54] : memref<32x10x512xi32, #tpu.memory_space<hbm>> -> memref<1x10x512xi32, #tpu.memory_space<hbm>>
    %dma_wait3A_56 = tpu.memref_squeeze %dma_wait3A_55 : memref<1x10x512xi32, #tpu.memory_space<hbm>> -> memref<10x512xi32, #tpu.memory_space<hbm>>
    tpu.wait_dma2 semaphore(%arg25 : memref<!tpu.dma_semaphore, #tpu.memory_space<semaphore_mem>>) src(%dma_wait3A_56 : memref<10x512xi32, #tpu.memory_space<hbm>>) dst(%arg7 : memref<10x512xi32, #tpu.memory_space<vmem>>)
    %barrier3A = arith.constant 0 : index
    tpu.barrier barrier_id(%barrier3A)
    %dma_start3A_57 = arith.constant 0 : i32
    %dma_start3A_58 = arith.constant 0 : i32
    %dma_start3A_59 = tpu.memref_slice %arg6[%dma_start3A_57, %dma_start3A_58] : memref<10x512xi32, #tpu.memory_space<vmem>> -> memref<1x512xi32, #tpu.memory_space<vmem>>
    %dma_start3A_60 = tpu.memref_squeeze %dma_start3A_59 : memref<1x512xi32, #tpu.memory_space<vmem>> -> memref<512xi32, #tpu.memory_space<vmem>>
    %dma_start3A_61 = arith.constant 0 : i32
    %dma_start3A_62 = arith.constant 0 : i32
    %dma_start3A_63 = tpu.memref_slice %arg2[%dma_start3A_61, %dma_start3A_62] : memref<10240x16xf32, #tpu.memory_space<hbm>> -> memref<10240x16xf32, #tpu.memory_space<hbm>>
    tpu.enqueue_indirect_dma source(%dma_start3A_63 : memref<10240x16xf32, #tpu.memory_space<hbm>>) target(%arg8 : memref<512x16xf32, #tpu.memory_space<vmem>>) offsets(%dma_start3A_60 : memref<512xi32, #tpu.memory_space<vmem>>) semaphore(%arg15 : memref<!tpu.dma_semaphore, #tpu.memory_space<semaphore_mem>>)
    %dma_start3A_64 = arith.constant 1 : i32
    %dma_start3A_65 = arith.constant 0 : i32
    %dma_start3A_66 = tpu.memref_slice %arg6[%dma_start3A_64, %dma_start3A_65] : memref<10x512xi32, #tpu.memory_space<vmem>> -> memref<1x512xi32, #tpu.memory_space<vmem>>
    %dma_start3A_67 = tpu.memref_squeeze %dma_start3A_66 : memref<1x512xi32, #tpu.memory_space<vmem>> -> memref<512xi32, #tpu.memory_space<vmem>>
    %dma_start3A_68 = arith.constant 0 : i32
    %dma_start3A_69 = arith.constant 0 : i32
    %dma_start3A_70 = tpu.memref_slice %arg2[%dma_start3A_68, %dma_start3A_69] : memref<10240x16xf32, #tpu.memory_space<hbm>> -> memref<10240x16xf32, #tpu.memory_space<hbm>>
    tpu.enqueue_indirect_dma source(%dma_start3A_70 : memref<10240x16xf32, #tpu.memory_space<hbm>>) target(%arg9 : memref<512x16xf32, #tpu.memory_space<vmem>>) offsets(%dma_start3A_67 : memref<512xi32, #tpu.memory_space<vmem>>) semaphore(%arg16 : memref<!tpu.dma_semaphore, #tpu.memory_space<semaphore_mem>>)
    %dma_wait3A_71 = arith.constant 0 : i32
    %dma_wait3A_72 = arith.constant 0 : i32
    %dma_wait3A_73 = tpu.memref_slice %arg6[%dma_wait3A_71, %dma_wait3A_72] : memref<10x512xi32, #tpu.memory_space<vmem>> -> memref<1x512xi32, #tpu.memory_space<vmem>>
    %dma_wait3A_74 = tpu.memref_squeeze %dma_wait3A_73 : memref<1x512xi32, #tpu.memory_space<vmem>> -> memref<512xi32, #tpu.memory_space<vmem>>
    %dma_wait3A_75 = arith.constant 0 : i32
    %dma_wait3A_76 = arith.constant 0 : i32
    %dma_wait3A_77 = tpu.memref_slice %arg2[%dma_wait3A_75, %dma_wait3A_76] : memref<10240x16xf32, #tpu.memory_space<hbm>> -> memref<10240x16xf32, #tpu.memory_space<hbm>>
    tpu.wait_indirect_dma semaphore(%arg15 : memref<!tpu.dma_semaphore, #tpu.memory_space<semaphore_mem>>) src(%dma_wait3A_77 : memref<10240x16xf32, #tpu.memory_space<hbm>>) dst(%arg8 : memref<512x16xf32, #tpu.memory_space<vmem>>)
    %dma_start3A_78 = arith.constant 0 : i32
    %dma_start3A_79 = arith.constant 0 : i32
    %dma_start3A_80 = tpu.memref_slice %arg7[%dma_start3A_78, %dma_start3A_79] : memref<10x512xi32, #tpu.memory_space<vmem>> -> memref<1x512xi32, #tpu.memory_space<vmem>>
    %dma_start3A_81 = tpu.memref_squeeze %dma_start3A_80 : memref<1x512xi32, #tpu.memory_space<vmem>> -> memref<512xi32, #tpu.memory_space<vmem>>
    %dma_start3A_82 = arith.constant 0 : i32
    %dma_start3A_83 = arith.constant 0 : i32
    %dma_start3A_84 = tpu.memref_slice %arg14[%dma_start3A_82, %dma_start3A_83] : memref<10240x16xf32, #tpu.memory_space<vmem_shared>> -> memref<10240x16xf32, #tpu.memory_space<vmem_shared>>
    tpu.enqueue_indirect_dma source(%arg8 : memref<512x16xf32, #tpu.memory_space<vmem>>) target(%dma_start3A_84 : memref<10240x16xf32, #tpu.memory_space<vmem_shared>>) offsets(%dma_start3A_81 : memref<512xi32, #tpu.memory_space<vmem>>) semaphore(%arg20 : memref<!tpu.dma_semaphore, #tpu.memory_space<semaphore_mem>>) {add = true}
    %dma_start3A_85 = arith.constant 2 : i32
    %dma_start3A_86 = arith.constant 0 : i32
    %dma_start3A_87 = tpu.memref_slice %arg6[%dma_start3A_85, %dma_start3A_86] : memref<10x512xi32, #tpu.memory_space<vmem>> -> memref<1x512xi32, #tpu.memory_space<vmem>>
    %dma_start3A_88 = tpu.memref_squeeze %dma_start3A_87 : memref<1x512xi32, #tpu.memory_space<vmem>> -> memref<512xi32, #tpu.memory_space<vmem>>
    %dma_start3A_89 = arith.constant 0 : i32
    %dma_start3A_90 = arith.constant 0 : i32
    %dma_start3A_91 = tpu.memref_slice %arg2[%dma_start3A_89, %dma_start3A_90] : memref<10240x16xf32, #tpu.memory_space<hbm>> -> memref<10240x16xf32, #tpu.memory_space<hbm>>
    tpu.enqueue_indirect_dma source(%dma_start3A_91 : memref<10240x16xf32, #tpu.memory_space<hbm>>) target(%arg10 : memref<512x16xf32, #tpu.memory_space<vmem>>) offsets(%dma_start3A_88 : memref<512xi32, #tpu.memory_space<vmem>>) semaphore(%arg17 : memref<!tpu.dma_semaphore, #tpu.memory_space<semaphore_mem>>)
    %dma_wait3A_92 = arith.constant 1 : i32
    %dma_wait3A_93 = arith.constant 0 : i32
    %dma_wait3A_94 = tpu.memref_slice %arg6[%dma_wait3A_92, %dma_wait3A_93] : memref<10x512xi32, #tpu.memory_space<vmem>> -> memref<1x512xi32, #tpu.memory_space<vmem>>
    %dma_wait3A_95 = tpu.memref_squeeze %dma_wait3A_94 : memref<1x512xi32, #tpu.memory_space<vmem>> -> memref<512xi32, #tpu.memory_space<vmem>>
    %dma_wait3A_96 = arith.constant 0 : i32
    %dma_wait3A_97 = arith.constant 0 : i32
    %dma_wait3A_98 = tpu.memref_slice %arg2[%dma_wait3A_96, %dma_wait3A_97] : memref<10240x16xf32, #tpu.memory_space<hbm>> -> memref<10240x16xf32, #tpu.memory_space<hbm>>
    tpu.wait_indirect_dma semaphore(%arg16 : memref<!tpu.dma_semaphore, #tpu.memory_space<semaphore_mem>>) src(%dma_wait3A_98 : memref<10240x16xf32, #tpu.memory_space<hbm>>) dst(%arg9 : memref<512x16xf32, #tpu.memory_space<vmem>>)
    %dma_start3A_99 = arith.constant 1 : i32
    %dma_start3A_100 = arith.constant 0 : i32
    %dma_start3A_101 = tpu.memref_slice %arg7[%dma_start3A_99, %dma_start3A_100] : memref<10x512xi32, #tpu.memory_space<vmem>> -> memref<1x512xi32, #tpu.memory_space<vmem>>
    %dma_start3A_102 = tpu.memref_squeeze %dma_start3A_101 : memref<1x512xi32, #tpu.memory_space<vmem>> -> memref<512xi32, #tpu.memory_space<vmem>>
    %dma_start3A_103 = arith.constant 0 : i32
    %dma_start3A_104 = arith.constant 0 : i32
    %dma_start3A_105 = tpu.memref_slice %arg14[%dma_start3A_103, %dma_start3A_104] : memref<10240x16xf32, #tpu.memory_space<vmem_shared>> -> memref<10240x16xf32, #tpu.memory_space<vmem_shared>>
    tpu.enqueue_indirect_dma source(%arg9 : memref<512x16xf32, #tpu.memory_space<vmem>>) target(%dma_start3A_105 : memref<10240x16xf32, #tpu.memory_space<vmem_shared>>) offsets(%dma_start3A_102 : memref<512xi32, #tpu.memory_space<vmem>>) semaphore(%arg21 : memref<!tpu.dma_semaphore, #tpu.memory_space<semaphore_mem>>) {add = true}
    %dma_start3A_106 = arith.constant 3 : i32
    %dma_start3A_107 = arith.constant 0 : i32
    %dma_start3A_108 = tpu.memref_slice %arg6[%dma_start3A_106, %dma_start3A_107] : memref<10x512xi32, #tpu.memory_space<vmem>> -> memref<1x512xi32, #tpu.memory_space<vmem>>
    %dma_start3A_109 = tpu.memref_squeeze %dma_start3A_108 : memref<1x512xi32, #tpu.memory_space<vmem>> -> memref<512xi32, #tpu.memory_space<vmem>>
    %dma_start3A_110 = arith.constant 0 : i32
    %dma_start3A_111 = arith.constant 0 : i32
    %dma_start3A_112 = tpu.memref_slice %arg2[%dma_start3A_110, %dma_start3A_111] : memref<10240x16xf32, #tpu.memory_space<hbm>> -> memref<10240x16xf32, #tpu.memory_space<hbm>>
    tpu.enqueue_indirect_dma source(%dma_start3A_112 : memref<10240x16xf32, #tpu.memory_space<hbm>>) target(%arg11 : memref<512x16xf32, #tpu.memory_space<vmem>>) offsets(%dma_start3A_109 : memref<512xi32, #tpu.memory_space<vmem>>) semaphore(%arg18 : memref<!tpu.dma_semaphore, #tpu.memory_space<semaphore_mem>>)
    %dma_wait3A_113 = arith.constant 2 : i32
    %dma_wait3A_114 = arith.constant 0 : i32
    %dma_wait3A_115 = tpu.memref_slice %arg6[%dma_wait3A_113, %dma_wait3A_114] : memref<10x512xi32, #tpu.memory_space<vmem>> -> memref<1x512xi32, #tpu.memory_space<vmem>>
    %dma_wait3A_116 = tpu.memref_squeeze %dma_wait3A_115 : memref<1x512xi32, #tpu.memory_space<vmem>> -> memref<512xi32, #tpu.memory_space<vmem>>
    %dma_wait3A_117 = arith.constant 0 : i32
    %dma_wait3A_118 = arith.constant 0 : i32
    %dma_wait3A_119 = tpu.memref_slice %arg2[%dma_wait3A_117, %dma_wait3A_118] : memref<10240x16xf32, #tpu.memory_space<hbm>> -> memref<10240x16xf32, #tpu.memory_space<hbm>>
    tpu.wait_indirect_dma semaphore(%arg17 : memref<!tpu.dma_semaphore, #tpu.memory_space<semaphore_mem>>) src(%dma_wait3A_119 : memref<10240x16xf32, #tpu.memory_space<hbm>>) dst(%arg10 : memref<512x16xf32, #tpu.memory_space<vmem>>)
    %dma_start3A_120 = arith.constant 2 : i32
    %dma_start3A_121 = arith.constant 0 : i32
    %dma_start3A_122 = tpu.memref_slice %arg7[%dma_start3A_120, %dma_start3A_121] : memref<10x512xi32, #tpu.memory_space<vmem>> -> memref<1x512xi32, #tpu.memory_space<vmem>>
    %dma_start3A_123 = tpu.memref_squeeze %dma_start3A_122 : memref<1x512xi32, #tpu.memory_space<vmem>> -> memref<512xi32, #tpu.memory_space<vmem>>
    %dma_start3A_124 = arith.constant 0 : i32
    %dma_start3A_125 = arith.constant 0 : i32
    %dma_start3A_126 = tpu.memref_slice %arg14[%dma_start3A_124, %dma_start3A_125] : memref<10240x16xf32, #tpu.memory_space<vmem_shared>> -> memref<10240x16xf32, #tpu.memory_space<vmem_shared>>
    tpu.enqueue_indirect_dma source(%arg10 : memref<512x16xf32, #tpu.memory_space<vmem>>) target(%dma_start3A_126 : memref<10240x16xf32, #tpu.memory_space<vmem_shared>>) offsets(%dma_start3A_123 : memref<512xi32, #tpu.memory_space<vmem>>) semaphore(%arg22 : memref<!tpu.dma_semaphore, #tpu.memory_space<semaphore_mem>>) {add = true}
    %dma_start3A_127 = arith.constant 4 : i32
    %dma_start3A_128 = arith.constant 0 : i32
    %dma_start3A_129 = tpu.memref_slice %arg6[%dma_start3A_127, %dma_start3A_128] : memref<10x512xi32, #tpu.memory_space<vmem>> -> memref<1x512xi32, #tpu.memory_space<vmem>>
    %dma_start3A_130 = tpu.memref_squeeze %dma_start3A_129 : memref<1x512xi32, #tpu.memory_space<vmem>> -> memref<512xi32, #tpu.memory_space<vmem>>
    %dma_start3A_131 = arith.constant 0 : i32
    %dma_start3A_132 = arith.constant 0 : i32
    %dma_start3A_133 = tpu.memref_slice %arg2[%dma_start3A_131, %dma_start3A_132] : memref<10240x16xf32, #tpu.memory_space<hbm>> -> memref<10240x16xf32, #tpu.memory_space<hbm>>
    tpu.enqueue_indirect_dma source(%dma_start3A_133 : memref<10240x16xf32, #tpu.memory_space<hbm>>) target(%arg12 : memref<512x16xf32, #tpu.memory_space<vmem>>) offsets(%dma_start3A_130 : memref<512xi32, #tpu.memory_space<vmem>>) semaphore(%arg19 : memref<!tpu.dma_semaphore, #tpu.memory_space<semaphore_mem>>)
    %dma_wait3A_134 = arith.constant 3 : i32
    %dma_wait3A_135 = arith.constant 0 : i32
    %dma_wait3A_136 = tpu.memref_slice %arg6[%dma_wait3A_134, %dma_wait3A_135] : memref<10x512xi32, #tpu.memory_space<vmem>> -> memref<1x512xi32, #tpu.memory_space<vmem>>
    %dma_wait3A_137 = tpu.memref_squeeze %dma_wait3A_136 : memref<1x512xi32, #tpu.memory_space<vmem>> -> memref<512xi32, #tpu.memory_space<vmem>>
    %dma_wait3A_138 = arith.constant 0 : i32
    %dma_wait3A_139 = arith.constant 0 : i32
    %dma_wait3A_140 = tpu.memref_slice %arg2[%dma_wait3A_138, %dma_wait3A_139] : memref<10240x16xf32, #tpu.memory_space<hbm>> -> memref<10240x16xf32, #tpu.memory_space<hbm>>
    tpu.wait_indirect_dma semaphore(%arg18 : memref<!tpu.dma_semaphore, #tpu.memory_space<semaphore_mem>>) src(%dma_wait3A_140 : memref<10240x16xf32, #tpu.memory_space<hbm>>) dst(%arg11 : memref<512x16xf32, #tpu.memory_space<vmem>>)
    %dma_start3A_141 = arith.constant 3 : i32
    %dma_start3A_142 = arith.constant 0 : i32
    %dma_start3A_143 = tpu.memref_slice %arg7[%dma_start3A_141, %dma_start3A_142] : memref<10x512xi32, #tpu.memory_space<vmem>> -> memref<1x512xi32, #tpu.memory_space<vmem>>
    %dma_start3A_144 = tpu.memref_squeeze %dma_start3A_143 : memref<1x512xi32, #tpu.memory_space<vmem>> -> memref<512xi32, #tpu.memory_space<vmem>>
    %dma_start3A_145 = arith.constant 0 : i32
    %dma_start3A_146 = arith.constant 0 : i32
    %dma_start3A_147 = tpu.memref_slice %arg14[%dma_start3A_145, %dma_start3A_146] : memref<10240x16xf32, #tpu.memory_space<vmem_shared>> -> memref<10240x16xf32, #tpu.memory_space<vmem_shared>>
    tpu.enqueue_indirect_dma source(%arg11 : memref<512x16xf32, #tpu.memory_space<vmem>>) target(%dma_start3A_147 : memref<10240x16xf32, #tpu.memory_space<vmem_shared>>) offsets(%dma_start3A_144 : memref<512xi32, #tpu.memory_space<vmem>>) semaphore(%arg23 : memref<!tpu.dma_semaphore, #tpu.memory_space<semaphore_mem>>) {add = true}
    %dma_wait3A_148 = arith.constant 0 : i32
    %dma_wait3A_149 = arith.constant 0 : i32
    %dma_wait3A_150 = tpu.memref_slice %arg7[%dma_wait3A_148, %dma_wait3A_149] : memref<10x512xi32, #tpu.memory_space<vmem>> -> memref<1x512xi32, #tpu.memory_space<vmem>>
    %dma_wait3A_151 = tpu.memref_squeeze %dma_wait3A_150 : memref<1x512xi32, #tpu.memory_space<vmem>> -> memref<512xi32, #tpu.memory_space<vmem>>
    %dma_wait3A_152 = arith.constant 0 : i32
    %dma_wait3A_153 = arith.constant 0 : i32
    %dma_wait3A_154 = tpu.memref_slice %arg14[%dma_wait3A_152, %dma_wait3A_153] : memref<10240x16xf32, #tpu.memory_space<vmem_shared>> -> memref<10240x16xf32, #tpu.memory_space<vmem_shared>>
    tpu.wait_indirect_dma semaphore(%arg20 : memref<!tpu.dma_semaphore, #tpu.memory_space<semaphore_mem>>) src(%arg8 : memref<512x16xf32, #tpu.memory_space<vmem>>) dst(%dma_wait3A_154 : memref<10240x16xf32, #tpu.memory_space<vmem_shared>>)
    %dma_start3A_155 = arith.constant 5 : i32
    %dma_start3A_156 = arith.constant 0 : i32
    %dma_start3A_157 = tpu.memref_slice %arg6[%dma_start3A_155, %dma_start3A_156] : memref<10x512xi32, #tpu.memory_space<vmem>> -> memref<1x512xi32, #tpu.memory_space<vmem>>
    %dma_start3A_158 = tpu.memref_squeeze %dma_start3A_157 : memref<1x512xi32, #tpu.memory_space<vmem>> -> memref<512xi32, #tpu.memory_space<vmem>>
    %dma_start3A_159 = arith.constant 0 : i32
    %dma_start3A_160 = arith.constant 0 : i32
    %dma_start3A_161 = tpu.memref_slice %arg2[%dma_start3A_159, %dma_start3A_160] : memref<10240x16xf32, #tpu.memory_space<hbm>> -> memref<10240x16xf32, #tpu.memory_space<hbm>>
    tpu.enqueue_indirect_dma source(%dma_start3A_161 : memref<10240x16xf32, #tpu.memory_space<hbm>>) target(%arg8 : memref<512x16xf32, #tpu.memory_space<vmem>>) offsets(%dma_start3A_158 : memref<512xi32, #tpu.memory_space<vmem>>) semaphore(%arg15 : memref<!tpu.dma_semaphore, #tpu.memory_space<semaphore_mem>>)
    %dma_wait3A_162 = arith.constant 4 : i32
    %dma_wait3A_163 = arith.constant 0 : i32
    %dma_wait3A_164 = tpu.memref_slice %arg6[%dma_wait3A_162, %dma_wait3A_163] : memref<10x512xi32, #tpu.memory_space<vmem>> -> memref<1x512xi32, #tpu.memory_space<vmem>>
    %dma_wait3A_165 = tpu.memref_squeeze %dma_wait3A_164 : memref<1x512xi32, #tpu.memory_space<vmem>> -> memref<512xi32, #tpu.memory_space<vmem>>
    %dma_wait3A_166 = arith.constant 0 : i32
    %dma_wait3A_167 = arith.constant 0 : i32
    %dma_wait3A_168 = tpu.memref_slice %arg2[%dma_wait3A_166, %dma_wait3A_167] : memref<10240x16xf32, #tpu.memory_space<hbm>> -> memref<10240x16xf32, #tpu.memory_space<hbm>>
    tpu.wait_indirect_dma semaphore(%arg19 : memref<!tpu.dma_semaphore, #tpu.memory_space<semaphore_mem>>) src(%dma_wait3A_168 : memref<10240x16xf32, #tpu.memory_space<hbm>>) dst(%arg12 : memref<512x16xf32, #tpu.memory_space<vmem>>)
    %dma_start3A_169 = arith.constant 4 : i32
    %dma_start3A_170 = arith.constant 0 : i32
    %dma_start3A_171 = tpu.memref_slice %arg7[%dma_start3A_169, %dma_start3A_170] : memref<10x512xi32, #tpu.memory_space<vmem>> -> memref<1x512xi32, #tpu.memory_space<vmem>>
    %dma_start3A_172 = tpu.memref_squeeze %dma_start3A_171 : memref<1x512xi32, #tpu.memory_space<vmem>> -> memref<512xi32, #tpu.memory_space<vmem>>
    %dma_start3A_173 = arith.constant 0 : i32
    %dma_start3A_174 = arith.constant 0 : i32
    %dma_start3A_175 = tpu.memref_slice %arg14[%dma_start3A_173, %dma_start3A_174] : memref<10240x16xf32, #tpu.memory_space<vmem_shared>> -> memref<10240x16xf32, #tpu.memory_space<vmem_shared>>
    tpu.enqueue_indirect_dma source(%arg12 : memref<512x16xf32, #tpu.memory_space<vmem>>) target(%dma_start3A_175 : memref<10240x16xf32, #tpu.memory_space<vmem_shared>>) offsets(%dma_start3A_172 : memref<512xi32, #tpu.memory_space<vmem>>) semaphore(%arg24 : memref<!tpu.dma_semaphore, #tpu.memory_space<semaphore_mem>>) {add = true}
    %dma_wait3A_176 = arith.constant 1 : i32
    %dma_wait3A_177 = arith.constant 0 : i32
    %dma_wait3A_178 = tpu.memref_slice %arg7[%dma_wait3A_176, %dma_wait3A_177] : memref<10x512xi32, #tpu.memory_space<vmem>> -> memref<1x512xi32, #tpu.memory_space<vmem>>
    %dma_wait3A_179 = tpu.memref_squeeze %dma_wait3A_178 : memref<1x512xi32, #tpu.memory_space<vmem>> -> memref<512xi32, #tpu.memory_space<vmem>>
    %dma_wait3A_180 = arith.constant 0 : i32
    %dma_wait3A_181 = arith.constant 0 : i32
    %dma_wait3A_182 = tpu.memref_slice %arg14[%dma_wait3A_180, %dma_wait3A_181] : memref<10240x16xf32, #tpu.memory_space<vmem_shared>> -> memref<10240x16xf32, #tpu.memory_space<vmem_shared>>
    tpu.wait_indirect_dma semaphore(%arg21 : memref<!tpu.dma_semaphore, #tpu.memory_space<semaphore_mem>>) src(%arg9 : memref<512x16xf32, #tpu.memory_space<vmem>>) dst(%dma_wait3A_182 : memref<10240x16xf32, #tpu.memory_space<vmem_shared>>)
    %dma_start3A_183 = arith.constant 6 : i32
    %dma_start3A_184 = arith.constant 0 : i32
    %dma_start3A_185 = tpu.memref_slice %arg6[%dma_start3A_183, %dma_start3A_184] : memref<10x512xi32, #tpu.memory_space<vmem>> -> memref<1x512xi32, #tpu.memory_space<vmem>>
    %dma_start3A_186 = tpu.memref_squeeze %dma_start3A_185 : memref<1x512xi32, #tpu.memory_space<vmem>> -> memref<512xi32, #tpu.memory_space<vmem>>
    %dma_start3A_187 = arith.constant 0 : i32
    %dma_start3A_188 = arith.constant 0 : i32
    %dma_start3A_189 = tpu.memref_slice %arg2[%dma_start3A_187, %dma_start3A_188] : memref<10240x16xf32, #tpu.memory_space<hbm>> -> memref<10240x16xf32, #tpu.memory_space<hbm>>
    tpu.enqueue_indirect_dma source(%dma_start3A_189 : memref<10240x16xf32, #tpu.memory_space<hbm>>) target(%arg9 : memref<512x16xf32, #tpu.memory_space<vmem>>) offsets(%dma_start3A_186 : memref<512xi32, #tpu.memory_space<vmem>>) semaphore(%arg16 : memref<!tpu.dma_semaphore, #tpu.memory_space<semaphore_mem>>)
    %dma_wait3A_190 = arith.constant 5 : i32
    %dma_wait3A_191 = arith.constant 0 : i32
    %dma_wait3A_192 = tpu.memref_slice %arg6[%dma_wait3A_190, %dma_wait3A_191] : memref<10x512xi32, #tpu.memory_space<vmem>> -> memref<1x512xi32, #tpu.memory_space<vmem>>
    %dma_wait3A_193 = tpu.memref_squeeze %dma_wait3A_192 : memref<1x512xi32, #tpu.memory_space<vmem>> -> memref<512xi32, #tpu.memory_space<vmem>>
    %dma_wait3A_194 = arith.constant 0 : i32
    %dma_wait3A_195 = arith.constant 0 : i32
    %dma_wait3A_196 = tpu.memref_slice %arg2[%dma_wait3A_194, %dma_wait3A_195] : memref<10240x16xf32, #tpu.memory_space<hbm>> -> memref<10240x16xf32, #tpu.memory_space<hbm>>
    tpu.wait_indirect_dma semaphore(%arg15 : memref<!tpu.dma_semaphore, #tpu.memory_space<semaphore_mem>>) src(%dma_wait3A_196 : memref<10240x16xf32, #tpu.memory_space<hbm>>) dst(%arg8 : memref<512x16xf32, #tpu.memory_space<vmem>>)
    %dma_start3A_197 = arith.constant 5 : i32
    %dma_start3A_198 = arith.constant 0 : i32
    %dma_start3A_199 = tpu.memref_slice %arg7[%dma_start3A_197, %dma_start3A_198] : memref<10x512xi32, #tpu.memory_space<vmem>> -> memref<1x512xi32, #tpu.memory_space<vmem>>
    %dma_start3A_200 = tpu.memref_squeeze %dma_start3A_199 : memref<1x512xi32, #tpu.memory_space<vmem>> -> memref<512xi32, #tpu.memory_space<vmem>>
    %dma_start3A_201 = arith.constant 0 : i32
    %dma_start3A_202 = arith.constant 0 : i32
    %dma_start3A_203 = tpu.memref_slice %arg14[%dma_start3A_201, %dma_start3A_202] : memref<10240x16xf32, #tpu.memory_space<vmem_shared>> -> memref<10240x16xf32, #tpu.memory_space<vmem_shared>>
    tpu.enqueue_indirect_dma source(%arg8 : memref<512x16xf32, #tpu.memory_space<vmem>>) target(%dma_start3A_203 : memref<10240x16xf32, #tpu.memory_space<vmem_shared>>) offsets(%dma_start3A_200 : memref<512xi32, #tpu.memory_space<vmem>>) semaphore(%arg20 : memref<!tpu.dma_semaphore, #tpu.memory_space<semaphore_mem>>) {add = true}
    %dma_wait3A_204 = arith.constant 2 : i32
    %dma_wait3A_205 = arith.constant 0 : i32
    %dma_wait3A_206 = tpu.memref_slice %arg7[%dma_wait3A_204, %dma_wait3A_205] : memref<10x512xi32, #tpu.memory_space<vmem>> -> memref<1x512xi32, #tpu.memory_space<vmem>>
    %dma_wait3A_207 = tpu.memref_squeeze %dma_wait3A_206 : memref<1x512xi32, #tpu.memory_space<vmem>> -> memref<512xi32, #tpu.memory_space<vmem>>
    %dma_wait3A_208 = arith.constant 0 : i32
    %dma_wait3A_209 = arith.constant 0 : i32
    %dma_wait3A_210 = tpu.memref_slice %arg14[%dma_wait3A_208, %dma_wait3A_209] : memref<10240x16xf32, #tpu.memory_space<vmem_shared>> -> memref<10240x16xf32, #tpu.memory_space<vmem_shared>>
    tpu.wait_indirect_dma semaphore(%arg22 : memref<!tpu.dma_semaphore, #tpu.memory_space<semaphore_mem>>) src(%arg10 : memref<512x16xf32, #tpu.memory_space<vmem>>) dst(%dma_wait3A_210 : memref<10240x16xf32, #tpu.memory_space<vmem_shared>>)
    %dma_start3A_211 = arith.constant 7 : i32
    %dma_start3A_212 = arith.constant 0 : i32
    %dma_start3A_213 = tpu.memref_slice %arg6[%dma_start3A_211, %dma_start3A_212] : memref<10x512xi32, #tpu.memory_space<vmem>> -> memref<1x512xi32, #tpu.memory_space<vmem>>
    %dma_start3A_214 = tpu.memref_squeeze %dma_start3A_213 : memref<1x512xi32, #tpu.memory_space<vmem>> -> memref<512xi32, #tpu.memory_space<vmem>>
    %dma_start3A_215 = arith.constant 0 : i32
    %dma_start3A_216 = arith.constant 0 : i32
    %dma_start3A_217 = tpu.memref_slice %arg2[%dma_start3A_215, %dma_start3A_216] : memref<10240x16xf32, #tpu.memory_space<hbm>> -> memref<10240x16xf32, #tpu.memory_space<hbm>>
    tpu.enqueue_indirect_dma source(%dma_start3A_217 : memref<10240x16xf32, #tpu.memory_space<hbm>>) target(%arg10 : memref<512x16xf32, #tpu.memory_space<vmem>>) offsets(%dma_start3A_214 : memref<512xi32, #tpu.memory_space<vmem>>) semaphore(%arg17 : memref<!tpu.dma_semaphore, #tpu.memory_space<semaphore_mem>>)
    %dma_wait3A_218 = arith.constant 6 : i32
    %dma_wait3A_219 = arith.constant 0 : i32
    %dma_wait3A_220 = tpu.memref_slice %arg6[%dma_wait3A_218, %dma_wait3A_219] : memref<10x512xi32, #tpu.memory_space<vmem>> -> memref<1x512xi32, #tpu.memory_space<vmem>>
    %dma_wait3A_221 = tpu.memref_squeeze %dma_wait3A_220 : memref<1x512xi32, #tpu.memory_space<vmem>> -> memref<512xi32, #tpu.memory_space<vmem>>
    %dma_wait3A_222 = arith.constant 0 : i32
    %dma_wait3A_223 = arith.constant 0 : i32
    %dma_wait3A_224 = tpu.memref_slice %arg2[%dma_wait3A_222, %dma_wait3A_223] : memref<10240x16xf32, #tpu.memory_space<hbm>> -> memref<10240x16xf32, #tpu.memory_space<hbm>>
    tpu.wait_indirect_dma semaphore(%arg16 : memref<!tpu.dma_semaphore, #tpu.memory_space<semaphore_mem>>) src(%dma_wait3A_224 : memref<10240x16xf32, #tpu.memory_space<hbm>>) dst(%arg9 : memref<512x16xf32, #tpu.memory_space<vmem>>)
    %dma_start3A_225 = arith.constant 6 : i32
    %dma_start3A_226 = arith.constant 0 : i32
    %dma_start3A_227 = tpu.memref_slice %arg7[%dma_start3A_225, %dma_start3A_226] : memref<10x512xi32, #tpu.memory_space<vmem>> -> memref<1x512xi32, #tpu.memory_space<vmem>>
    %dma_start3A_228 = tpu.memref_squeeze %dma_start3A_227 : memref<1x512xi32, #tpu.memory_space<vmem>> -> memref<512xi32, #tpu.memory_space<vmem>>
    %dma_start3A_229 = arith.constant 0 : i32
    %dma_start3A_230 = arith.constant 0 : i32
    %dma_start3A_231 = tpu.memref_slice %arg14[%dma_start3A_229, %dma_start3A_230] : memref<10240x16xf32, #tpu.memory_space<vmem_shared>> -> memref<10240x16xf32, #tpu.memory_space<vmem_shared>>
    tpu.enqueue_indirect_dma source(%arg9 : memref<512x16xf32, #tpu.memory_space<vmem>>) target(%dma_start3A_231 : memref<10240x16xf32, #tpu.memory_space<vmem_shared>>) offsets(%dma_start3A_228 : memref<512xi32, #tpu.memory_space<vmem>>) semaphore(%arg21 : memref<!tpu.dma_semaphore, #tpu.memory_space<semaphore_mem>>) {add = true}
    %dma_wait3A_232 = arith.constant 3 : i32
    %dma_wait3A_233 = arith.constant 0 : i32
    %dma_wait3A_234 = tpu.memref_slice %arg7[%dma_wait3A_232, %dma_wait3A_233] : memref<10x512xi32, #tpu.memory_space<vmem>> -> memref<1x512xi32, #tpu.memory_space<vmem>>
    %dma_wait3A_235 = tpu.memref_squeeze %dma_wait3A_234 : memref<1x512xi32, #tpu.memory_space<vmem>> -> memref<512xi32, #tpu.memory_space<vmem>>
    %dma_wait3A_236 = arith.constant 0 : i32
    %dma_wait3A_237 = arith.constant 0 : i32
    %dma_wait3A_238 = tpu.memref_slice %arg14[%dma_wait3A_236, %dma_wait3A_237] : memref<10240x16xf32, #tpu.memory_space<vmem_shared>> -> memref<10240x16xf32, #tpu.memory_space<vmem_shared>>
    tpu.wait_indirect_dma semaphore(%arg23 : memref<!tpu.dma_semaphore, #tpu.memory_space<semaphore_mem>>) src(%arg11 : memref<512x16xf32, #tpu.memory_space<vmem>>) dst(%dma_wait3A_238 : memref<10240x16xf32, #tpu.memory_space<vmem_shared>>)
    %dma_start3A_239 = arith.constant 8 : i32
    %dma_start3A_240 = arith.constant 0 : i32
    %dma_start3A_241 = tpu.memref_slice %arg6[%dma_start3A_239, %dma_start3A_240] : memref<10x512xi32, #tpu.memory_space<vmem>> -> memref<1x512xi32, #tpu.memory_space<vmem>>
    %dma_start3A_242 = tpu.memref_squeeze %dma_start3A_241 : memref<1x512xi32, #tpu.memory_space<vmem>> -> memref<512xi32, #tpu.memory_space<vmem>>
    %dma_start3A_243 = arith.constant 0 : i32
    %dma_start3A_244 = arith.constant 0 : i32
    %dma_start3A_245 = tpu.memref_slice %arg2[%dma_start3A_243, %dma_start3A_244] : memref<10240x16xf32, #tpu.memory_space<hbm>> -> memref<10240x16xf32, #tpu.memory_space<hbm>>
    tpu.enqueue_indirect_dma source(%dma_start3A_245 : memref<10240x16xf32, #tpu.memory_space<hbm>>) target(%arg11 : memref<512x16xf32, #tpu.memory_space<vmem>>) offsets(%dma_start3A_242 : memref<512xi32, #tpu.memory_space<vmem>>) semaphore(%arg18 : memref<!tpu.dma_semaphore, #tpu.memory_space<semaphore_mem>>)
    %dma_wait3A_246 = arith.constant 7 : i32
    %dma_wait3A_247 = arith.constant 0 : i32
    %dma_wait3A_248 = tpu.memref_slice %arg6[%dma_wait3A_246, %dma_wait3A_247] : memref<10x512xi32, #tpu.memory_space<vmem>> -> memref<1x512xi32, #tpu.memory_space<vmem>>
    %dma_wait3A_249 = tpu.memref_squeeze %dma_wait3A_248 : memref<1x512xi32, #tpu.memory_space<vmem>> -> memref<512xi32, #tpu.memory_space<vmem>>
    %dma_wait3A_250 = arith.constant 0 : i32
    %dma_wait3A_251 = arith.constant 0 : i32
    %dma_wait3A_252 = tpu.memref_slice %arg2[%dma_wait3A_250, %dma_wait3A_251] : memref<10240x16xf32, #tpu.memory_space<hbm>> -> memref<10240x16xf32, #tpu.memory_space<hbm>>
    tpu.wait_indirect_dma semaphore(%arg17 : memref<!tpu.dma_semaphore, #tpu.memory_space<semaphore_mem>>) src(%dma_wait3A_252 : memref<10240x16xf32, #tpu.memory_space<hbm>>) dst(%arg10 : memref<512x16xf32, #tpu.memory_space<vmem>>)
    %dma_start3A_253 = arith.constant 7 : i32
    %dma_start3A_254 = arith.constant 0 : i32
    %dma_start3A_255 = tpu.memref_slice %arg7[%dma_start3A_253, %dma_start3A_254] : memref<10x512xi32, #tpu.memory_space<vmem>> -> memref<1x512xi32, #tpu.memory_space<vmem>>
    %dma_start3A_256 = tpu.memref_squeeze %dma_start3A_255 : memref<1x512xi32, #tpu.memory_space<vmem>> -> memref<512xi32, #tpu.memory_space<vmem>>
    %dma_start3A_257 = arith.constant 0 : i32
    %dma_start3A_258 = arith.constant 0 : i32
    %dma_start3A_259 = tpu.memref_slice %arg14[%dma_start3A_257, %dma_start3A_258] : memref<10240x16xf32, #tpu.memory_space<vmem_shared>> -> memref<10240x16xf32, #tpu.memory_space<vmem_shared>>
    tpu.enqueue_indirect_dma source(%arg10 : memref<512x16xf32, #tpu.memory_space<vmem>>) target(%dma_start3A_259 : memref<10240x16xf32, #tpu.memory_space<vmem_shared>>) offsets(%dma_start3A_256 : memref<512xi32, #tpu.memory_space<vmem>>) semaphore(%arg22 : memref<!tpu.dma_semaphore, #tpu.memory_space<semaphore_mem>>) {add = true}
    %dma_wait3A_260 = arith.constant 4 : i32
    %dma_wait3A_261 = arith.constant 0 : i32
    %dma_wait3A_262 = tpu.memref_slice %arg7[%dma_wait3A_260, %dma_wait3A_261] : memref<10x512xi32, #tpu.memory_space<vmem>> -> memref<1x512xi32, #tpu.memory_space<vmem>>
    %dma_wait3A_263 = tpu.memref_squeeze %dma_wait3A_262 : memref<1x512xi32, #tpu.memory_space<vmem>> -> memref<512xi32, #tpu.memory_space<vmem>>
    %dma_wait3A_264 = arith.constant 0 : i32
    %dma_wait3A_265 = arith.constant 0 : i32
    %dma_wait3A_266 = tpu.memref_slice %arg14[%dma_wait3A_264, %dma_wait3A_265] : memref<10240x16xf32, #tpu.memory_space<vmem_shared>> -> memref<10240x16xf32, #tpu.memory_space<vmem_shared>>
    tpu.wait_indirect_dma semaphore(%arg24 : memref<!tpu.dma_semaphore, #tpu.memory_space<semaphore_mem>>) src(%arg12 : memref<512x16xf32, #tpu.memory_space<vmem>>) dst(%dma_wait3A_266 : memref<10240x16xf32, #tpu.memory_space<vmem_shared>>)
    %dma_start3A_267 = arith.constant 9 : i32
    %dma_start3A_268 = arith.constant 0 : i32
    %dma_start3A_269 = tpu.memref_slice %arg6[%dma_start3A_267, %dma_start3A_268] : memref<10x512xi32, #tpu.memory_space<vmem>> -> memref<1x512xi32, #tpu.memory_space<vmem>>
    %dma_start3A_270 = tpu.memref_squeeze %dma_start3A_269 : memref<1x512xi32, #tpu.memory_space<vmem>> -> memref<512xi32, #tpu.memory_space<vmem>>
    %dma_start3A_271 = arith.constant 0 : i32
    %dma_start3A_272 = arith.constant 0 : i32
    %dma_start3A_273 = tpu.memref_slice %arg2[%dma_start3A_271, %dma_start3A_272] : memref<10240x16xf32, #tpu.memory_space<hbm>> -> memref<10240x16xf32, #tpu.memory_space<hbm>>
    tpu.enqueue_indirect_dma source(%dma_start3A_273 : memref<10240x16xf32, #tpu.memory_space<hbm>>) target(%arg12 : memref<512x16xf32, #tpu.memory_space<vmem>>) offsets(%dma_start3A_270 : memref<512xi32, #tpu.memory_space<vmem>>) semaphore(%arg19 : memref<!tpu.dma_semaphore, #tpu.memory_space<semaphore_mem>>)
    %dma_wait3A_274 = arith.constant 8 : i32
    %dma_wait3A_275 = arith.constant 0 : i32
    %dma_wait3A_276 = tpu.memref_slice %arg6[%dma_wait3A_274, %dma_wait3A_275] : memref<10x512xi32, #tpu.memory_space<vmem>> -> memref<1x512xi32, #tpu.memory_space<vmem>>
    %dma_wait3A_277 = tpu.memref_squeeze %dma_wait3A_276 : memref<1x512xi32, #tpu.memory_space<vmem>> -> memref<512xi32, #tpu.memory_space<vmem>>
    %dma_wait3A_278 = arith.constant 0 : i32
    %dma_wait3A_279 = arith.constant 0 : i32
    %dma_wait3A_280 = tpu.memref_slice %arg2[%dma_wait3A_278, %dma_wait3A_279] : memref<10240x16xf32, #tpu.memory_space<hbm>> -> memref<10240x16xf32, #tpu.memory_space<hbm>>
    tpu.wait_indirect_dma semaphore(%arg18 : memref<!tpu.dma_semaphore, #tpu.memory_space<semaphore_mem>>) src(%dma_wait3A_280 : memref<10240x16xf32, #tpu.memory_space<hbm>>) dst(%arg11 : memref<512x16xf32, #tpu.memory_space<vmem>>)
    %dma_start3A_281 = arith.constant 8 : i32
    %dma_start3A_282 = arith.constant 0 : i32
    %dma_start3A_283 = tpu.memref_slice %arg7[%dma_start3A_281, %dma_start3A_282] : memref<10x512xi32, #tpu.memory_space<vmem>> -> memref<1x512xi32, #tpu.memory_space<vmem>>
    %dma_start3A_284 = tpu.memref_squeeze %dma_start3A_283 : memref<1x512xi32, #tpu.memory_space<vmem>> -> memref<512xi32, #tpu.memory_space<vmem>>
    %dma_start3A_285 = arith.constant 0 : i32
    %dma_start3A_286 = arith.constant 0 : i32
    %dma_start3A_287 = tpu.memref_slice %arg14[%dma_start3A_285, %dma_start3A_286] : memref<10240x16xf32, #tpu.memory_space<vmem_shared>> -> memref<10240x16xf32, #tpu.memory_space<vmem_shared>>
    tpu.enqueue_indirect_dma source(%arg11 : memref<512x16xf32, #tpu.memory_space<vmem>>) target(%dma_start3A_287 : memref<10240x16xf32, #tpu.memory_space<vmem_shared>>) offsets(%dma_start3A_284 : memref<512xi32, #tpu.memory_space<vmem>>) semaphore(%arg23 : memref<!tpu.dma_semaphore, #tpu.memory_space<semaphore_mem>>) {add = true}
    %dma_wait3A_288 = arith.constant 5 : i32
    %dma_wait3A_289 = arith.constant 0 : i32
    %dma_wait3A_290 = tpu.memref_slice %arg7[%dma_wait3A_288, %dma_wait3A_289] : memref<10x512xi32, #tpu.memory_space<vmem>> -> memref<1x512xi32, #tpu.memory_space<vmem>>
    %dma_wait3A_291 = tpu.memref_squeeze %dma_wait3A_290 : memref<1x512xi32, #tpu.memory_space<vmem>> -> memref<512xi32, #tpu.memory_space<vmem>>
    %dma_wait3A_292 = arith.constant 0 : i32
    %dma_wait3A_293 = arith.constant 0 : i32
    %dma_wait3A_294 = tpu.memref_slice %arg14[%dma_wait3A_292, %dma_wait3A_293] : memref<10240x16xf32, #tpu.memory_space<vmem_shared>> -> memref<10240x16xf32, #tpu.memory_space<vmem_shared>>
    tpu.wait_indirect_dma semaphore(%arg20 : memref<!tpu.dma_semaphore, #tpu.memory_space<semaphore_mem>>) src(%arg8 : memref<512x16xf32, #tpu.memory_space<vmem>>) dst(%dma_wait3A_294 : memref<10240x16xf32, #tpu.memory_space<vmem_shared>>)
    %dma_wait3A_295 = arith.constant 9 : i32
    %dma_wait3A_296 = arith.constant 0 : i32
    %dma_wait3A_297 = tpu.memref_slice %arg6[%dma_wait3A_295, %dma_wait3A_296] : memref<10x512xi32, #tpu.memory_space<vmem>> -> memref<1x512xi32, #tpu.memory_space<vmem>>
    %dma_wait3A_298 = tpu.memref_squeeze %dma_wait3A_297 : memref<1x512xi32, #tpu.memory_space<vmem>> -> memref<512xi32, #tpu.memory_space<vmem>>
    %dma_wait3A_299 = arith.constant 0 : i32
    %dma_wait3A_300 = arith.constant 0 : i32
    %dma_wait3A_301 = tpu.memref_slice %arg2[%dma_wait3A_299, %dma_wait3A_300] : memref<10240x16xf32, #tpu.memory_space<hbm>> -> memref<10240x16xf32, #tpu.memory_space<hbm>>
    tpu.wait_indirect_dma semaphore(%arg19 : memref<!tpu.dma_semaphore, #tpu.memory_space<semaphore_mem>>) src(%dma_wait3A_301 : memref<10240x16xf32, #tpu.memory_space<hbm>>) dst(%arg12 : memref<512x16xf32, #tpu.memory_space<vmem>>)
    %dma_start3A_302 = arith.constant 9 : i32
    %dma_start3A_303 = arith.constant 0 : i32
    %dma_start3A_304 = tpu.memref_slice %arg7[%dma_start3A_302, %dma_start3A_303] : memref<10x512xi32, #tpu.memory_space<vmem>> -> memref<1x512xi32, #tpu.memory_space<vmem>>
    %dma_start3A_305 = tpu.memref_squeeze %dma_start3A_304 : memref<1x512xi32, #tpu.memory_space<vmem>> -> memref<512xi32, #tpu.memory_space<vmem>>
    %dma_start3A_306 = arith.constant 0 : i32
    %dma_start3A_307 = arith.constant 0 : i32
    %dma_start3A_308 = tpu.memref_slice %arg14[%dma_start3A_306, %dma_start3A_307] : memref<10240x16xf32, #tpu.memory_space<vmem_shared>> -> memref<10240x16xf32, #tpu.memory_space<vmem_shared>>
    tpu.enqueue_indirect_dma source(%arg12 : memref<512x16xf32, #tpu.memory_space<vmem>>) target(%dma_start3A_308 : memref<10240x16xf32, #tpu.memory_space<vmem_shared>>) offsets(%dma_start3A_305 : memref<512xi32, #tpu.memory_space<vmem>>) semaphore(%arg24 : memref<!tpu.dma_semaphore, #tpu.memory_space<semaphore_mem>>) {add = true}
    %dma_wait3A_309 = arith.constant 6 : i32
    %dma_wait3A_310 = arith.constant 0 : i32
    %dma_wait3A_311 = tpu.memref_slice %arg7[%dma_wait3A_309, %dma_wait3A_310] : memref<10x512xi32, #tpu.memory_space<vmem>> -> memref<1x512xi32, #tpu.memory_space<vmem>>
    %dma_wait3A_312 = tpu.memref_squeeze %dma_wait3A_311 : memref<1x512xi32, #tpu.memory_space<vmem>> -> memref<512xi32, #tpu.memory_space<vmem>>
    %dma_wait3A_313 = arith.constant 0 : i32
    %dma_wait3A_314 = arith.constant 0 : i32
    %dma_wait3A_315 = tpu.memref_slice %arg14[%dma_wait3A_313, %dma_wait3A_314] : memref<10240x16xf32, #tpu.memory_space<vmem_shared>> -> memref<10240x16xf32, #tpu.memory_space<vmem_shared>>
    tpu.wait_indirect_dma semaphore(%arg21 : memref<!tpu.dma_semaphore, #tpu.memory_space<semaphore_mem>>) src(%arg9 : memref<512x16xf32, #tpu.memory_space<vmem>>) dst(%dma_wait3A_315 : memref<10240x16xf32, #tpu.memory_space<vmem_shared>>)
    %dma_wait3A_316 = arith.constant 7 : i32
    %dma_wait3A_317 = arith.constant 0 : i32
    %dma_wait3A_318 = tpu.memref_slice %arg7[%dma_wait3A_316, %dma_wait3A_317] : memref<10x512xi32, #tpu.memory_space<vmem>> -> memref<1x512xi32, #tpu.memory_space<vmem>>
    %dma_wait3A_319 = tpu.memref_squeeze %dma_wait3A_318 : memref<1x512xi32, #tpu.memory_space<vmem>> -> memref<512xi32, #tpu.memory_space<vmem>>
    %dma_wait3A_320 = arith.constant 0 : i32
    %dma_wait3A_321 = arith.constant 0 : i32
    %dma_wait3A_322 = tpu.memref_slice %arg14[%dma_wait3A_320, %dma_wait3A_321] : memref<10240x16xf32, #tpu.memory_space<vmem_shared>> -> memref<10240x16xf32, #tpu.memory_space<vmem_shared>>
    tpu.wait_indirect_dma semaphore(%arg22 : memref<!tpu.dma_semaphore, #tpu.memory_space<semaphore_mem>>) src(%arg10 : memref<512x16xf32, #tpu.memory_space<vmem>>) dst(%dma_wait3A_322 : memref<10240x16xf32, #tpu.memory_space<vmem_shared>>)
    %dma_wait3A_323 = arith.constant 8 : i32
    %dma_wait3A_324 = arith.constant 0 : i32
    %dma_wait3A_325 = tpu.memref_slice %arg7[%dma_wait3A_323, %dma_wait3A_324] : memref<10x512xi32, #tpu.memory_space<vmem>> -> memref<1x512xi32, #tpu.memory_space<vmem>>
    %dma_wait3A_326 = tpu.memref_squeeze %dma_wait3A_325 : memref<1x512xi32, #tpu.memory_space<vmem>> -> memref<512xi32, #tpu.memory_space<vmem>>
    %dma_wait3A_327 = arith.constant 0 : i32
    %dma_wait3A_328 = arith.constant 0 : i32
    %dma_wait3A_329 = tpu.memref_slice %arg14[%dma_wait3A_327, %dma_wait3A_328] : memref<10240x16xf32, #tpu.memory_space<vmem_shared>> -> memref<10240x16xf32, #tpu.memory_space<vmem_shared>>
    tpu.wait_indirect_dma semaphore(%arg23 : memref<!tpu.dma_semaphore, #tpu.memory_space<semaphore_mem>>) src(%arg11 : memref<512x16xf32, #tpu.memory_space<vmem>>) dst(%dma_wait3A_329 : memref<10240x16xf32, #tpu.memory_space<vmem_shared>>)
    %dma_wait3A_330 = arith.constant 9 : i32
    %dma_wait3A_331 = arith.constant 0 : i32
    %dma_wait3A_332 = tpu.memref_slice %arg7[%dma_wait3A_330, %dma_wait3A_331] : memref<10x512xi32, #tpu.memory_space<vmem>> -> memref<1x512xi32, #tpu.memory_space<vmem>>
    %dma_wait3A_333 = tpu.memref_squeeze %dma_wait3A_332 : memref<1x512xi32, #tpu.memory_space<vmem>> -> memref<512xi32, #tpu.memory_space<vmem>>
    %dma_wait3A_334 = arith.constant 0 : i32
    %dma_wait3A_335 = arith.constant 0 : i32
    %dma_wait3A_336 = tpu.memref_slice %arg14[%dma_wait3A_334, %dma_wait3A_335] : memref<10240x16xf32, #tpu.memory_space<vmem_shared>> -> memref<10240x16xf32, #tpu.memory_space<vmem_shared>>
    tpu.wait_indirect_dma semaphore(%arg24 : memref<!tpu.dma_semaphore, #tpu.memory_space<semaphore_mem>>) src(%arg12 : memref<512x16xf32, #tpu.memory_space<vmem>>) dst(%dma_wait3A_336 : memref<10240x16xf32, #tpu.memory_space<vmem_shared>>)
    %barrier3A_337 = arith.constant 0 : index
    tpu.barrier barrier_id(%barrier3A_337)
    %mul3A_338 = arith.constant 640 : i32
    %mul3A_339 = arith.muli %arg1, %mul3A_338 : i32
    %mul3A_340 = arith.constant 640 : i32
    %mul3A_341 = arith.muli %arg1, %mul3A_340 : i32
    "tpu.region"() ({
      %run_scoped3A = tpu.sem_alloc : memref<!tpu.dma_semaphore, #tpu.memory_space<semaphore_mem>>
      %dma_start3A_342 = arith.constant 0 : i32
      %dma_start3A_343 = tpu.memref_slice %arg5[%arg0, %mul3A_341, %dma_start3A_342] : memref<2x10240x16xf32, #tpu.memory_space<hbm>> -> memref<1x640x16xf32, #tpu.memory_space<hbm>>
      %dma_start3A_344 = tpu.memref_squeeze %dma_start3A_343 : memref<1x640x16xf32, #tpu.memory_space<hbm>> -> memref<640x16xf32, #tpu.memory_space<hbm>>
      %dma_start3A_345 = arith.constant 0 : i32
      %dma_start3A_346 = tpu.memref_slice %arg14[%mul3A_339, %dma_start3A_345] : memref<10240x16xf32, #tpu.memory_space<vmem_shared>> -> memref<640x16xf32, #tpu.memory_space<vmem_shared>>
      tpu.enqueue_dma source(%dma_start3A_346 : memref<640x16xf32, #tpu.memory_space<vmem_shared>>) target(%dma_start3A_344 : memref<640x16xf32, #tpu.memory_space<hbm>>) target_semaphore(%run_scoped3A : memref<!tpu.dma_semaphore, #tpu.memory_space<semaphore_mem>>)
      %dma_wait3A_347 = arith.constant 0 : i32
      %dma_wait3A_348 = tpu.memref_slice %arg5[%arg0, %mul3A_341, %dma_wait3A_347] : memref<2x10240x16xf32, #tpu.memory_space<hbm>> -> memref<1x640x16xf32, #tpu.memory_space<hbm>>
      %dma_wait3A_349 = tpu.memref_squeeze %dma_wait3A_348 : memref<1x640x16xf32, #tpu.memory_space<hbm>> -> memref<640x16xf32, #tpu.memory_space<hbm>>
      %dma_wait3A_350 = arith.constant 0 : i32
      %dma_wait3A_351 = tpu.memref_slice %arg14[%mul3A_339, %dma_wait3A_350] : memref<10240x16xf32, #tpu.memory_space<vmem_shared>> -> memref<640x16xf32, #tpu.memory_space<vmem_shared>>
      tpu.wait_dma2 semaphore(%run_scoped3A : memref<!tpu.dma_semaphore, #tpu.memory_space<semaphore_mem>>) src(%dma_wait3A_351 : memref<640x16xf32, #tpu.memory_space<vmem_shared>>) dst(%dma_wait3A_349 : memref<640x16xf32, #tpu.memory_space<hbm>>)
      tpu.yield
    }) : () -> ()
    return
  }
}

#map = affine_map<(d0, d1) -> (0, 0)>
#map1 = affine_map<(d0, d1) -> (0, 0, 0)>
module attributes {stable_mosaic.version = 14 : i64} {
  func.func @_agg_body(%arg0: i32, %arg1: i32, %arg2: memref<10240x32xf32, #tpu.memory_space<hbm>>, %arg3: memref<32x10x512xi32, #tpu.memory_space<hbm>>, %arg4: memref<32x10x512xi32, #tpu.memory_space<hbm>>, %arg5: memref<2x10240x32xf32, #tpu.memory_space<hbm>>, %arg6: memref<10x512xi32, #tpu.memory_space<vmem>>, %arg7: memref<10x512xi32, #tpu.memory_space<vmem>>, %arg8: memref<512x32xf32, #tpu.memory_space<vmem>>, %arg9: memref<512x32xf32, #tpu.memory_space<vmem>>, %arg10: memref<512x32xf32, #tpu.memory_space<vmem>>, %arg11: memref<512x32xf32, #tpu.memory_space<vmem>>, %arg12: memref<512x32xf32, #tpu.memory_space<vmem>>, %arg13: memref<128x32xf32, #tpu.memory_space<vmem>>, %arg14: memref<10240x32xf32, #tpu.memory_space<vmem_shared>>, %arg15: memref<!tpu.dma_semaphore, #tpu.memory_space<semaphore_mem>>, %arg16: memref<!tpu.dma_semaphore, #tpu.memory_space<semaphore_mem>>, %arg17: memref<!tpu.dma_semaphore, #tpu.memory_space<semaphore_mem>>, %arg18: memref<!tpu.dma_semaphore, #tpu.memory_space<semaphore_mem>>, %arg19: memref<!tpu.dma_semaphore, #tpu.memory_space<semaphore_mem>>, %arg20: memref<!tpu.dma_semaphore, #tpu.memory_space<semaphore_mem>>, %arg21: memref<!tpu.dma_semaphore, #tpu.memory_space<semaphore_mem>>, %arg22: memref<!tpu.dma_semaphore, #tpu.memory_space<semaphore_mem>>, %arg23: memref<!tpu.dma_semaphore, #tpu.memory_space<semaphore_mem>>, %arg24: memref<!tpu.dma_semaphore, #tpu.memory_space<semaphore_mem>>, %arg25: memref<!tpu.dma_semaphore, #tpu.memory_space<semaphore_mem>>) attributes {dimension_semantics = [#tpu.dimension_semantics<core_parallel>, #tpu.dimension_semantics<subcore_parallel>], iteration_bounds = array<i64: 2, 16>, scalar_prefetch = 0 : i64, scratch_operands = 20 : i64, tpu.core_type = #tpu.core_type<sc_vector_subcore>, window_params = [{transform_indices = #map}, {transform_indices = #map1}, {transform_indices = #map1}, {transform_indices = #map1}]} {
    %mul3A = arith.constant 2 : i32
    %mul3A_0 = arith.muli %arg1, %mul3A : i32
    %add3A = arith.addi %mul3A_0, %arg0 : i32
    %dma_start3A = arith.constant 0 : i32
    %dma_start3A_1 = arith.constant 0 : i32
    %dma_start3A_2 = tpu.memref_slice %arg3[%add3A, %dma_start3A, %dma_start3A_1] : memref<32x10x512xi32, #tpu.memory_space<hbm>> -> memref<1x10x512xi32, #tpu.memory_space<hbm>>
    %dma_start3A_3 = tpu.memref_squeeze %dma_start3A_2 : memref<1x10x512xi32, #tpu.memory_space<hbm>> -> memref<10x512xi32, #tpu.memory_space<hbm>>
    %dma_start3A_4 = arith.constant 0 : i32
    %dma_start3A_5 = arith.constant 0 : i32
    %dma_start3A_6 = tpu.memref_slice %arg3[%add3A, %dma_start3A_4, %dma_start3A_5] : memref<32x10x512xi32, #tpu.memory_space<hbm>> -> memref<1x10x512xi32, #tpu.memory_space<hbm>>
    %dma_start3A_7 = tpu.memref_squeeze %dma_start3A_6 : memref<1x10x512xi32, #tpu.memory_space<hbm>> -> memref<10x512xi32, #tpu.memory_space<hbm>>
    tpu.enqueue_dma source(%dma_start3A_7 : memref<10x512xi32, #tpu.memory_space<hbm>>) target(%arg6 : memref<10x512xi32, #tpu.memory_space<vmem>>) target_semaphore(%arg25 : memref<!tpu.dma_semaphore, #tpu.memory_space<semaphore_mem>>)
    %dma_start3A_8 = arith.constant 0 : i32
    %dma_start3A_9 = arith.constant 0 : i32
    %dma_start3A_10 = tpu.memref_slice %arg4[%add3A, %dma_start3A_8, %dma_start3A_9] : memref<32x10x512xi32, #tpu.memory_space<hbm>> -> memref<1x10x512xi32, #tpu.memory_space<hbm>>
    %dma_start3A_11 = tpu.memref_squeeze %dma_start3A_10 : memref<1x10x512xi32, #tpu.memory_space<hbm>> -> memref<10x512xi32, #tpu.memory_space<hbm>>
    %dma_start3A_12 = arith.constant 0 : i32
    %dma_start3A_13 = arith.constant 0 : i32
    %dma_start3A_14 = tpu.memref_slice %arg4[%add3A, %dma_start3A_12, %dma_start3A_13] : memref<32x10x512xi32, #tpu.memory_space<hbm>> -> memref<1x10x512xi32, #tpu.memory_space<hbm>>
    %dma_start3A_15 = tpu.memref_squeeze %dma_start3A_14 : memref<1x10x512xi32, #tpu.memory_space<hbm>> -> memref<10x512xi32, #tpu.memory_space<hbm>>
    tpu.enqueue_dma source(%dma_start3A_15 : memref<10x512xi32, #tpu.memory_space<hbm>>) target(%arg7 : memref<10x512xi32, #tpu.memory_space<vmem>>) target_semaphore(%arg25 : memref<!tpu.dma_semaphore, #tpu.memory_space<semaphore_mem>>)
    %scan3A = arith.constant 0 : i32
    %scan3A_16 = arith.constant 0 : i32
    %scan3A_17 = arith.constant 128 : i32
    %scan3A_18 = arith.addi %scan3A_16, %scan3A_17 : i32
    %scan3A_19 = arith.constant 1 : i32
    %scan3A_20 = scf.for %scan3A_342 = %scan3A_16 to %scan3A_18 step %scan3A_19 iter_args(%scan3A_343 = %scan3A) -> (i32)  : i32 {
      %broadcast_in_dim3A = arith.constant 0.000000e+00 : f32
      %broadcast_in_dim3A_344 = vector.broadcast %broadcast_in_dim3A : f32 to vector<16xf32>
      %swap3A = arith.index_cast %scan3A_342 : i32 to index
      %swap3A_345 = arith.constant 0 : index
      %swap3A_346 = tpu.vector_load %arg13[%swap3A, %swap3A_345] {strides = array<i32>} : memref<128x32xf32, #tpu.memory_space<vmem>>, vector<1x16xf32>,
      %swap3A_347 = vector.shape_cast %swap3A_346 : vector<1x16xf32> to vector<16xf32>
      %swap3A_348 = vector.shape_cast %broadcast_in_dim3A_344 : vector<16xf32> to vector<1x16xf32>
      tpu.vector_store %arg13[%swap3A, %swap3A_345], %swap3A_348 {strides = array<i32>} : memref<128x32xf32, #tpu.memory_space<vmem>>, vector<1x16xf32>,
      %broadcast_in_dim3A_349 = arith.constant 0.000000e+00 : f32
      %broadcast_in_dim3A_350 = vector.broadcast %broadcast_in_dim3A_349 : f32 to vector<16xf32>
      %swap3A_351 = arith.index_cast %scan3A_342 : i32 to index
      %swap3A_352 = arith.constant 16 : index
      %swap3A_353 = tpu.vector_load %arg13[%swap3A_351, %swap3A_352] {strides = array<i32>} : memref<128x32xf32, #tpu.memory_space<vmem>>, vector<1x16xf32>,
      %swap3A_354 = vector.shape_cast %swap3A_353 : vector<1x16xf32> to vector<16xf32>
      %swap3A_355 = vector.shape_cast %broadcast_in_dim3A_350 : vector<16xf32> to vector<1x16xf32>
      tpu.vector_store %arg13[%swap3A_351, %swap3A_352], %swap3A_355 {strides = array<i32>} : memref<128x32xf32, #tpu.memory_space<vmem>>, vector<1x16xf32>,
      %scan3A_356 = arith.constant 0 : i32
      scf.yield %scan3A_356 : i32
    }
    %scan3A_21 = arith.constant 128 : i32
    %mul3A_22 = arith.constant 640 : i32
    %mul3A_23 = arith.muli %arg1, %mul3A_22 : i32
    %add3A_24 = arith.constant 0 : i32
    %add3A_25 = arith.addi %mul3A_23, %add3A_24 : i32
    "tpu.region"() ({
      %run_scoped3A = tpu.sem_alloc : memref<!tpu.dma_semaphore, #tpu.memory_space<semaphore_mem>>
      %dma_start3A_342 = arith.constant 0 : i32
      %dma_start3A_343 = tpu.memref_slice %arg14[%add3A_25, %dma_start3A_342] : memref<10240x32xf32, #tpu.memory_space<vmem_shared>> -> memref<128x32xf32, #tpu.memory_space<vmem_shared>>
      %dma_start3A_344 = arith.constant 0 : i32
      %dma_start3A_345 = tpu.memref_slice %arg14[%add3A_25, %dma_start3A_344] : memref<10240x32xf32, #tpu.memory_space<vmem_shared>> -> memref<128x32xf32, #tpu.memory_space<vmem_shared>>
      tpu.enqueue_dma source(%arg13 : memref<128x32xf32, #tpu.memory_space<vmem>>) target(%dma_start3A_345 : memref<128x32xf32, #tpu.memory_space<vmem_shared>>) target_semaphore(%run_scoped3A : memref<!tpu.dma_semaphore, #tpu.memory_space<semaphore_mem>>)
      %dma_wait3A_346 = arith.constant 0 : i32
      %dma_wait3A_347 = tpu.memref_slice %arg14[%add3A_25, %dma_wait3A_346] : memref<10240x32xf32, #tpu.memory_space<vmem_shared>> -> memref<128x32xf32, #tpu.memory_space<vmem_shared>>
      %dma_wait3A_348 = arith.constant 0 : i32
      %dma_wait3A_349 = tpu.memref_slice %arg14[%add3A_25, %dma_wait3A_348] : memref<10240x32xf32, #tpu.memory_space<vmem_shared>> -> memref<128x32xf32, #tpu.memory_space<vmem_shared>>
      tpu.wait_dma2 semaphore(%run_scoped3A : memref<!tpu.dma_semaphore, #tpu.memory_space<semaphore_mem>>) src(%arg13 : memref<128x32xf32, #tpu.memory_space<vmem>>) dst(%dma_wait3A_349 : memref<128x32xf32, #tpu.memory_space<vmem_shared>>)
      tpu.yield
    }) : () -> ()
    %mul3A_26 = arith.constant 640 : i32
    %mul3A_27 = arith.muli %arg1, %mul3A_26 : i32
    %add3A_28 = arith.constant 128 : i32
    %add3A_29 = arith.addi %mul3A_27, %add3A_28 : i32
    "tpu.region"() ({
      %run_scoped3A = tpu.sem_alloc : memref<!tpu.dma_semaphore, #tpu.memory_space<semaphore_mem>>
      %dma_start3A_342 = arith.constant 0 : i32
      %dma_start3A_343 = tpu.memref_slice %arg14[%add3A_29, %dma_start3A_342] : memref<10240x32xf32, #tpu.memory_space<vmem_shared>> -> memref<128x32xf32, #tpu.memory_space<vmem_shared>>
      %dma_start3A_344 = arith.constant 0 : i32
      %dma_start3A_345 = tpu.memref_slice %arg14[%add3A_29, %dma_start3A_344] : memref<10240x32xf32, #tpu.memory_space<vmem_shared>> -> memref<128x32xf32, #tpu.memory_space<vmem_shared>>
      tpu.enqueue_dma source(%arg13 : memref<128x32xf32, #tpu.memory_space<vmem>>) target(%dma_start3A_345 : memref<128x32xf32, #tpu.memory_space<vmem_shared>>) target_semaphore(%run_scoped3A : memref<!tpu.dma_semaphore, #tpu.memory_space<semaphore_mem>>)
      %dma_wait3A_346 = arith.constant 0 : i32
      %dma_wait3A_347 = tpu.memref_slice %arg14[%add3A_29, %dma_wait3A_346] : memref<10240x32xf32, #tpu.memory_space<vmem_shared>> -> memref<128x32xf32, #tpu.memory_space<vmem_shared>>
      %dma_wait3A_348 = arith.constant 0 : i32
      %dma_wait3A_349 = tpu.memref_slice %arg14[%add3A_29, %dma_wait3A_348] : memref<10240x32xf32, #tpu.memory_space<vmem_shared>> -> memref<128x32xf32, #tpu.memory_space<vmem_shared>>
      tpu.wait_dma2 semaphore(%run_scoped3A : memref<!tpu.dma_semaphore, #tpu.memory_space<semaphore_mem>>) src(%arg13 : memref<128x32xf32, #tpu.memory_space<vmem>>) dst(%dma_wait3A_349 : memref<128x32xf32, #tpu.memory_space<vmem_shared>>)
      tpu.yield
    }) : () -> ()
    %mul3A_30 = arith.constant 640 : i32
    %mul3A_31 = arith.muli %arg1, %mul3A_30 : i32
    %add3A_32 = arith.constant 256 : i32
    %add3A_33 = arith.addi %mul3A_31, %add3A_32 : i32
    "tpu.region"() ({
      %run_scoped3A = tpu.sem_alloc : memref<!tpu.dma_semaphore, #tpu.memory_space<semaphore_mem>>
      %dma_start3A_342 = arith.constant 0 : i32
      %dma_start3A_343 = tpu.memref_slice %arg14[%add3A_33, %dma_start3A_342] : memref<10240x32xf32, #tpu.memory_space<vmem_shared>> -> memref<128x32xf32, #tpu.memory_space<vmem_shared>>
      %dma_start3A_344 = arith.constant 0 : i32
      %dma_start3A_345 = tpu.memref_slice %arg14[%add3A_33, %dma_start3A_344] : memref<10240x32xf32, #tpu.memory_space<vmem_shared>> -> memref<128x32xf32, #tpu.memory_space<vmem_shared>>
      tpu.enqueue_dma source(%arg13 : memref<128x32xf32, #tpu.memory_space<vmem>>) target(%dma_start3A_345 : memref<128x32xf32, #tpu.memory_space<vmem_shared>>) target_semaphore(%run_scoped3A : memref<!tpu.dma_semaphore, #tpu.memory_space<semaphore_mem>>)
      %dma_wait3A_346 = arith.constant 0 : i32
      %dma_wait3A_347 = tpu.memref_slice %arg14[%add3A_33, %dma_wait3A_346] : memref<10240x32xf32, #tpu.memory_space<vmem_shared>> -> memref<128x32xf32, #tpu.memory_space<vmem_shared>>
      %dma_wait3A_348 = arith.constant 0 : i32
      %dma_wait3A_349 = tpu.memref_slice %arg14[%add3A_33, %dma_wait3A_348] : memref<10240x32xf32, #tpu.memory_space<vmem_shared>> -> memref<128x32xf32, #tpu.memory_space<vmem_shared>>
      tpu.wait_dma2 semaphore(%run_scoped3A : memref<!tpu.dma_semaphore, #tpu.memory_space<semaphore_mem>>) src(%arg13 : memref<128x32xf32, #tpu.memory_space<vmem>>) dst(%dma_wait3A_349 : memref<128x32xf32, #tpu.memory_space<vmem_shared>>)
      tpu.yield
    }) : () -> ()
    %mul3A_34 = arith.constant 640 : i32
    %mul3A_35 = arith.muli %arg1, %mul3A_34 : i32
    %add3A_36 = arith.constant 384 : i32
    %add3A_37 = arith.addi %mul3A_35, %add3A_36 : i32
    "tpu.region"() ({
      %run_scoped3A = tpu.sem_alloc : memref<!tpu.dma_semaphore, #tpu.memory_space<semaphore_mem>>
      %dma_start3A_342 = arith.constant 0 : i32
      %dma_start3A_343 = tpu.memref_slice %arg14[%add3A_37, %dma_start3A_342] : memref<10240x32xf32, #tpu.memory_space<vmem_shared>> -> memref<128x32xf32, #tpu.memory_space<vmem_shared>>
      %dma_start3A_344 = arith.constant 0 : i32
      %dma_start3A_345 = tpu.memref_slice %arg14[%add3A_37, %dma_start3A_344] : memref<10240x32xf32, #tpu.memory_space<vmem_shared>> -> memref<128x32xf32, #tpu.memory_space<vmem_shared>>
      tpu.enqueue_dma source(%arg13 : memref<128x32xf32, #tpu.memory_space<vmem>>) target(%dma_start3A_345 : memref<128x32xf32, #tpu.memory_space<vmem_shared>>) target_semaphore(%run_scoped3A : memref<!tpu.dma_semaphore, #tpu.memory_space<semaphore_mem>>)
      %dma_wait3A_346 = arith.constant 0 : i32
      %dma_wait3A_347 = tpu.memref_slice %arg14[%add3A_37, %dma_wait3A_346] : memref<10240x32xf32, #tpu.memory_space<vmem_shared>> -> memref<128x32xf32, #tpu.memory_space<vmem_shared>>
      %dma_wait3A_348 = arith.constant 0 : i32
      %dma_wait3A_349 = tpu.memref_slice %arg14[%add3A_37, %dma_wait3A_348] : memref<10240x32xf32, #tpu.memory_space<vmem_shared>> -> memref<128x32xf32, #tpu.memory_space<vmem_shared>>
      tpu.wait_dma2 semaphore(%run_scoped3A : memref<!tpu.dma_semaphore, #tpu.memory_space<semaphore_mem>>) src(%arg13 : memref<128x32xf32, #tpu.memory_space<vmem>>) dst(%dma_wait3A_349 : memref<128x32xf32, #tpu.memory_space<vmem_shared>>)
      tpu.yield
    }) : () -> ()
    %mul3A_38 = arith.constant 640 : i32
    %mul3A_39 = arith.muli %arg1, %mul3A_38 : i32
    %add3A_40 = arith.constant 512 : i32
    %add3A_41 = arith.addi %mul3A_39, %add3A_40 : i32
    "tpu.region"() ({
      %run_scoped3A = tpu.sem_alloc : memref<!tpu.dma_semaphore, #tpu.memory_space<semaphore_mem>>
      %dma_start3A_342 = arith.constant 0 : i32
      %dma_start3A_343 = tpu.memref_slice %arg14[%add3A_41, %dma_start3A_342] : memref<10240x32xf32, #tpu.memory_space<vmem_shared>> -> memref<128x32xf32, #tpu.memory_space<vmem_shared>>
      %dma_start3A_344 = arith.constant 0 : i32
      %dma_start3A_345 = tpu.memref_slice %arg14[%add3A_41, %dma_start3A_344] : memref<10240x32xf32, #tpu.memory_space<vmem_shared>> -> memref<128x32xf32, #tpu.memory_space<vmem_shared>>
      tpu.enqueue_dma source(%arg13 : memref<128x32xf32, #tpu.memory_space<vmem>>) target(%dma_start3A_345 : memref<128x32xf32, #tpu.memory_space<vmem_shared>>) target_semaphore(%run_scoped3A : memref<!tpu.dma_semaphore, #tpu.memory_space<semaphore_mem>>)
      %dma_wait3A_346 = arith.constant 0 : i32
      %dma_wait3A_347 = tpu.memref_slice %arg14[%add3A_41, %dma_wait3A_346] : memref<10240x32xf32, #tpu.memory_space<vmem_shared>> -> memref<128x32xf32, #tpu.memory_space<vmem_shared>>
      %dma_wait3A_348 = arith.constant 0 : i32
      %dma_wait3A_349 = tpu.memref_slice %arg14[%add3A_41, %dma_wait3A_348] : memref<10240x32xf32, #tpu.memory_space<vmem_shared>> -> memref<128x32xf32, #tpu.memory_space<vmem_shared>>
      tpu.wait_dma2 semaphore(%run_scoped3A : memref<!tpu.dma_semaphore, #tpu.memory_space<semaphore_mem>>) src(%arg13 : memref<128x32xf32, #tpu.memory_space<vmem>>) dst(%dma_wait3A_349 : memref<128x32xf32, #tpu.memory_space<vmem_shared>>)
      tpu.yield
    }) : () -> ()
    %dma_wait3A = arith.constant 0 : i32
    %dma_wait3A_42 = arith.constant 0 : i32
    %dma_wait3A_43 = tpu.memref_slice %arg3[%add3A, %dma_wait3A, %dma_wait3A_42] : memref<32x10x512xi32, #tpu.memory_space<hbm>> -> memref<1x10x512xi32, #tpu.memory_space<hbm>>
    %dma_wait3A_44 = tpu.memref_squeeze %dma_wait3A_43 : memref<1x10x512xi32, #tpu.memory_space<hbm>> -> memref<10x512xi32, #tpu.memory_space<hbm>>
    %dma_wait3A_45 = arith.constant 0 : i32
    %dma_wait3A_46 = arith.constant 0 : i32
    %dma_wait3A_47 = tpu.memref_slice %arg3[%add3A, %dma_wait3A_45, %dma_wait3A_46] : memref<32x10x512xi32, #tpu.memory_space<hbm>> -> memref<1x10x512xi32, #tpu.memory_space<hbm>>
    %dma_wait3A_48 = tpu.memref_squeeze %dma_wait3A_47 : memref<1x10x512xi32, #tpu.memory_space<hbm>> -> memref<10x512xi32, #tpu.memory_space<hbm>>
    tpu.wait_dma2 semaphore(%arg25 : memref<!tpu.dma_semaphore, #tpu.memory_space<semaphore_mem>>) src(%dma_wait3A_48 : memref<10x512xi32, #tpu.memory_space<hbm>>) dst(%arg6 : memref<10x512xi32, #tpu.memory_space<vmem>>)
    %dma_wait3A_49 = arith.constant 0 : i32
    %dma_wait3A_50 = arith.constant 0 : i32
    %dma_wait3A_51 = tpu.memref_slice %arg4[%add3A, %dma_wait3A_49, %dma_wait3A_50] : memref<32x10x512xi32, #tpu.memory_space<hbm>> -> memref<1x10x512xi32, #tpu.memory_space<hbm>>
    %dma_wait3A_52 = tpu.memref_squeeze %dma_wait3A_51 : memref<1x10x512xi32, #tpu.memory_space<hbm>> -> memref<10x512xi32, #tpu.memory_space<hbm>>
    %dma_wait3A_53 = arith.constant 0 : i32
    %dma_wait3A_54 = arith.constant 0 : i32
    %dma_wait3A_55 = tpu.memref_slice %arg4[%add3A, %dma_wait3A_53, %dma_wait3A_54] : memref<32x10x512xi32, #tpu.memory_space<hbm>> -> memref<1x10x512xi32, #tpu.memory_space<hbm>>
    %dma_wait3A_56 = tpu.memref_squeeze %dma_wait3A_55 : memref<1x10x512xi32, #tpu.memory_space<hbm>> -> memref<10x512xi32, #tpu.memory_space<hbm>>
    tpu.wait_dma2 semaphore(%arg25 : memref<!tpu.dma_semaphore, #tpu.memory_space<semaphore_mem>>) src(%dma_wait3A_56 : memref<10x512xi32, #tpu.memory_space<hbm>>) dst(%arg7 : memref<10x512xi32, #tpu.memory_space<vmem>>)
    %barrier3A = arith.constant 0 : index
    tpu.barrier barrier_id(%barrier3A)
    %dma_start3A_57 = arith.constant 0 : i32
    %dma_start3A_58 = arith.constant 0 : i32
    %dma_start3A_59 = tpu.memref_slice %arg6[%dma_start3A_57, %dma_start3A_58] : memref<10x512xi32, #tpu.memory_space<vmem>> -> memref<1x512xi32, #tpu.memory_space<vmem>>
    %dma_start3A_60 = tpu.memref_squeeze %dma_start3A_59 : memref<1x512xi32, #tpu.memory_space<vmem>> -> memref<512xi32, #tpu.memory_space<vmem>>
    %dma_start3A_61 = arith.constant 0 : i32
    %dma_start3A_62 = arith.constant 0 : i32
    %dma_start3A_63 = tpu.memref_slice %arg2[%dma_start3A_61, %dma_start3A_62] : memref<10240x32xf32, #tpu.memory_space<hbm>> -> memref<10240x32xf32, #tpu.memory_space<hbm>>
    tpu.enqueue_indirect_dma source(%dma_start3A_63 : memref<10240x32xf32, #tpu.memory_space<hbm>>) target(%arg8 : memref<512x32xf32, #tpu.memory_space<vmem>>) offsets(%dma_start3A_60 : memref<512xi32, #tpu.memory_space<vmem>>) semaphore(%arg15 : memref<!tpu.dma_semaphore, #tpu.memory_space<semaphore_mem>>)
    %dma_start3A_64 = arith.constant 1 : i32
    %dma_start3A_65 = arith.constant 0 : i32
    %dma_start3A_66 = tpu.memref_slice %arg6[%dma_start3A_64, %dma_start3A_65] : memref<10x512xi32, #tpu.memory_space<vmem>> -> memref<1x512xi32, #tpu.memory_space<vmem>>
    %dma_start3A_67 = tpu.memref_squeeze %dma_start3A_66 : memref<1x512xi32, #tpu.memory_space<vmem>> -> memref<512xi32, #tpu.memory_space<vmem>>
    %dma_start3A_68 = arith.constant 0 : i32
    %dma_start3A_69 = arith.constant 0 : i32
    %dma_start3A_70 = tpu.memref_slice %arg2[%dma_start3A_68, %dma_start3A_69] : memref<10240x32xf32, #tpu.memory_space<hbm>> -> memref<10240x32xf32, #tpu.memory_space<hbm>>
    tpu.enqueue_indirect_dma source(%dma_start3A_70 : memref<10240x32xf32, #tpu.memory_space<hbm>>) target(%arg9 : memref<512x32xf32, #tpu.memory_space<vmem>>) offsets(%dma_start3A_67 : memref<512xi32, #tpu.memory_space<vmem>>) semaphore(%arg16 : memref<!tpu.dma_semaphore, #tpu.memory_space<semaphore_mem>>)
    %dma_wait3A_71 = arith.constant 0 : i32
    %dma_wait3A_72 = arith.constant 0 : i32
    %dma_wait3A_73 = tpu.memref_slice %arg6[%dma_wait3A_71, %dma_wait3A_72] : memref<10x512xi32, #tpu.memory_space<vmem>> -> memref<1x512xi32, #tpu.memory_space<vmem>>
    %dma_wait3A_74 = tpu.memref_squeeze %dma_wait3A_73 : memref<1x512xi32, #tpu.memory_space<vmem>> -> memref<512xi32, #tpu.memory_space<vmem>>
    %dma_wait3A_75 = arith.constant 0 : i32
    %dma_wait3A_76 = arith.constant 0 : i32
    %dma_wait3A_77 = tpu.memref_slice %arg2[%dma_wait3A_75, %dma_wait3A_76] : memref<10240x32xf32, #tpu.memory_space<hbm>> -> memref<10240x32xf32, #tpu.memory_space<hbm>>
    tpu.wait_indirect_dma semaphore(%arg15 : memref<!tpu.dma_semaphore, #tpu.memory_space<semaphore_mem>>) src(%dma_wait3A_77 : memref<10240x32xf32, #tpu.memory_space<hbm>>) dst(%arg8 : memref<512x32xf32, #tpu.memory_space<vmem>>)
    %dma_start3A_78 = arith.constant 0 : i32
    %dma_start3A_79 = arith.constant 0 : i32
    %dma_start3A_80 = tpu.memref_slice %arg7[%dma_start3A_78, %dma_start3A_79] : memref<10x512xi32, #tpu.memory_space<vmem>> -> memref<1x512xi32, #tpu.memory_space<vmem>>
    %dma_start3A_81 = tpu.memref_squeeze %dma_start3A_80 : memref<1x512xi32, #tpu.memory_space<vmem>> -> memref<512xi32, #tpu.memory_space<vmem>>
    %dma_start3A_82 = arith.constant 0 : i32
    %dma_start3A_83 = arith.constant 0 : i32
    %dma_start3A_84 = tpu.memref_slice %arg14[%dma_start3A_82, %dma_start3A_83] : memref<10240x32xf32, #tpu.memory_space<vmem_shared>> -> memref<10240x32xf32, #tpu.memory_space<vmem_shared>>
    tpu.enqueue_indirect_dma source(%arg8 : memref<512x32xf32, #tpu.memory_space<vmem>>) target(%dma_start3A_84 : memref<10240x32xf32, #tpu.memory_space<vmem_shared>>) offsets(%dma_start3A_81 : memref<512xi32, #tpu.memory_space<vmem>>) semaphore(%arg20 : memref<!tpu.dma_semaphore, #tpu.memory_space<semaphore_mem>>) {add = true}
    %dma_start3A_85 = arith.constant 2 : i32
    %dma_start3A_86 = arith.constant 0 : i32
    %dma_start3A_87 = tpu.memref_slice %arg6[%dma_start3A_85, %dma_start3A_86] : memref<10x512xi32, #tpu.memory_space<vmem>> -> memref<1x512xi32, #tpu.memory_space<vmem>>
    %dma_start3A_88 = tpu.memref_squeeze %dma_start3A_87 : memref<1x512xi32, #tpu.memory_space<vmem>> -> memref<512xi32, #tpu.memory_space<vmem>>
    %dma_start3A_89 = arith.constant 0 : i32
    %dma_start3A_90 = arith.constant 0 : i32
    %dma_start3A_91 = tpu.memref_slice %arg2[%dma_start3A_89, %dma_start3A_90] : memref<10240x32xf32, #tpu.memory_space<hbm>> -> memref<10240x32xf32, #tpu.memory_space<hbm>>
    tpu.enqueue_indirect_dma source(%dma_start3A_91 : memref<10240x32xf32, #tpu.memory_space<hbm>>) target(%arg10 : memref<512x32xf32, #tpu.memory_space<vmem>>) offsets(%dma_start3A_88 : memref<512xi32, #tpu.memory_space<vmem>>) semaphore(%arg17 : memref<!tpu.dma_semaphore, #tpu.memory_space<semaphore_mem>>)
    %dma_wait3A_92 = arith.constant 1 : i32
    %dma_wait3A_93 = arith.constant 0 : i32
    %dma_wait3A_94 = tpu.memref_slice %arg6[%dma_wait3A_92, %dma_wait3A_93] : memref<10x512xi32, #tpu.memory_space<vmem>> -> memref<1x512xi32, #tpu.memory_space<vmem>>
    %dma_wait3A_95 = tpu.memref_squeeze %dma_wait3A_94 : memref<1x512xi32, #tpu.memory_space<vmem>> -> memref<512xi32, #tpu.memory_space<vmem>>
    %dma_wait3A_96 = arith.constant 0 : i32
    %dma_wait3A_97 = arith.constant 0 : i32
    %dma_wait3A_98 = tpu.memref_slice %arg2[%dma_wait3A_96, %dma_wait3A_97] : memref<10240x32xf32, #tpu.memory_space<hbm>> -> memref<10240x32xf32, #tpu.memory_space<hbm>>
    tpu.wait_indirect_dma semaphore(%arg16 : memref<!tpu.dma_semaphore, #tpu.memory_space<semaphore_mem>>) src(%dma_wait3A_98 : memref<10240x32xf32, #tpu.memory_space<hbm>>) dst(%arg9 : memref<512x32xf32, #tpu.memory_space<vmem>>)
    %dma_start3A_99 = arith.constant 1 : i32
    %dma_start3A_100 = arith.constant 0 : i32
    %dma_start3A_101 = tpu.memref_slice %arg7[%dma_start3A_99, %dma_start3A_100] : memref<10x512xi32, #tpu.memory_space<vmem>> -> memref<1x512xi32, #tpu.memory_space<vmem>>
    %dma_start3A_102 = tpu.memref_squeeze %dma_start3A_101 : memref<1x512xi32, #tpu.memory_space<vmem>> -> memref<512xi32, #tpu.memory_space<vmem>>
    %dma_start3A_103 = arith.constant 0 : i32
    %dma_start3A_104 = arith.constant 0 : i32
    %dma_start3A_105 = tpu.memref_slice %arg14[%dma_start3A_103, %dma_start3A_104] : memref<10240x32xf32, #tpu.memory_space<vmem_shared>> -> memref<10240x32xf32, #tpu.memory_space<vmem_shared>>
    tpu.enqueue_indirect_dma source(%arg9 : memref<512x32xf32, #tpu.memory_space<vmem>>) target(%dma_start3A_105 : memref<10240x32xf32, #tpu.memory_space<vmem_shared>>) offsets(%dma_start3A_102 : memref<512xi32, #tpu.memory_space<vmem>>) semaphore(%arg21 : memref<!tpu.dma_semaphore, #tpu.memory_space<semaphore_mem>>) {add = true}
    %dma_start3A_106 = arith.constant 3 : i32
    %dma_start3A_107 = arith.constant 0 : i32
    %dma_start3A_108 = tpu.memref_slice %arg6[%dma_start3A_106, %dma_start3A_107] : memref<10x512xi32, #tpu.memory_space<vmem>> -> memref<1x512xi32, #tpu.memory_space<vmem>>
    %dma_start3A_109 = tpu.memref_squeeze %dma_start3A_108 : memref<1x512xi32, #tpu.memory_space<vmem>> -> memref<512xi32, #tpu.memory_space<vmem>>
    %dma_start3A_110 = arith.constant 0 : i32
    %dma_start3A_111 = arith.constant 0 : i32
    %dma_start3A_112 = tpu.memref_slice %arg2[%dma_start3A_110, %dma_start3A_111] : memref<10240x32xf32, #tpu.memory_space<hbm>> -> memref<10240x32xf32, #tpu.memory_space<hbm>>
    tpu.enqueue_indirect_dma source(%dma_start3A_112 : memref<10240x32xf32, #tpu.memory_space<hbm>>) target(%arg11 : memref<512x32xf32, #tpu.memory_space<vmem>>) offsets(%dma_start3A_109 : memref<512xi32, #tpu.memory_space<vmem>>) semaphore(%arg18 : memref<!tpu.dma_semaphore, #tpu.memory_space<semaphore_mem>>)
    %dma_wait3A_113 = arith.constant 2 : i32
    %dma_wait3A_114 = arith.constant 0 : i32
    %dma_wait3A_115 = tpu.memref_slice %arg6[%dma_wait3A_113, %dma_wait3A_114] : memref<10x512xi32, #tpu.memory_space<vmem>> -> memref<1x512xi32, #tpu.memory_space<vmem>>
    %dma_wait3A_116 = tpu.memref_squeeze %dma_wait3A_115 : memref<1x512xi32, #tpu.memory_space<vmem>> -> memref<512xi32, #tpu.memory_space<vmem>>
    %dma_wait3A_117 = arith.constant 0 : i32
    %dma_wait3A_118 = arith.constant 0 : i32
    %dma_wait3A_119 = tpu.memref_slice %arg2[%dma_wait3A_117, %dma_wait3A_118] : memref<10240x32xf32, #tpu.memory_space<hbm>> -> memref<10240x32xf32, #tpu.memory_space<hbm>>
    tpu.wait_indirect_dma semaphore(%arg17 : memref<!tpu.dma_semaphore, #tpu.memory_space<semaphore_mem>>) src(%dma_wait3A_119 : memref<10240x32xf32, #tpu.memory_space<hbm>>) dst(%arg10 : memref<512x32xf32, #tpu.memory_space<vmem>>)
    %dma_start3A_120 = arith.constant 2 : i32
    %dma_start3A_121 = arith.constant 0 : i32
    %dma_start3A_122 = tpu.memref_slice %arg7[%dma_start3A_120, %dma_start3A_121] : memref<10x512xi32, #tpu.memory_space<vmem>> -> memref<1x512xi32, #tpu.memory_space<vmem>>
    %dma_start3A_123 = tpu.memref_squeeze %dma_start3A_122 : memref<1x512xi32, #tpu.memory_space<vmem>> -> memref<512xi32, #tpu.memory_space<vmem>>
    %dma_start3A_124 = arith.constant 0 : i32
    %dma_start3A_125 = arith.constant 0 : i32
    %dma_start3A_126 = tpu.memref_slice %arg14[%dma_start3A_124, %dma_start3A_125] : memref<10240x32xf32, #tpu.memory_space<vmem_shared>> -> memref<10240x32xf32, #tpu.memory_space<vmem_shared>>
    tpu.enqueue_indirect_dma source(%arg10 : memref<512x32xf32, #tpu.memory_space<vmem>>) target(%dma_start3A_126 : memref<10240x32xf32, #tpu.memory_space<vmem_shared>>) offsets(%dma_start3A_123 : memref<512xi32, #tpu.memory_space<vmem>>) semaphore(%arg22 : memref<!tpu.dma_semaphore, #tpu.memory_space<semaphore_mem>>) {add = true}
    %dma_start3A_127 = arith.constant 4 : i32
    %dma_start3A_128 = arith.constant 0 : i32
    %dma_start3A_129 = tpu.memref_slice %arg6[%dma_start3A_127, %dma_start3A_128] : memref<10x512xi32, #tpu.memory_space<vmem>> -> memref<1x512xi32, #tpu.memory_space<vmem>>
    %dma_start3A_130 = tpu.memref_squeeze %dma_start3A_129 : memref<1x512xi32, #tpu.memory_space<vmem>> -> memref<512xi32, #tpu.memory_space<vmem>>
    %dma_start3A_131 = arith.constant 0 : i32
    %dma_start3A_132 = arith.constant 0 : i32
    %dma_start3A_133 = tpu.memref_slice %arg2[%dma_start3A_131, %dma_start3A_132] : memref<10240x32xf32, #tpu.memory_space<hbm>> -> memref<10240x32xf32, #tpu.memory_space<hbm>>
    tpu.enqueue_indirect_dma source(%dma_start3A_133 : memref<10240x32xf32, #tpu.memory_space<hbm>>) target(%arg12 : memref<512x32xf32, #tpu.memory_space<vmem>>) offsets(%dma_start3A_130 : memref<512xi32, #tpu.memory_space<vmem>>) semaphore(%arg19 : memref<!tpu.dma_semaphore, #tpu.memory_space<semaphore_mem>>)
    %dma_wait3A_134 = arith.constant 3 : i32
    %dma_wait3A_135 = arith.constant 0 : i32
    %dma_wait3A_136 = tpu.memref_slice %arg6[%dma_wait3A_134, %dma_wait3A_135] : memref<10x512xi32, #tpu.memory_space<vmem>> -> memref<1x512xi32, #tpu.memory_space<vmem>>
    %dma_wait3A_137 = tpu.memref_squeeze %dma_wait3A_136 : memref<1x512xi32, #tpu.memory_space<vmem>> -> memref<512xi32, #tpu.memory_space<vmem>>
    %dma_wait3A_138 = arith.constant 0 : i32
    %dma_wait3A_139 = arith.constant 0 : i32
    %dma_wait3A_140 = tpu.memref_slice %arg2[%dma_wait3A_138, %dma_wait3A_139] : memref<10240x32xf32, #tpu.memory_space<hbm>> -> memref<10240x32xf32, #tpu.memory_space<hbm>>
    tpu.wait_indirect_dma semaphore(%arg18 : memref<!tpu.dma_semaphore, #tpu.memory_space<semaphore_mem>>) src(%dma_wait3A_140 : memref<10240x32xf32, #tpu.memory_space<hbm>>) dst(%arg11 : memref<512x32xf32, #tpu.memory_space<vmem>>)
    %dma_start3A_141 = arith.constant 3 : i32
    %dma_start3A_142 = arith.constant 0 : i32
    %dma_start3A_143 = tpu.memref_slice %arg7[%dma_start3A_141, %dma_start3A_142] : memref<10x512xi32, #tpu.memory_space<vmem>> -> memref<1x512xi32, #tpu.memory_space<vmem>>
    %dma_start3A_144 = tpu.memref_squeeze %dma_start3A_143 : memref<1x512xi32, #tpu.memory_space<vmem>> -> memref<512xi32, #tpu.memory_space<vmem>>
    %dma_start3A_145 = arith.constant 0 : i32
    %dma_start3A_146 = arith.constant 0 : i32
    %dma_start3A_147 = tpu.memref_slice %arg14[%dma_start3A_145, %dma_start3A_146] : memref<10240x32xf32, #tpu.memory_space<vmem_shared>> -> memref<10240x32xf32, #tpu.memory_space<vmem_shared>>
    tpu.enqueue_indirect_dma source(%arg11 : memref<512x32xf32, #tpu.memory_space<vmem>>) target(%dma_start3A_147 : memref<10240x32xf32, #tpu.memory_space<vmem_shared>>) offsets(%dma_start3A_144 : memref<512xi32, #tpu.memory_space<vmem>>) semaphore(%arg23 : memref<!tpu.dma_semaphore, #tpu.memory_space<semaphore_mem>>) {add = true}
    %dma_wait3A_148 = arith.constant 0 : i32
    %dma_wait3A_149 = arith.constant 0 : i32
    %dma_wait3A_150 = tpu.memref_slice %arg7[%dma_wait3A_148, %dma_wait3A_149] : memref<10x512xi32, #tpu.memory_space<vmem>> -> memref<1x512xi32, #tpu.memory_space<vmem>>
    %dma_wait3A_151 = tpu.memref_squeeze %dma_wait3A_150 : memref<1x512xi32, #tpu.memory_space<vmem>> -> memref<512xi32, #tpu.memory_space<vmem>>
    %dma_wait3A_152 = arith.constant 0 : i32
    %dma_wait3A_153 = arith.constant 0 : i32
    %dma_wait3A_154 = tpu.memref_slice %arg14[%dma_wait3A_152, %dma_wait3A_153] : memref<10240x32xf32, #tpu.memory_space<vmem_shared>> -> memref<10240x32xf32, #tpu.memory_space<vmem_shared>>
    tpu.wait_indirect_dma semaphore(%arg20 : memref<!tpu.dma_semaphore, #tpu.memory_space<semaphore_mem>>) src(%arg8 : memref<512x32xf32, #tpu.memory_space<vmem>>) dst(%dma_wait3A_154 : memref<10240x32xf32, #tpu.memory_space<vmem_shared>>)
    %dma_start3A_155 = arith.constant 5 : i32
    %dma_start3A_156 = arith.constant 0 : i32
    %dma_start3A_157 = tpu.memref_slice %arg6[%dma_start3A_155, %dma_start3A_156] : memref<10x512xi32, #tpu.memory_space<vmem>> -> memref<1x512xi32, #tpu.memory_space<vmem>>
    %dma_start3A_158 = tpu.memref_squeeze %dma_start3A_157 : memref<1x512xi32, #tpu.memory_space<vmem>> -> memref<512xi32, #tpu.memory_space<vmem>>
    %dma_start3A_159 = arith.constant 0 : i32
    %dma_start3A_160 = arith.constant 0 : i32
    %dma_start3A_161 = tpu.memref_slice %arg2[%dma_start3A_159, %dma_start3A_160] : memref<10240x32xf32, #tpu.memory_space<hbm>> -> memref<10240x32xf32, #tpu.memory_space<hbm>>
    tpu.enqueue_indirect_dma source(%dma_start3A_161 : memref<10240x32xf32, #tpu.memory_space<hbm>>) target(%arg8 : memref<512x32xf32, #tpu.memory_space<vmem>>) offsets(%dma_start3A_158 : memref<512xi32, #tpu.memory_space<vmem>>) semaphore(%arg15 : memref<!tpu.dma_semaphore, #tpu.memory_space<semaphore_mem>>)
    %dma_wait3A_162 = arith.constant 4 : i32
    %dma_wait3A_163 = arith.constant 0 : i32
    %dma_wait3A_164 = tpu.memref_slice %arg6[%dma_wait3A_162, %dma_wait3A_163] : memref<10x512xi32, #tpu.memory_space<vmem>> -> memref<1x512xi32, #tpu.memory_space<vmem>>
    %dma_wait3A_165 = tpu.memref_squeeze %dma_wait3A_164 : memref<1x512xi32, #tpu.memory_space<vmem>> -> memref<512xi32, #tpu.memory_space<vmem>>
    %dma_wait3A_166 = arith.constant 0 : i32
    %dma_wait3A_167 = arith.constant 0 : i32
    %dma_wait3A_168 = tpu.memref_slice %arg2[%dma_wait3A_166, %dma_wait3A_167] : memref<10240x32xf32, #tpu.memory_space<hbm>> -> memref<10240x32xf32, #tpu.memory_space<hbm>>
    tpu.wait_indirect_dma semaphore(%arg19 : memref<!tpu.dma_semaphore, #tpu.memory_space<semaphore_mem>>) src(%dma_wait3A_168 : memref<10240x32xf32, #tpu.memory_space<hbm>>) dst(%arg12 : memref<512x32xf32, #tpu.memory_space<vmem>>)
    %dma_start3A_169 = arith.constant 4 : i32
    %dma_start3A_170 = arith.constant 0 : i32
    %dma_start3A_171 = tpu.memref_slice %arg7[%dma_start3A_169, %dma_start3A_170] : memref<10x512xi32, #tpu.memory_space<vmem>> -> memref<1x512xi32, #tpu.memory_space<vmem>>
    %dma_start3A_172 = tpu.memref_squeeze %dma_start3A_171 : memref<1x512xi32, #tpu.memory_space<vmem>> -> memref<512xi32, #tpu.memory_space<vmem>>
    %dma_start3A_173 = arith.constant 0 : i32
    %dma_start3A_174 = arith.constant 0 : i32
    %dma_start3A_175 = tpu.memref_slice %arg14[%dma_start3A_173, %dma_start3A_174] : memref<10240x32xf32, #tpu.memory_space<vmem_shared>> -> memref<10240x32xf32, #tpu.memory_space<vmem_shared>>
    tpu.enqueue_indirect_dma source(%arg12 : memref<512x32xf32, #tpu.memory_space<vmem>>) target(%dma_start3A_175 : memref<10240x32xf32, #tpu.memory_space<vmem_shared>>) offsets(%dma_start3A_172 : memref<512xi32, #tpu.memory_space<vmem>>) semaphore(%arg24 : memref<!tpu.dma_semaphore, #tpu.memory_space<semaphore_mem>>) {add = true}
    %dma_wait3A_176 = arith.constant 1 : i32
    %dma_wait3A_177 = arith.constant 0 : i32
    %dma_wait3A_178 = tpu.memref_slice %arg7[%dma_wait3A_176, %dma_wait3A_177] : memref<10x512xi32, #tpu.memory_space<vmem>> -> memref<1x512xi32, #tpu.memory_space<vmem>>
    %dma_wait3A_179 = tpu.memref_squeeze %dma_wait3A_178 : memref<1x512xi32, #tpu.memory_space<vmem>> -> memref<512xi32, #tpu.memory_space<vmem>>
    %dma_wait3A_180 = arith.constant 0 : i32
    %dma_wait3A_181 = arith.constant 0 : i32
    %dma_wait3A_182 = tpu.memref_slice %arg14[%dma_wait3A_180, %dma_wait3A_181] : memref<10240x32xf32, #tpu.memory_space<vmem_shared>> -> memref<10240x32xf32, #tpu.memory_space<vmem_shared>>
    tpu.wait_indirect_dma semaphore(%arg21 : memref<!tpu.dma_semaphore, #tpu.memory_space<semaphore_mem>>) src(%arg9 : memref<512x32xf32, #tpu.memory_space<vmem>>) dst(%dma_wait3A_182 : memref<10240x32xf32, #tpu.memory_space<vmem_shared>>)
    %dma_start3A_183 = arith.constant 6 : i32
    %dma_start3A_184 = arith.constant 0 : i32
    %dma_start3A_185 = tpu.memref_slice %arg6[%dma_start3A_183, %dma_start3A_184] : memref<10x512xi32, #tpu.memory_space<vmem>> -> memref<1x512xi32, #tpu.memory_space<vmem>>
    %dma_start3A_186 = tpu.memref_squeeze %dma_start3A_185 : memref<1x512xi32, #tpu.memory_space<vmem>> -> memref<512xi32, #tpu.memory_space<vmem>>
    %dma_start3A_187 = arith.constant 0 : i32
    %dma_start3A_188 = arith.constant 0 : i32
    %dma_start3A_189 = tpu.memref_slice %arg2[%dma_start3A_187, %dma_start3A_188] : memref<10240x32xf32, #tpu.memory_space<hbm>> -> memref<10240x32xf32, #tpu.memory_space<hbm>>
    tpu.enqueue_indirect_dma source(%dma_start3A_189 : memref<10240x32xf32, #tpu.memory_space<hbm>>) target(%arg9 : memref<512x32xf32, #tpu.memory_space<vmem>>) offsets(%dma_start3A_186 : memref<512xi32, #tpu.memory_space<vmem>>) semaphore(%arg16 : memref<!tpu.dma_semaphore, #tpu.memory_space<semaphore_mem>>)
    %dma_wait3A_190 = arith.constant 5 : i32
    %dma_wait3A_191 = arith.constant 0 : i32
    %dma_wait3A_192 = tpu.memref_slice %arg6[%dma_wait3A_190, %dma_wait3A_191] : memref<10x512xi32, #tpu.memory_space<vmem>> -> memref<1x512xi32, #tpu.memory_space<vmem>>
    %dma_wait3A_193 = tpu.memref_squeeze %dma_wait3A_192 : memref<1x512xi32, #tpu.memory_space<vmem>> -> memref<512xi32, #tpu.memory_space<vmem>>
    %dma_wait3A_194 = arith.constant 0 : i32
    %dma_wait3A_195 = arith.constant 0 : i32
    %dma_wait3A_196 = tpu.memref_slice %arg2[%dma_wait3A_194, %dma_wait3A_195] : memref<10240x32xf32, #tpu.memory_space<hbm>> -> memref<10240x32xf32, #tpu.memory_space<hbm>>
    tpu.wait_indirect_dma semaphore(%arg15 : memref<!tpu.dma_semaphore, #tpu.memory_space<semaphore_mem>>) src(%dma_wait3A_196 : memref<10240x32xf32, #tpu.memory_space<hbm>>) dst(%arg8 : memref<512x32xf32, #tpu.memory_space<vmem>>)
    %dma_start3A_197 = arith.constant 5 : i32
    %dma_start3A_198 = arith.constant 0 : i32
    %dma_start3A_199 = tpu.memref_slice %arg7[%dma_start3A_197, %dma_start3A_198] : memref<10x512xi32, #tpu.memory_space<vmem>> -> memref<1x512xi32, #tpu.memory_space<vmem>>
    %dma_start3A_200 = tpu.memref_squeeze %dma_start3A_199 : memref<1x512xi32, #tpu.memory_space<vmem>> -> memref<512xi32, #tpu.memory_space<vmem>>
    %dma_start3A_201 = arith.constant 0 : i32
    %dma_start3A_202 = arith.constant 0 : i32
    %dma_start3A_203 = tpu.memref_slice %arg14[%dma_start3A_201, %dma_start3A_202] : memref<10240x32xf32, #tpu.memory_space<vmem_shared>> -> memref<10240x32xf32, #tpu.memory_space<vmem_shared>>
    tpu.enqueue_indirect_dma source(%arg8 : memref<512x32xf32, #tpu.memory_space<vmem>>) target(%dma_start3A_203 : memref<10240x32xf32, #tpu.memory_space<vmem_shared>>) offsets(%dma_start3A_200 : memref<512xi32, #tpu.memory_space<vmem>>) semaphore(%arg20 : memref<!tpu.dma_semaphore, #tpu.memory_space<semaphore_mem>>) {add = true}
    %dma_wait3A_204 = arith.constant 2 : i32
    %dma_wait3A_205 = arith.constant 0 : i32
    %dma_wait3A_206 = tpu.memref_slice %arg7[%dma_wait3A_204, %dma_wait3A_205] : memref<10x512xi32, #tpu.memory_space<vmem>> -> memref<1x512xi32, #tpu.memory_space<vmem>>
    %dma_wait3A_207 = tpu.memref_squeeze %dma_wait3A_206 : memref<1x512xi32, #tpu.memory_space<vmem>> -> memref<512xi32, #tpu.memory_space<vmem>>
    %dma_wait3A_208 = arith.constant 0 : i32
    %dma_wait3A_209 = arith.constant 0 : i32
    %dma_wait3A_210 = tpu.memref_slice %arg14[%dma_wait3A_208, %dma_wait3A_209] : memref<10240x32xf32, #tpu.memory_space<vmem_shared>> -> memref<10240x32xf32, #tpu.memory_space<vmem_shared>>
    tpu.wait_indirect_dma semaphore(%arg22 : memref<!tpu.dma_semaphore, #tpu.memory_space<semaphore_mem>>) src(%arg10 : memref<512x32xf32, #tpu.memory_space<vmem>>) dst(%dma_wait3A_210 : memref<10240x32xf32, #tpu.memory_space<vmem_shared>>)
    %dma_start3A_211 = arith.constant 7 : i32
    %dma_start3A_212 = arith.constant 0 : i32
    %dma_start3A_213 = tpu.memref_slice %arg6[%dma_start3A_211, %dma_start3A_212] : memref<10x512xi32, #tpu.memory_space<vmem>> -> memref<1x512xi32, #tpu.memory_space<vmem>>
    %dma_start3A_214 = tpu.memref_squeeze %dma_start3A_213 : memref<1x512xi32, #tpu.memory_space<vmem>> -> memref<512xi32, #tpu.memory_space<vmem>>
    %dma_start3A_215 = arith.constant 0 : i32
    %dma_start3A_216 = arith.constant 0 : i32
    %dma_start3A_217 = tpu.memref_slice %arg2[%dma_start3A_215, %dma_start3A_216] : memref<10240x32xf32, #tpu.memory_space<hbm>> -> memref<10240x32xf32, #tpu.memory_space<hbm>>
    tpu.enqueue_indirect_dma source(%dma_start3A_217 : memref<10240x32xf32, #tpu.memory_space<hbm>>) target(%arg10 : memref<512x32xf32, #tpu.memory_space<vmem>>) offsets(%dma_start3A_214 : memref<512xi32, #tpu.memory_space<vmem>>) semaphore(%arg17 : memref<!tpu.dma_semaphore, #tpu.memory_space<semaphore_mem>>)
    %dma_wait3A_218 = arith.constant 6 : i32
    %dma_wait3A_219 = arith.constant 0 : i32
    %dma_wait3A_220 = tpu.memref_slice %arg6[%dma_wait3A_218, %dma_wait3A_219] : memref<10x512xi32, #tpu.memory_space<vmem>> -> memref<1x512xi32, #tpu.memory_space<vmem>>
    %dma_wait3A_221 = tpu.memref_squeeze %dma_wait3A_220 : memref<1x512xi32, #tpu.memory_space<vmem>> -> memref<512xi32, #tpu.memory_space<vmem>>
    %dma_wait3A_222 = arith.constant 0 : i32
    %dma_wait3A_223 = arith.constant 0 : i32
    %dma_wait3A_224 = tpu.memref_slice %arg2[%dma_wait3A_222, %dma_wait3A_223] : memref<10240x32xf32, #tpu.memory_space<hbm>> -> memref<10240x32xf32, #tpu.memory_space<hbm>>
    tpu.wait_indirect_dma semaphore(%arg16 : memref<!tpu.dma_semaphore, #tpu.memory_space<semaphore_mem>>) src(%dma_wait3A_224 : memref<10240x32xf32, #tpu.memory_space<hbm>>) dst(%arg9 : memref<512x32xf32, #tpu.memory_space<vmem>>)
    %dma_start3A_225 = arith.constant 6 : i32
    %dma_start3A_226 = arith.constant 0 : i32
    %dma_start3A_227 = tpu.memref_slice %arg7[%dma_start3A_225, %dma_start3A_226] : memref<10x512xi32, #tpu.memory_space<vmem>> -> memref<1x512xi32, #tpu.memory_space<vmem>>
    %dma_start3A_228 = tpu.memref_squeeze %dma_start3A_227 : memref<1x512xi32, #tpu.memory_space<vmem>> -> memref<512xi32, #tpu.memory_space<vmem>>
    %dma_start3A_229 = arith.constant 0 : i32
    %dma_start3A_230 = arith.constant 0 : i32
    %dma_start3A_231 = tpu.memref_slice %arg14[%dma_start3A_229, %dma_start3A_230] : memref<10240x32xf32, #tpu.memory_space<vmem_shared>> -> memref<10240x32xf32, #tpu.memory_space<vmem_shared>>
    tpu.enqueue_indirect_dma source(%arg9 : memref<512x32xf32, #tpu.memory_space<vmem>>) target(%dma_start3A_231 : memref<10240x32xf32, #tpu.memory_space<vmem_shared>>) offsets(%dma_start3A_228 : memref<512xi32, #tpu.memory_space<vmem>>) semaphore(%arg21 : memref<!tpu.dma_semaphore, #tpu.memory_space<semaphore_mem>>) {add = true}
    %dma_wait3A_232 = arith.constant 3 : i32
    %dma_wait3A_233 = arith.constant 0 : i32
    %dma_wait3A_234 = tpu.memref_slice %arg7[%dma_wait3A_232, %dma_wait3A_233] : memref<10x512xi32, #tpu.memory_space<vmem>> -> memref<1x512xi32, #tpu.memory_space<vmem>>
    %dma_wait3A_235 = tpu.memref_squeeze %dma_wait3A_234 : memref<1x512xi32, #tpu.memory_space<vmem>> -> memref<512xi32, #tpu.memory_space<vmem>>
    %dma_wait3A_236 = arith.constant 0 : i32
    %dma_wait3A_237 = arith.constant 0 : i32
    %dma_wait3A_238 = tpu.memref_slice %arg14[%dma_wait3A_236, %dma_wait3A_237] : memref<10240x32xf32, #tpu.memory_space<vmem_shared>> -> memref<10240x32xf32, #tpu.memory_space<vmem_shared>>
    tpu.wait_indirect_dma semaphore(%arg23 : memref<!tpu.dma_semaphore, #tpu.memory_space<semaphore_mem>>) src(%arg11 : memref<512x32xf32, #tpu.memory_space<vmem>>) dst(%dma_wait3A_238 : memref<10240x32xf32, #tpu.memory_space<vmem_shared>>)
    %dma_start3A_239 = arith.constant 8 : i32
    %dma_start3A_240 = arith.constant 0 : i32
    %dma_start3A_241 = tpu.memref_slice %arg6[%dma_start3A_239, %dma_start3A_240] : memref<10x512xi32, #tpu.memory_space<vmem>> -> memref<1x512xi32, #tpu.memory_space<vmem>>
    %dma_start3A_242 = tpu.memref_squeeze %dma_start3A_241 : memref<1x512xi32, #tpu.memory_space<vmem>> -> memref<512xi32, #tpu.memory_space<vmem>>
    %dma_start3A_243 = arith.constant 0 : i32
    %dma_start3A_244 = arith.constant 0 : i32
    %dma_start3A_245 = tpu.memref_slice %arg2[%dma_start3A_243, %dma_start3A_244] : memref<10240x32xf32, #tpu.memory_space<hbm>> -> memref<10240x32xf32, #tpu.memory_space<hbm>>
    tpu.enqueue_indirect_dma source(%dma_start3A_245 : memref<10240x32xf32, #tpu.memory_space<hbm>>) target(%arg11 : memref<512x32xf32, #tpu.memory_space<vmem>>) offsets(%dma_start3A_242 : memref<512xi32, #tpu.memory_space<vmem>>) semaphore(%arg18 : memref<!tpu.dma_semaphore, #tpu.memory_space<semaphore_mem>>)
    %dma_wait3A_246 = arith.constant 7 : i32
    %dma_wait3A_247 = arith.constant 0 : i32
    %dma_wait3A_248 = tpu.memref_slice %arg6[%dma_wait3A_246, %dma_wait3A_247] : memref<10x512xi32, #tpu.memory_space<vmem>> -> memref<1x512xi32, #tpu.memory_space<vmem>>
    %dma_wait3A_249 = tpu.memref_squeeze %dma_wait3A_248 : memref<1x512xi32, #tpu.memory_space<vmem>> -> memref<512xi32, #tpu.memory_space<vmem>>
    %dma_wait3A_250 = arith.constant 0 : i32
    %dma_wait3A_251 = arith.constant 0 : i32
    %dma_wait3A_252 = tpu.memref_slice %arg2[%dma_wait3A_250, %dma_wait3A_251] : memref<10240x32xf32, #tpu.memory_space<hbm>> -> memref<10240x32xf32, #tpu.memory_space<hbm>>
    tpu.wait_indirect_dma semaphore(%arg17 : memref<!tpu.dma_semaphore, #tpu.memory_space<semaphore_mem>>) src(%dma_wait3A_252 : memref<10240x32xf32, #tpu.memory_space<hbm>>) dst(%arg10 : memref<512x32xf32, #tpu.memory_space<vmem>>)
    %dma_start3A_253 = arith.constant 7 : i32
    %dma_start3A_254 = arith.constant 0 : i32
    %dma_start3A_255 = tpu.memref_slice %arg7[%dma_start3A_253, %dma_start3A_254] : memref<10x512xi32, #tpu.memory_space<vmem>> -> memref<1x512xi32, #tpu.memory_space<vmem>>
    %dma_start3A_256 = tpu.memref_squeeze %dma_start3A_255 : memref<1x512xi32, #tpu.memory_space<vmem>> -> memref<512xi32, #tpu.memory_space<vmem>>
    %dma_start3A_257 = arith.constant 0 : i32
    %dma_start3A_258 = arith.constant 0 : i32
    %dma_start3A_259 = tpu.memref_slice %arg14[%dma_start3A_257, %dma_start3A_258] : memref<10240x32xf32, #tpu.memory_space<vmem_shared>> -> memref<10240x32xf32, #tpu.memory_space<vmem_shared>>
    tpu.enqueue_indirect_dma source(%arg10 : memref<512x32xf32, #tpu.memory_space<vmem>>) target(%dma_start3A_259 : memref<10240x32xf32, #tpu.memory_space<vmem_shared>>) offsets(%dma_start3A_256 : memref<512xi32, #tpu.memory_space<vmem>>) semaphore(%arg22 : memref<!tpu.dma_semaphore, #tpu.memory_space<semaphore_mem>>) {add = true}
    %dma_wait3A_260 = arith.constant 4 : i32
    %dma_wait3A_261 = arith.constant 0 : i32
    %dma_wait3A_262 = tpu.memref_slice %arg7[%dma_wait3A_260, %dma_wait3A_261] : memref<10x512xi32, #tpu.memory_space<vmem>> -> memref<1x512xi32, #tpu.memory_space<vmem>>
    %dma_wait3A_263 = tpu.memref_squeeze %dma_wait3A_262 : memref<1x512xi32, #tpu.memory_space<vmem>> -> memref<512xi32, #tpu.memory_space<vmem>>
    %dma_wait3A_264 = arith.constant 0 : i32
    %dma_wait3A_265 = arith.constant 0 : i32
    %dma_wait3A_266 = tpu.memref_slice %arg14[%dma_wait3A_264, %dma_wait3A_265] : memref<10240x32xf32, #tpu.memory_space<vmem_shared>> -> memref<10240x32xf32, #tpu.memory_space<vmem_shared>>
    tpu.wait_indirect_dma semaphore(%arg24 : memref<!tpu.dma_semaphore, #tpu.memory_space<semaphore_mem>>) src(%arg12 : memref<512x32xf32, #tpu.memory_space<vmem>>) dst(%dma_wait3A_266 : memref<10240x32xf32, #tpu.memory_space<vmem_shared>>)
    %dma_start3A_267 = arith.constant 9 : i32
    %dma_start3A_268 = arith.constant 0 : i32
    %dma_start3A_269 = tpu.memref_slice %arg6[%dma_start3A_267, %dma_start3A_268] : memref<10x512xi32, #tpu.memory_space<vmem>> -> memref<1x512xi32, #tpu.memory_space<vmem>>
    %dma_start3A_270 = tpu.memref_squeeze %dma_start3A_269 : memref<1x512xi32, #tpu.memory_space<vmem>> -> memref<512xi32, #tpu.memory_space<vmem>>
    %dma_start3A_271 = arith.constant 0 : i32
    %dma_start3A_272 = arith.constant 0 : i32
    %dma_start3A_273 = tpu.memref_slice %arg2[%dma_start3A_271, %dma_start3A_272] : memref<10240x32xf32, #tpu.memory_space<hbm>> -> memref<10240x32xf32, #tpu.memory_space<hbm>>
    tpu.enqueue_indirect_dma source(%dma_start3A_273 : memref<10240x32xf32, #tpu.memory_space<hbm>>) target(%arg12 : memref<512x32xf32, #tpu.memory_space<vmem>>) offsets(%dma_start3A_270 : memref<512xi32, #tpu.memory_space<vmem>>) semaphore(%arg19 : memref<!tpu.dma_semaphore, #tpu.memory_space<semaphore_mem>>)
    %dma_wait3A_274 = arith.constant 8 : i32
    %dma_wait3A_275 = arith.constant 0 : i32
    %dma_wait3A_276 = tpu.memref_slice %arg6[%dma_wait3A_274, %dma_wait3A_275] : memref<10x512xi32, #tpu.memory_space<vmem>> -> memref<1x512xi32, #tpu.memory_space<vmem>>
    %dma_wait3A_277 = tpu.memref_squeeze %dma_wait3A_276 : memref<1x512xi32, #tpu.memory_space<vmem>> -> memref<512xi32, #tpu.memory_space<vmem>>
    %dma_wait3A_278 = arith.constant 0 : i32
    %dma_wait3A_279 = arith.constant 0 : i32
    %dma_wait3A_280 = tpu.memref_slice %arg2[%dma_wait3A_278, %dma_wait3A_279] : memref<10240x32xf32, #tpu.memory_space<hbm>> -> memref<10240x32xf32, #tpu.memory_space<hbm>>
    tpu.wait_indirect_dma semaphore(%arg18 : memref<!tpu.dma_semaphore, #tpu.memory_space<semaphore_mem>>) src(%dma_wait3A_280 : memref<10240x32xf32, #tpu.memory_space<hbm>>) dst(%arg11 : memref<512x32xf32, #tpu.memory_space<vmem>>)
    %dma_start3A_281 = arith.constant 8 : i32
    %dma_start3A_282 = arith.constant 0 : i32
    %dma_start3A_283 = tpu.memref_slice %arg7[%dma_start3A_281, %dma_start3A_282] : memref<10x512xi32, #tpu.memory_space<vmem>> -> memref<1x512xi32, #tpu.memory_space<vmem>>
    %dma_start3A_284 = tpu.memref_squeeze %dma_start3A_283 : memref<1x512xi32, #tpu.memory_space<vmem>> -> memref<512xi32, #tpu.memory_space<vmem>>
    %dma_start3A_285 = arith.constant 0 : i32
    %dma_start3A_286 = arith.constant 0 : i32
    %dma_start3A_287 = tpu.memref_slice %arg14[%dma_start3A_285, %dma_start3A_286] : memref<10240x32xf32, #tpu.memory_space<vmem_shared>> -> memref<10240x32xf32, #tpu.memory_space<vmem_shared>>
    tpu.enqueue_indirect_dma source(%arg11 : memref<512x32xf32, #tpu.memory_space<vmem>>) target(%dma_start3A_287 : memref<10240x32xf32, #tpu.memory_space<vmem_shared>>) offsets(%dma_start3A_284 : memref<512xi32, #tpu.memory_space<vmem>>) semaphore(%arg23 : memref<!tpu.dma_semaphore, #tpu.memory_space<semaphore_mem>>) {add = true}
    %dma_wait3A_288 = arith.constant 5 : i32
    %dma_wait3A_289 = arith.constant 0 : i32
    %dma_wait3A_290 = tpu.memref_slice %arg7[%dma_wait3A_288, %dma_wait3A_289] : memref<10x512xi32, #tpu.memory_space<vmem>> -> memref<1x512xi32, #tpu.memory_space<vmem>>
    %dma_wait3A_291 = tpu.memref_squeeze %dma_wait3A_290 : memref<1x512xi32, #tpu.memory_space<vmem>> -> memref<512xi32, #tpu.memory_space<vmem>>
    %dma_wait3A_292 = arith.constant 0 : i32
    %dma_wait3A_293 = arith.constant 0 : i32
    %dma_wait3A_294 = tpu.memref_slice %arg14[%dma_wait3A_292, %dma_wait3A_293] : memref<10240x32xf32, #tpu.memory_space<vmem_shared>> -> memref<10240x32xf32, #tpu.memory_space<vmem_shared>>
    tpu.wait_indirect_dma semaphore(%arg20 : memref<!tpu.dma_semaphore, #tpu.memory_space<semaphore_mem>>) src(%arg8 : memref<512x32xf32, #tpu.memory_space<vmem>>) dst(%dma_wait3A_294 : memref<10240x32xf32, #tpu.memory_space<vmem_shared>>)
    %dma_wait3A_295 = arith.constant 9 : i32
    %dma_wait3A_296 = arith.constant 0 : i32
    %dma_wait3A_297 = tpu.memref_slice %arg6[%dma_wait3A_295, %dma_wait3A_296] : memref<10x512xi32, #tpu.memory_space<vmem>> -> memref<1x512xi32, #tpu.memory_space<vmem>>
    %dma_wait3A_298 = tpu.memref_squeeze %dma_wait3A_297 : memref<1x512xi32, #tpu.memory_space<vmem>> -> memref<512xi32, #tpu.memory_space<vmem>>
    %dma_wait3A_299 = arith.constant 0 : i32
    %dma_wait3A_300 = arith.constant 0 : i32
    %dma_wait3A_301 = tpu.memref_slice %arg2[%dma_wait3A_299, %dma_wait3A_300] : memref<10240x32xf32, #tpu.memory_space<hbm>> -> memref<10240x32xf32, #tpu.memory_space<hbm>>
    tpu.wait_indirect_dma semaphore(%arg19 : memref<!tpu.dma_semaphore, #tpu.memory_space<semaphore_mem>>) src(%dma_wait3A_301 : memref<10240x32xf32, #tpu.memory_space<hbm>>) dst(%arg12 : memref<512x32xf32, #tpu.memory_space<vmem>>)
    %dma_start3A_302 = arith.constant 9 : i32
    %dma_start3A_303 = arith.constant 0 : i32
    %dma_start3A_304 = tpu.memref_slice %arg7[%dma_start3A_302, %dma_start3A_303] : memref<10x512xi32, #tpu.memory_space<vmem>> -> memref<1x512xi32, #tpu.memory_space<vmem>>
    %dma_start3A_305 = tpu.memref_squeeze %dma_start3A_304 : memref<1x512xi32, #tpu.memory_space<vmem>> -> memref<512xi32, #tpu.memory_space<vmem>>
    %dma_start3A_306 = arith.constant 0 : i32
    %dma_start3A_307 = arith.constant 0 : i32
    %dma_start3A_308 = tpu.memref_slice %arg14[%dma_start3A_306, %dma_start3A_307] : memref<10240x32xf32, #tpu.memory_space<vmem_shared>> -> memref<10240x32xf32, #tpu.memory_space<vmem_shared>>
    tpu.enqueue_indirect_dma source(%arg12 : memref<512x32xf32, #tpu.memory_space<vmem>>) target(%dma_start3A_308 : memref<10240x32xf32, #tpu.memory_space<vmem_shared>>) offsets(%dma_start3A_305 : memref<512xi32, #tpu.memory_space<vmem>>) semaphore(%arg24 : memref<!tpu.dma_semaphore, #tpu.memory_space<semaphore_mem>>) {add = true}
    %dma_wait3A_309 = arith.constant 6 : i32
    %dma_wait3A_310 = arith.constant 0 : i32
    %dma_wait3A_311 = tpu.memref_slice %arg7[%dma_wait3A_309, %dma_wait3A_310] : memref<10x512xi32, #tpu.memory_space<vmem>> -> memref<1x512xi32, #tpu.memory_space<vmem>>
    %dma_wait3A_312 = tpu.memref_squeeze %dma_wait3A_311 : memref<1x512xi32, #tpu.memory_space<vmem>> -> memref<512xi32, #tpu.memory_space<vmem>>
    %dma_wait3A_313 = arith.constant 0 : i32
    %dma_wait3A_314 = arith.constant 0 : i32
    %dma_wait3A_315 = tpu.memref_slice %arg14[%dma_wait3A_313, %dma_wait3A_314] : memref<10240x32xf32, #tpu.memory_space<vmem_shared>> -> memref<10240x32xf32, #tpu.memory_space<vmem_shared>>
    tpu.wait_indirect_dma semaphore(%arg21 : memref<!tpu.dma_semaphore, #tpu.memory_space<semaphore_mem>>) src(%arg9 : memref<512x32xf32, #tpu.memory_space<vmem>>) dst(%dma_wait3A_315 : memref<10240x32xf32, #tpu.memory_space<vmem_shared>>)
    %dma_wait3A_316 = arith.constant 7 : i32
    %dma_wait3A_317 = arith.constant 0 : i32
    %dma_wait3A_318 = tpu.memref_slice %arg7[%dma_wait3A_316, %dma_wait3A_317] : memref<10x512xi32, #tpu.memory_space<vmem>> -> memref<1x512xi32, #tpu.memory_space<vmem>>
    %dma_wait3A_319 = tpu.memref_squeeze %dma_wait3A_318 : memref<1x512xi32, #tpu.memory_space<vmem>> -> memref<512xi32, #tpu.memory_space<vmem>>
    %dma_wait3A_320 = arith.constant 0 : i32
    %dma_wait3A_321 = arith.constant 0 : i32
    %dma_wait3A_322 = tpu.memref_slice %arg14[%dma_wait3A_320, %dma_wait3A_321] : memref<10240x32xf32, #tpu.memory_space<vmem_shared>> -> memref<10240x32xf32, #tpu.memory_space<vmem_shared>>
    tpu.wait_indirect_dma semaphore(%arg22 : memref<!tpu.dma_semaphore, #tpu.memory_space<semaphore_mem>>) src(%arg10 : memref<512x32xf32, #tpu.memory_space<vmem>>) dst(%dma_wait3A_322 : memref<10240x32xf32, #tpu.memory_space<vmem_shared>>)
    %dma_wait3A_323 = arith.constant 8 : i32
    %dma_wait3A_324 = arith.constant 0 : i32
    %dma_wait3A_325 = tpu.memref_slice %arg7[%dma_wait3A_323, %dma_wait3A_324] : memref<10x512xi32, #tpu.memory_space<vmem>> -> memref<1x512xi32, #tpu.memory_space<vmem>>
    %dma_wait3A_326 = tpu.memref_squeeze %dma_wait3A_325 : memref<1x512xi32, #tpu.memory_space<vmem>> -> memref<512xi32, #tpu.memory_space<vmem>>
    %dma_wait3A_327 = arith.constant 0 : i32
    %dma_wait3A_328 = arith.constant 0 : i32
    %dma_wait3A_329 = tpu.memref_slice %arg14[%dma_wait3A_327, %dma_wait3A_328] : memref<10240x32xf32, #tpu.memory_space<vmem_shared>> -> memref<10240x32xf32, #tpu.memory_space<vmem_shared>>
    tpu.wait_indirect_dma semaphore(%arg23 : memref<!tpu.dma_semaphore, #tpu.memory_space<semaphore_mem>>) src(%arg11 : memref<512x32xf32, #tpu.memory_space<vmem>>) dst(%dma_wait3A_329 : memref<10240x32xf32, #tpu.memory_space<vmem_shared>>)
    %dma_wait3A_330 = arith.constant 9 : i32
    %dma_wait3A_331 = arith.constant 0 : i32
    %dma_wait3A_332 = tpu.memref_slice %arg7[%dma_wait3A_330, %dma_wait3A_331] : memref<10x512xi32, #tpu.memory_space<vmem>> -> memref<1x512xi32, #tpu.memory_space<vmem>>
    %dma_wait3A_333 = tpu.memref_squeeze %dma_wait3A_332 : memref<1x512xi32, #tpu.memory_space<vmem>> -> memref<512xi32, #tpu.memory_space<vmem>>
    %dma_wait3A_334 = arith.constant 0 : i32
    %dma_wait3A_335 = arith.constant 0 : i32
    %dma_wait3A_336 = tpu.memref_slice %arg14[%dma_wait3A_334, %dma_wait3A_335] : memref<10240x32xf32, #tpu.memory_space<vmem_shared>> -> memref<10240x32xf32, #tpu.memory_space<vmem_shared>>
    tpu.wait_indirect_dma semaphore(%arg24 : memref<!tpu.dma_semaphore, #tpu.memory_space<semaphore_mem>>) src(%arg12 : memref<512x32xf32, #tpu.memory_space<vmem>>) dst(%dma_wait3A_336 : memref<10240x32xf32, #tpu.memory_space<vmem_shared>>)
    %barrier3A_337 = arith.constant 0 : index
    tpu.barrier barrier_id(%barrier3A_337)
    %mul3A_338 = arith.constant 640 : i32
    %mul3A_339 = arith.muli %arg1, %mul3A_338 : i32
    %mul3A_340 = arith.constant 640 : i32
    %mul3A_341 = arith.muli %arg1, %mul3A_340 : i32
    "tpu.region"() ({
      %run_scoped3A = tpu.sem_alloc : memref<!tpu.dma_semaphore, #tpu.memory_space<semaphore_mem>>
      %dma_start3A_342 = arith.constant 0 : i32
      %dma_start3A_343 = tpu.memref_slice %arg5[%arg0, %mul3A_341, %dma_start3A_342] : memref<2x10240x32xf32, #tpu.memory_space<hbm>> -> memref<1x640x32xf32, #tpu.memory_space<hbm>>
      %dma_start3A_344 = tpu.memref_squeeze %dma_start3A_343 : memref<1x640x32xf32, #tpu.memory_space<hbm>> -> memref<640x32xf32, #tpu.memory_space<hbm>>
      %dma_start3A_345 = arith.constant 0 : i32
      %dma_start3A_346 = tpu.memref_slice %arg14[%mul3A_339, %dma_start3A_345] : memref<10240x32xf32, #tpu.memory_space<vmem_shared>> -> memref<640x32xf32, #tpu.memory_space<vmem_shared>>
      tpu.enqueue_dma source(%dma_start3A_346 : memref<640x32xf32, #tpu.memory_space<vmem_shared>>) target(%dma_start3A_344 : memref<640x32xf32, #tpu.memory_space<hbm>>) target_semaphore(%run_scoped3A : memref<!tpu.dma_semaphore, #tpu.memory_space<semaphore_mem>>)
      %dma_wait3A_347 = arith.constant 0 : i32
      %dma_wait3A_348 = tpu.memref_slice %arg5[%arg0, %mul3A_341, %dma_wait3A_347] : memref<2x10240x32xf32, #tpu.memory_space<hbm>> -> memref<1x640x32xf32, #tpu.memory_space<hbm>>
      %dma_wait3A_349 = tpu.memref_squeeze %dma_wait3A_348 : memref<1x640x32xf32, #tpu.memory_space<hbm>> -> memref<640x32xf32, #tpu.memory_space<hbm>>
      %dma_wait3A_350 = arith.constant 0 : i32
      %dma_wait3A_351 = tpu.memref_slice %arg14[%mul3A_339, %dma_wait3A_350] : memref<10240x32xf32, #tpu.memory_space<vmem_shared>> -> memref<640x32xf32, #tpu.memory_space<vmem_shared>>
      tpu.wait_dma2 semaphore(%run_scoped3A : memref<!tpu.dma_semaphore, #tpu.memory_space<semaphore_mem>>) src(%dma_wait3A_351 : memref<640x32xf32, #tpu.memory_space<vmem_shared>>) dst(%dma_wait3A_349 : memref<640x32xf32, #tpu.memory_space<hbm>>)
      tpu.yield
    }) : () -> ()
    return
  }
}

module attributes {stable_mosaic.version = 14 : i64} {
  func.func @_mm1_body(%arg0: i32, %arg1: memref<1024x256xf32, #tpu.memory_space<vmem>>, %arg2: memref<256x32xf32, #tpu.memory_space<vmem>>, %arg3: memref<2x1024xf32, #tpu.memory_space<vmem>>, %arg4: memref<256x128xf32, #tpu.memory_space<vmem>>) attributes {dimension_semantics = [#tpu.dimension_semantics<arbitrary>], iteration_bounds = array<i64: 10>, scalar_prefetch = 0 : i64, scratch_operands = 0 : i64, tpu.core_type = #tpu.core_type<tc>, window_params = [{transform_indices = @transform_0, window_bounds = array<i64: 1024, 256>}, {pipeline_mode = #tpu.pipeline_mode<synchronous>, transform_indices = @transform_1, window_bounds = array<i64: 256, 32>}, {transform_indices = @transform_2, window_bounds = array<i64: 2, 1024>}, {transform_indices = @transform_3, window_bounds = array<i64: 256, 128>}]} {
    %get3A = arith.constant 0 : index
    %get3A_0 = arith.constant 0 : index
    %get3A_1 = vector.load %arg3[%get3A, %get3A_0] : memref<2x1024xf32, #tpu.memory_space<vmem>>, vector<2x1024xf32>
    %slice3A = vector.extract_strided_slice %get3A_1 {offsets = [0, 0], sizes = [1, 1024], strides = [1, 1]} : vector<2x1024xf32> to vector<1x1024xf32>
    %squeeze3A = vector.shape_cast %slice3A : vector<1x1024xf32> to vector<1024xf32>
    %slice3A_2 = vector.extract_strided_slice %get3A_1 {offsets = [1, 0], sizes = [1, 1024], strides = [1, 1]} : vector<2x1024xf32> to vector<1x1024xf32>
    %squeeze3A_3 = vector.shape_cast %slice3A_2 : vector<1x1024xf32> to vector<1024xf32>
    %add3A = arith.addf %squeeze3A, %squeeze3A_3 : vector<1024xf32>
    %add3A_4 = arith.constant 1.000000e+00 : f32
    %add3A_5 = vector.broadcast %add3A_4 : f32 to vector<1024xf32>
    %add3A_6 = arith.addf %add3A, %add3A_5 : vector<1024xf32>
    %rsqrt3A = math.rsqrt %add3A_6 : vector<1024xf32>
    %broadcast_in_dim3A = vector.shape_cast %rsqrt3A : vector<1024xf32> to vector<1024x1xf32>
    %get3A_7 = arith.constant 0 : index
    %get3A_8 = arith.constant 0 : index
    %get3A_9 = vector.load %arg1[%get3A_7, %get3A_8] : memref<1024x256xf32, #tpu.memory_space<vmem>>, vector<1024x256xf32>
    %get3A_10 = arith.constant 0 : index
    %get3A_11 = arith.constant 0 : index
    %get3A_12 = vector.load %arg2[%get3A_10, %get3A_11] : memref<256x32xf32, #tpu.memory_space<vmem>>, vector<256x32xf32>
    %dot_general3A = arith.constant dense<0.000000e+00> : vector<1024x32xf32>
    %dot_general3A_13 = tpu.matmul %get3A_9, %get3A_12, %dot_general3A {dimension_numbers = #tpu.dot_dimension_numbers<[1], [0], [0], [1], [0, 0, 1, 1], [], []>, transpose_lhs_hint = false} : vector<1024x256xf32>, vector<256x32xf32>, vector<1024x32xf32> -> vector<1024x32xf32>
    %mul3A = vector.broadcast %broadcast_in_dim3A : vector<1024x1xf32> to vector<1024x32xf32>
    %mul3A_14 = arith.mulf %dot_general3A_13, %mul3A : vector<1024x32xf32>
    %iota3A = tpu.iota {dimensions = array<i32: 0>} : vector<256x1024xi32>
    %iota3A_15 = tpu.iota {dimensions = array<i32: 1>} : vector<256x1024xi32>
    %mul3A_16 = arith.constant 4 : i32
    %mul3A_17 = vector.broadcast %mul3A_16 : i32 to vector<256x1024xi32>
    %mul3A_18 = arith.muli %mul3A_17, %iota3A : vector<256x1024xi32>
    %add3A_19 = arith.constant 0 : i32
    %add3A_20 = vector.broadcast %add3A_19 : i32 to vector<256x1024xi32>
    %add3A_21 = arith.addi %mul3A_18, %add3A_20 : vector<256x1024xi32>
    %eq3A = arith.cmpi eq, %iota3A_15, %add3A_21 : vector<256x1024xi32>
    %jit3A = arith.constant 1.000000e+00 : f32
    %jit3A_22 = arith.constant 0.000000e+00 : f32
    %broadcast_in_dim3A_23 = vector.broadcast %jit3A : f32 to vector<256x1024xf32>
    %broadcast_in_dim3A_24 = vector.broadcast %jit3A_22 : f32 to vector<256x1024xf32>
    %select_n3A = arith.select %eq3A, %broadcast_in_dim3A_23, %broadcast_in_dim3A_24 : vector<256x1024xi1>, vector<256x1024xf32>
    %dot_general3A_25 = arith.constant dense<0.000000e+00> : vector<256x32xf32>
    %dot_general3A_26 = tpu.matmul %select_n3A, %mul3A_14, %dot_general3A_25 {dimension_numbers = #tpu.dot_dimension_numbers<[1], [0], [0], [1], [0, 0, 1, 1], [], []>, transpose_lhs_hint = false} : vector<256x1024xf32>, vector<1024x32xf32>, vector<256x32xf32> -> vector<256x32xf32>
    %jit3A_27 = arith.constant 0 : i32
    %convert_element_type3A = arith.sitofp %jit3A_27 : i32 to f32
    %pad3A = vector.broadcast %convert_element_type3A : f32 to vector<256x96xf32>
    %pad3A_28 = tpu.concatenate %dot_general3A_26, %pad3A in 1 : vector<256x32xf32>, vector<256x96xf32> -> vector<256x128xf32>
    %iota3A_29 = tpu.iota {dimensions = array<i32: 0>} : vector<256x1024xi32>
    %iota3A_30 = tpu.iota {dimensions = array<i32: 1>} : vector<256x1024xi32>
    %mul3A_31 = arith.constant 4 : i32
    %mul3A_32 = vector.broadcast %mul3A_31 : i32 to vector<256x1024xi32>
    %mul3A_33 = arith.muli %mul3A_32, %iota3A_29 : vector<256x1024xi32>
    %add3A_34 = arith.constant 1 : i32
    %add3A_35 = vector.broadcast %add3A_34 : i32 to vector<256x1024xi32>
    %add3A_36 = arith.addi %mul3A_33, %add3A_35 : vector<256x1024xi32>
    %eq3A_37 = arith.cmpi eq, %iota3A_30, %add3A_36 : vector<256x1024xi32>
    %jit3A_38 = arith.constant 1.000000e+00 : f32
    %jit3A_39 = arith.constant 0.000000e+00 : f32
    %broadcast_in_dim3A_40 = vector.broadcast %jit3A_38 : f32 to vector<256x1024xf32>
    %broadcast_in_dim3A_41 = vector.broadcast %jit3A_39 : f32 to vector<256x1024xf32>
    %select_n3A_42 = arith.select %eq3A_37, %broadcast_in_dim3A_40, %broadcast_in_dim3A_41 : vector<256x1024xi1>, vector<256x1024xf32>
    %dot_general3A_43 = arith.constant dense<0.000000e+00> : vector<256x32xf32>
    %dot_general3A_44 = tpu.matmul %select_n3A_42, %mul3A_14, %dot_general3A_43 {dimension_numbers = #tpu.dot_dimension_numbers<[1], [0], [0], [1], [0, 0, 1, 1], [], []>, transpose_lhs_hint = false} : vector<256x1024xf32>, vector<1024x32xf32>, vector<256x32xf32> -> vector<256x32xf32>
    %jit3A_45 = arith.constant 0 : i32
    %convert_element_type3A_46 = arith.sitofp %jit3A_45 : i32 to f32
    %pad3A_47 = vector.broadcast %convert_element_type3A_46 : f32 to vector<256x32xf32>
    %pad3A_48 = tpu.concatenate %pad3A_47, %dot_general3A_44 in 1 : vector<256x32xf32>, vector<256x32xf32> -> vector<256x64xf32>
    %pad3A_49 = vector.broadcast %convert_element_type3A_46 : f32 to vector<256x64xf32>
    %pad3A_50 = tpu.concatenate %pad3A_48, %pad3A_49 in 1 : vector<256x64xf32>, vector<256x64xf32> -> vector<256x128xf32>
    %add3A_51 = arith.addf %pad3A_28, %pad3A_50 : vector<256x128xf32>
    %iota3A_52 = tpu.iota {dimensions = array<i32: 0>} : vector<256x1024xi32>
    %iota3A_53 = tpu.iota {dimensions = array<i32: 1>} : vector<256x1024xi32>
    %mul3A_54 = arith.constant 4 : i32
    %mul3A_55 = vector.broadcast %mul3A_54 : i32 to vector<256x1024xi32>
    %mul3A_56 = arith.muli %mul3A_55, %iota3A_52 : vector<256x1024xi32>
    %add3A_57 = arith.constant 2 : i32
    %add3A_58 = vector.broadcast %add3A_57 : i32 to vector<256x1024xi32>
    %add3A_59 = arith.addi %mul3A_56, %add3A_58 : vector<256x1024xi32>
    %eq3A_60 = arith.cmpi eq, %iota3A_53, %add3A_59 : vector<256x1024xi32>
    %jit3A_61 = arith.constant 1.000000e+00 : f32
    %jit3A_62 = arith.constant 0.000000e+00 : f32
    %broadcast_in_dim3A_63 = vector.broadcast %jit3A_61 : f32 to vector<256x1024xf32>
    %broadcast_in_dim3A_64 = vector.broadcast %jit3A_62 : f32 to vector<256x1024xf32>
    %select_n3A_65 = arith.select %eq3A_60, %broadcast_in_dim3A_63, %broadcast_in_dim3A_64 : vector<256x1024xi1>, vector<256x1024xf32>
    %dot_general3A_66 = arith.constant dense<0.000000e+00> : vector<256x32xf32>
    %dot_general3A_67 = tpu.matmul %select_n3A_65, %mul3A_14, %dot_general3A_66 {dimension_numbers = #tpu.dot_dimension_numbers<[1], [0], [0], [1], [0, 0, 1, 1], [], []>, transpose_lhs_hint = false} : vector<256x1024xf32>, vector<1024x32xf32>, vector<256x32xf32> -> vector<256x32xf32>
    %jit3A_68 = arith.constant 0 : i32
    %convert_element_type3A_69 = arith.sitofp %jit3A_68 : i32 to f32
    %pad3A_70 = vector.broadcast %convert_element_type3A_69 : f32 to vector<256x64xf32>
    %pad3A_71 = tpu.concatenate %pad3A_70, %dot_general3A_67 in 1 : vector<256x64xf32>, vector<256x32xf32> -> vector<256x96xf32>
    %pad3A_72 = vector.broadcast %convert_element_type3A_69 : f32 to vector<256x32xf32>
    %pad3A_73 = tpu.concatenate %pad3A_71, %pad3A_72 in 1 : vector<256x96xf32>, vector<256x32xf32> -> vector<256x128xf32>
    %add3A_74 = arith.addf %add3A_51, %pad3A_73 : vector<256x128xf32>
    %iota3A_75 = tpu.iota {dimensions = array<i32: 0>} : vector<256x1024xi32>
    %iota3A_76 = tpu.iota {dimensions = array<i32: 1>} : vector<256x1024xi32>
    %mul3A_77 = arith.constant 4 : i32
    %mul3A_78 = vector.broadcast %mul3A_77 : i32 to vector<256x1024xi32>
    %mul3A_79 = arith.muli %mul3A_78, %iota3A_75 : vector<256x1024xi32>
    %add3A_80 = arith.constant 3 : i32
    %add3A_81 = vector.broadcast %add3A_80 : i32 to vector<256x1024xi32>
    %add3A_82 = arith.addi %mul3A_79, %add3A_81 : vector<256x1024xi32>
    %eq3A_83 = arith.cmpi eq, %iota3A_76, %add3A_82 : vector<256x1024xi32>
    %jit3A_84 = arith.constant 1.000000e+00 : f32
    %jit3A_85 = arith.constant 0.000000e+00 : f32
    %broadcast_in_dim3A_86 = vector.broadcast %jit3A_84 : f32 to vector<256x1024xf32>
    %broadcast_in_dim3A_87 = vector.broadcast %jit3A_85 : f32 to vector<256x1024xf32>
    %select_n3A_88 = arith.select %eq3A_83, %broadcast_in_dim3A_86, %broadcast_in_dim3A_87 : vector<256x1024xi1>, vector<256x1024xf32>
    %dot_general3A_89 = arith.constant dense<0.000000e+00> : vector<256x32xf32>
    %dot_general3A_90 = tpu.matmul %select_n3A_88, %mul3A_14, %dot_general3A_89 {dimension_numbers = #tpu.dot_dimension_numbers<[1], [0], [0], [1], [0, 0, 1, 1], [], []>, transpose_lhs_hint = false} : vector<256x1024xf32>, vector<1024x32xf32>, vector<256x32xf32> -> vector<256x32xf32>
    %jit3A_91 = arith.constant 0 : i32
    %convert_element_type3A_92 = arith.sitofp %jit3A_91 : i32 to f32
    %pad3A_93 = vector.broadcast %convert_element_type3A_92 : f32 to vector<256x96xf32>
    %pad3A_94 = tpu.concatenate %pad3A_93, %dot_general3A_90 in 1 : vector<256x96xf32>, vector<256x32xf32> -> vector<256x128xf32>
    %add3A_95 = arith.addf %add3A_74, %pad3A_94 : vector<256x128xf32>
    %swap3A = arith.constant 0 : index
    %swap3A_96 = arith.constant 0 : index
    %swap3A_97 = vector.load %arg4[%swap3A, %swap3A_96] : memref<256x128xf32, #tpu.memory_space<vmem>>, vector<256x128xf32>
    tpu.vector_store %arg4[%swap3A, %swap3A_96], %add3A_95 {strides = array<i32>} : memref<256x128xf32, #tpu.memory_space<vmem>>, vector<256x128xf32>,
    return
  }
  func.func @transform_0(%arg0: i32) -> (i32, i32) {
    %c0_i32 = arith.constant 0 : i32
    %c0_i32_0 = arith.constant 0 : i32
    return %arg0, %c0_i32 : i32, i32
  }
  func.func @transform_1(%arg0: i32) -> (i32, i32) {
    %c0_i32 = arith.constant 0 : i32
    %c0_i32_0 = arith.constant 0 : i32
    %c0_i32_1 = arith.constant 0 : i32
    return %c0_i32, %c0_i32_0 : i32, i32
  }
  func.func @transform_2(%arg0: i32) -> (i32, i32) {
    %c0_i32 = arith.constant 0 : i32
    %c0_i32_0 = arith.constant 0 : i32
    return %c0_i32, %arg0 : i32, i32
  }
  func.func @transform_3(%arg0: i32) -> (i32, i32) {
    %c0_i32 = arith.constant 0 : i32
    %c0_i32_0 = arith.constant 0 : i32
    return %arg0, %c0_i32 : i32, i32
  }
}

module attributes {stable_mosaic.version = 14 : i64} {
  func.func @_mid_body(%arg0: i32, %arg1: memref<2x256x128xf32, #tpu.memory_space<vmem>>, %arg2: memref<256x128xf32, #tpu.memory_space<vmem>>, %arg3: memref<2x256x128xf32, #tpu.memory_space<vmem>>, %arg4: memref<32x16xf32, #tpu.memory_space<vmem>>, %arg5: memref<1x128xf32, #tpu.memory_space<vmem>>, %arg6: memref<128x128xf32, #tpu.memory_space<vmem>>) attributes {dimension_semantics = [#tpu.dimension_semantics<arbitrary>], iteration_bounds = array<i64: 10>, scalar_prefetch = 0 : i64, scratch_operands = 0 : i64, tpu.core_type = #tpu.core_type<tc>, window_params = [{transform_indices = @transform_0, window_bounds = array<i64: 2, 256, 128>}, {transform_indices = @transform_1, window_bounds = array<i64: 256, 128>}, {transform_indices = @transform_2, window_bounds = array<i64: 2, 256, 128>}, {pipeline_mode = #tpu.pipeline_mode<synchronous>, transform_indices = @transform_3, window_bounds = array<i64: 32, 16>}, {pipeline_mode = #tpu.pipeline_mode<synchronous>, transform_indices = @transform_4, window_bounds = array<i64: 1, 128>}, {transform_indices = @transform_5, window_bounds = array<i64: 128, 128>}]} {
    %get3A = arith.constant 0 : index
    %get3A_0 = arith.constant 0 : index
    %get3A_1 = arith.constant 0 : index
    %get3A_2 = vector.load %arg3[%get3A, %get3A_0, %get3A_1] : memref<2x256x128xf32, #tpu.memory_space<vmem>>, vector<2x256x128xf32>
    %slice3A = vector.extract_strided_slice %get3A_2 {offsets = [0, 0, 0], sizes = [1, 256, 128], strides = [1, 1, 1]} : vector<2x256x128xf32> to vector<1x256x128xf32>
    %squeeze3A = vector.shape_cast %slice3A : vector<1x256x128xf32> to vector<256x128xf32>
    %slice3A_3 = vector.extract_strided_slice %get3A_2 {offsets = [1, 0, 0], sizes = [1, 256, 128], strides = [1, 1, 1]} : vector<2x256x128xf32> to vector<1x256x128xf32>
    %squeeze3A_4 = vector.shape_cast %slice3A_3 : vector<1x256x128xf32> to vector<256x128xf32>
    %add3A = arith.addf %squeeze3A, %squeeze3A_4 : vector<256x128xf32>
    %add3A_5 = arith.constant 1.000000e+00 : f32
    %add3A_6 = vector.broadcast %add3A_5 : f32 to vector<256x128xf32>
    %add3A_7 = arith.addf %add3A, %add3A_6 : vector<256x128xf32>
    %rsqrt3A = math.rsqrt %add3A_7 : vector<256x128xf32>
    %get3A_8 = arith.constant 0 : index
    %get3A_9 = arith.constant 0 : index
    %get3A_10 = arith.constant 0 : index
    %get3A_11 = vector.load %arg1[%get3A_8, %get3A_9, %get3A_10] : memref<2x256x128xf32, #tpu.memory_space<vmem>>, vector<2x256x128xf32>
    %slice3A_12 = vector.extract_strided_slice %get3A_11 {offsets = [0, 0, 0], sizes = [1, 256, 128], strides = [1, 1, 1]} : vector<2x256x128xf32> to vector<1x256x128xf32>
    %squeeze3A_13 = vector.shape_cast %slice3A_12 : vector<1x256x128xf32> to vector<256x128xf32>
    %slice3A_14 = vector.extract_strided_slice %get3A_11 {offsets = [1, 0, 0], sizes = [1, 256, 128], strides = [1, 1, 1]} : vector<2x256x128xf32> to vector<1x256x128xf32>
    %squeeze3A_15 = vector.shape_cast %slice3A_14 : vector<1x256x128xf32> to vector<256x128xf32>
    %add3A_16 = arith.addf %squeeze3A_13, %squeeze3A_15 : vector<256x128xf32>
    %get3A_17 = arith.constant 0 : index
    %get3A_18 = arith.constant 0 : index
    %get3A_19 = vector.load %arg2[%get3A_17, %get3A_18] : memref<256x128xf32, #tpu.memory_space<vmem>>, vector<256x128xf32>
    %add3A_20 = arith.addf %add3A_16, %get3A_19 : vector<256x128xf32>
    %mul3A = arith.mulf %add3A_20, %rsqrt3A : vector<256x128xf32>
    %get3A_21 = arith.constant 0 : index
    %get3A_22 = arith.constant 0 : index
    %get3A_23 = vector.load %arg5[%get3A_21, %get3A_22] : memref<1x128xf32, #tpu.memory_space<vmem>>, vector<1x128xf32>
    %add3A_24 = vector.broadcast %get3A_23 : vector<1x128xf32> to vector<256x128xf32>
    %add3A_25 = arith.addf %mul3A, %add3A_24 : vector<256x128xf32>
    %max3A = arith.constant 0.000000e+00 : f32
    %max3A_26 = vector.broadcast %max3A : f32 to vector<256x128xf32>
    %max3A_27 = arith.maximumf %add3A_25, %max3A_26 : vector<256x128xf32>
    %mul3A_28 = arith.mulf %max3A_27, %rsqrt3A : vector<256x128xf32>
    %get3A_29 = arith.constant 0 : index
    %get3A_30 = arith.constant 0 : index
    %get3A_31 = vector.load %arg4[%get3A_29, %get3A_30] : memref<32x16xf32, #tpu.memory_space<vmem>>, vector<32x16xf32>
    %jit3A = arith.constant 0 : i32
    %convert_element_type3A = arith.sitofp %jit3A : i32 to f32
    %pad3A = vector.broadcast %convert_element_type3A : f32 to vector<96x16xf32>
    %pad3A_32 = tpu.concatenate %get3A_31, %pad3A in 0 : vector<32x16xf32>, vector<96x16xf32> -> vector<128x16xf32>
    %pad3A_33 = vector.broadcast %convert_element_type3A : f32 to vector<128x48xf32>
    %pad3A_34 = tpu.concatenate %pad3A_32, %pad3A_33 in 1 : vector<128x16xf32>, vector<128x48xf32> -> vector<128x64xf32>
    %jit3A_35 = arith.constant 0 : i32
    %convert_element_type3A_36 = arith.sitofp %jit3A_35 : i32 to f32
    %pad3A_37 = vector.broadcast %convert_element_type3A_36 : f32 to vector<32x16xf32>
    %pad3A_38 = tpu.concatenate %pad3A_37, %get3A_31 in 0 : vector<32x16xf32>, vector<32x16xf32> -> vector<64x16xf32>
    %pad3A_39 = vector.broadcast %convert_element_type3A_36 : f32 to vector<64x16xf32>
    %pad3A_40 = tpu.concatenate %pad3A_38, %pad3A_39 in 0 : vector<64x16xf32>, vector<64x16xf32> -> vector<128x16xf32>
    %pad3A_41 = vector.broadcast %convert_element_type3A_36 : f32 to vector<128x16xf32>
    %pad3A_42 = tpu.concatenate %pad3A_41, %pad3A_40 in 1 : vector<128x16xf32>, vector<128x16xf32> -> vector<128x32xf32>
    %pad3A_43 = vector.broadcast %convert_element_type3A_36 : f32 to vector<128x32xf32>
    %pad3A_44 = tpu.concatenate %pad3A_42, %pad3A_43 in 1 : vector<128x32xf32>, vector<128x32xf32> -> vector<128x64xf32>
    %add3A_45 = arith.addf %pad3A_34, %pad3A_44 : vector<128x64xf32>
    %jit3A_46 = arith.constant 0 : i32
    %convert_element_type3A_47 = arith.sitofp %jit3A_46 : i32 to f32
    %pad3A_48 = vector.broadcast %convert_element_type3A_47 : f32 to vector<64x16xf32>
    %pad3A_49 = tpu.concatenate %pad3A_48, %get3A_31 in 0 : vector<64x16xf32>, vector<32x16xf32> -> vector<96x16xf32>
    %pad3A_50 = vector.broadcast %convert_element_type3A_47 : f32 to vector<32x16xf32>
    %pad3A_51 = tpu.concatenate %pad3A_49, %pad3A_50 in 0 : vector<96x16xf32>, vector<32x16xf32> -> vector<128x16xf32>
    %pad3A_52 = vector.broadcast %convert_element_type3A_47 : f32 to vector<128x32xf32>
    %pad3A_53 = tpu.concatenate %pad3A_52, %pad3A_51 in 1 : vector<128x32xf32>, vector<128x16xf32> -> vector<128x48xf32>
    %pad3A_54 = vector.broadcast %convert_element_type3A_47 : f32 to vector<128x16xf32>
    %pad3A_55 = tpu.concatenate %pad3A_53, %pad3A_54 in 1 : vector<128x48xf32>, vector<128x16xf32> -> vector<128x64xf32>
    %add3A_56 = arith.addf %add3A_45, %pad3A_55 : vector<128x64xf32>
    %jit3A_57 = arith.constant 0 : i32
    %convert_element_type3A_58 = arith.sitofp %jit3A_57 : i32 to f32
    %pad3A_59 = vector.broadcast %convert_element_type3A_58 : f32 to vector<96x16xf32>
    %pad3A_60 = tpu.concatenate %pad3A_59, %get3A_31 in 0 : vector<96x16xf32>, vector<32x16xf32> -> vector<128x16xf32>
    %pad3A_61 = vector.broadcast %convert_element_type3A_58 : f32 to vector<128x48xf32>
    %pad3A_62 = tpu.concatenate %pad3A_61, %pad3A_60 in 1 : vector<128x48xf32>, vector<128x16xf32> -> vector<128x64xf32>
    %add3A_63 = arith.addf %add3A_56, %pad3A_62 : vector<128x64xf32>
    %dot_general3A = arith.constant dense<0.000000e+00> : vector<256x64xf32>
    %dot_general3A_64 = tpu.matmul %mul3A_28, %add3A_63, %dot_general3A {dimension_numbers = #tpu.dot_dimension_numbers<[1], [0], [0], [1], [0, 0, 1, 1], [], []>, transpose_lhs_hint = false} : vector<256x128xf32>, vector<128x64xf32>, vector<256x64xf32> -> vector<256x64xf32>
    %iota3A = tpu.iota {dimensions = array<i32: 0>} : vector<128x256xi32>
    %iota3A_65 = tpu.iota {dimensions = array<i32: 1>} : vector<128x256xi32>
    %mul3A_66 = arith.constant 2 : i32
    %mul3A_67 = vector.broadcast %mul3A_66 : i32 to vector<128x256xi32>
    %mul3A_68 = arith.muli %mul3A_67, %iota3A : vector<128x256xi32>
    %add3A_69 = arith.constant 0 : i32
    %add3A_70 = vector.broadcast %add3A_69 : i32 to vector<128x256xi32>
    %add3A_71 = arith.addi %mul3A_68, %add3A_70 : vector<128x256xi32>
    %eq3A = arith.cmpi eq, %iota3A_65, %add3A_71 : vector<128x256xi32>
    %jit3A_72 = arith.constant 1.000000e+00 : f32
    %jit3A_73 = arith.constant 0.000000e+00 : f32
    %broadcast_in_dim3A = vector.broadcast %jit3A_72 : f32 to vector<128x256xf32>
    %broadcast_in_dim3A_74 = vector.broadcast %jit3A_73 : f32 to vector<128x256xf32>
    %select_n3A = arith.select %eq3A, %broadcast_in_dim3A, %broadcast_in_dim3A_74 : vector<128x256xi1>, vector<128x256xf32>
    %iota3A_75 = tpu.iota {dimensions = array<i32: 0>} : vector<128x256xi32>
    %iota3A_76 = tpu.iota {dimensions = array<i32: 1>} : vector<128x256xi32>
    %mul3A_77 = arith.constant 2 : i32
    %mul3A_78 = vector.broadcast %mul3A_77 : i32 to vector<128x256xi32>
    %mul3A_79 = arith.muli %mul3A_78, %iota3A_75 : vector<128x256xi32>
    %add3A_80 = arith.constant 1 : i32
    %add3A_81 = vector.broadcast %add3A_80 : i32 to vector<128x256xi32>
    %add3A_82 = arith.addi %mul3A_79, %add3A_81 : vector<128x256xi32>
    %eq3A_83 = arith.cmpi eq, %iota3A_76, %add3A_82 : vector<128x256xi32>
    %jit3A_84 = arith.constant 1.000000e+00 : f32
    %jit3A_85 = arith.constant 0.000000e+00 : f32
    %broadcast_in_dim3A_86 = vector.broadcast %jit3A_84 : f32 to vector<128x256xf32>
    %broadcast_in_dim3A_87 = vector.broadcast %jit3A_85 : f32 to vector<128x256xf32>
    %select_n3A_88 = arith.select %eq3A_83, %broadcast_in_dim3A_86, %broadcast_in_dim3A_87 : vector<128x256xi1>, vector<128x256xf32>
    %dot_general3A_89 = arith.constant dense<0.000000e+00> : vector<128x64xf32>
    %dot_general3A_90 = tpu.matmul %select_n3A, %dot_general3A_64, %dot_general3A_89 {dimension_numbers = #tpu.dot_dimension_numbers<[1], [0], [0], [1], [0, 0, 1, 1], [], []>, transpose_lhs_hint = false} : vector<128x256xf32>, vector<256x64xf32>, vector<128x64xf32> -> vector<128x64xf32>
    %dot_general3A_91 = arith.constant dense<0.000000e+00> : vector<128x64xf32>
    %dot_general3A_92 = tpu.matmul %select_n3A_88, %dot_general3A_64, %dot_general3A_91 {dimension_numbers = #tpu.dot_dimension_numbers<[1], [0], [0], [1], [0, 0, 1, 1], [], []>, transpose_lhs_hint = false} : vector<128x256xf32>, vector<256x64xf32>, vector<128x64xf32> -> vector<128x64xf32>
    %jit3A_93 = arith.constant 0 : i32
    %convert_element_type3A_94 = arith.sitofp %jit3A_93 : i32 to f32
    %pad3A_95 = vector.broadcast %convert_element_type3A_94 : f32 to vector<128x64xf32>
    %pad3A_96 = tpu.concatenate %dot_general3A_90, %pad3A_95 in 1 : vector<128x64xf32>, vector<128x64xf32> -> vector<128x128xf32>
    %jit3A_97 = arith.constant 0 : i32
    %convert_element_type3A_98 = arith.sitofp %jit3A_97 : i32 to f32
    %pad3A_99 = vector.broadcast %convert_element_type3A_98 : f32 to vector<128x64xf32>
    %pad3A_100 = tpu.concatenate %pad3A_99, %dot_general3A_92 in 1 : vector<128x64xf32>, vector<128x64xf32> -> vector<128x128xf32>
    %add3A_101 = arith.addf %pad3A_96, %pad3A_100 : vector<128x128xf32>
    %swap3A = arith.constant 0 : index
    %swap3A_102 = arith.constant 0 : index
    %swap3A_103 = vector.load %arg6[%swap3A, %swap3A_102] : memref<128x128xf32, #tpu.memory_space<vmem>>, vector<128x128xf32>
    tpu.vector_store %arg6[%swap3A, %swap3A_102], %add3A_101 {strides = array<i32>} : memref<128x128xf32, #tpu.memory_space<vmem>>, vector<128x128xf32>,
    return
  }
  func.func @transform_0(%arg0: i32) -> (i32, i32, i32) {
    %c0_i32 = arith.constant 0 : i32
    %c0_i32_0 = arith.constant 0 : i32
    %c0_i32_1 = arith.constant 0 : i32
    return %c0_i32, %arg0, %c0_i32_0 : i32, i32, i32
  }
  func.func @transform_1(%arg0: i32) -> (i32, i32) {
    %c0_i32 = arith.constant 0 : i32
    %c0_i32_0 = arith.constant 0 : i32
    return %arg0, %c0_i32 : i32, i32
  }
  func.func @transform_2(%arg0: i32) -> (i32, i32, i32) {
    %c0_i32 = arith.constant 0 : i32
    %c0_i32_0 = arith.constant 0 : i32
    %c0_i32_1 = arith.constant 0 : i32
    return %c0_i32, %arg0, %c0_i32_0 : i32, i32, i32
  }
  func.func @transform_3(%arg0: i32) -> (i32, i32) {
    %c0_i32 = arith.constant 0 : i32
    %c0_i32_0 = arith.constant 0 : i32
    %c0_i32_1 = arith.constant 0 : i32
    return %c0_i32, %c0_i32_0 : i32, i32
  }
  func.func @transform_4(%arg0: i32) -> (i32, i32) {
    %c0_i32 = arith.constant 0 : i32
    %c0_i32_0 = arith.constant 0 : i32
    %c0_i32_1 = arith.constant 0 : i32
    return %c0_i32, %c0_i32_0 : i32, i32
  }
  func.func @transform_5(%arg0: i32) -> (i32, i32) {
    %c0_i32 = arith.constant 0 : i32
    %c0_i32_0 = arith.constant 0 : i32
    return %arg0, %c0_i32 : i32, i32
  }
}

module attributes {stable_mosaic.version = 14 : i64} {
  func.func @_fin_body(%arg0: i32, %arg1: memref<2x128x128xf32, #tpu.memory_space<vmem>>, %arg2: memref<128x128xf32, #tpu.memory_space<vmem>>, %arg3: memref<2x128x128xf32, #tpu.memory_space<vmem>>, %arg4: memref<16x2xf32, #tpu.memory_space<vmem>>, %arg5: memref<1x128xf32, #tpu.memory_space<vmem>>, %arg6: memref<1x16xf32, #tpu.memory_space<vmem>>, %arg7: memref<128x16xf32, #tpu.memory_space<vmem>>) attributes {dimension_semantics = [#tpu.dimension_semantics<arbitrary>], iteration_bounds = array<i64: 10>, scalar_prefetch = 0 : i64, scratch_operands = 0 : i64, tpu.core_type = #tpu.core_type<tc>, window_params = [{transform_indices = @transform_0, window_bounds = array<i64: 2, 128, 128>}, {transform_indices = @transform_1, window_bounds = array<i64: 128, 128>}, {transform_indices = @transform_2, window_bounds = array<i64: 2, 128, 128>}, {pipeline_mode = #tpu.pipeline_mode<synchronous>, transform_indices = @transform_3, window_bounds = array<i64: 16, 2>}, {pipeline_mode = #tpu.pipeline_mode<synchronous>, transform_indices = @transform_4, window_bounds = array<i64: 1, 128>}, {pipeline_mode = #tpu.pipeline_mode<synchronous>, transform_indices = @transform_5, window_bounds = array<i64: 1, 16>}, {transform_indices = @transform_6, window_bounds = array<i64: 128, 16>}]} {
    %get3A = arith.constant 0 : index
    %get3A_0 = arith.constant 0 : index
    %get3A_1 = arith.constant 0 : index
    %get3A_2 = vector.load %arg3[%get3A, %get3A_0, %get3A_1] : memref<2x128x128xf32, #tpu.memory_space<vmem>>, vector<2x128x128xf32>
    %slice3A = vector.extract_strided_slice %get3A_2 {offsets = [0, 0, 0], sizes = [1, 128, 128], strides = [1, 1, 1]} : vector<2x128x128xf32> to vector<1x128x128xf32>
    %squeeze3A = vector.shape_cast %slice3A : vector<1x128x128xf32> to vector<128x128xf32>
    %slice3A_3 = vector.extract_strided_slice %get3A_2 {offsets = [1, 0, 0], sizes = [1, 128, 128], strides = [1, 1, 1]} : vector<2x128x128xf32> to vector<1x128x128xf32>
    %squeeze3A_4 = vector.shape_cast %slice3A_3 : vector<1x128x128xf32> to vector<128x128xf32>
    %add3A = arith.addf %squeeze3A, %squeeze3A_4 : vector<128x128xf32>
    %add3A_5 = arith.constant 1.000000e+00 : f32
    %add3A_6 = vector.broadcast %add3A_5 : f32 to vector<128x128xf32>
    %add3A_7 = arith.addf %add3A, %add3A_6 : vector<128x128xf32>
    %rsqrt3A = math.rsqrt %add3A_7 : vector<128x128xf32>
    %get3A_8 = arith.constant 0 : index
    %get3A_9 = arith.constant 0 : index
    %get3A_10 = arith.constant 0 : index
    %get3A_11 = vector.load %arg1[%get3A_8, %get3A_9, %get3A_10] : memref<2x128x128xf32, #tpu.memory_space<vmem>>, vector<2x128x128xf32>
    %slice3A_12 = vector.extract_strided_slice %get3A_11 {offsets = [0, 0, 0], sizes = [1, 128, 128], strides = [1, 1, 1]} : vector<2x128x128xf32> to vector<1x128x128xf32>
    %squeeze3A_13 = vector.shape_cast %slice3A_12 : vector<1x128x128xf32> to vector<128x128xf32>
    %slice3A_14 = vector.extract_strided_slice %get3A_11 {offsets = [1, 0, 0], sizes = [1, 128, 128], strides = [1, 1, 1]} : vector<2x128x128xf32> to vector<1x128x128xf32>
    %squeeze3A_15 = vector.shape_cast %slice3A_14 : vector<1x128x128xf32> to vector<128x128xf32>
    %add3A_16 = arith.addf %squeeze3A_13, %squeeze3A_15 : vector<128x128xf32>
    %get3A_17 = arith.constant 0 : index
    %get3A_18 = arith.constant 0 : index
    %get3A_19 = vector.load %arg2[%get3A_17, %get3A_18] : memref<128x128xf32, #tpu.memory_space<vmem>>, vector<128x128xf32>
    %add3A_20 = arith.addf %add3A_16, %get3A_19 : vector<128x128xf32>
    %mul3A = arith.mulf %add3A_20, %rsqrt3A : vector<128x128xf32>
    %get3A_21 = arith.constant 0 : index
    %get3A_22 = arith.constant 0 : index
    %get3A_23 = vector.load %arg5[%get3A_21, %get3A_22] : memref<1x128xf32, #tpu.memory_space<vmem>>, vector<1x128xf32>
    %add3A_24 = vector.broadcast %get3A_23 : vector<1x128xf32> to vector<128x128xf32>
    %add3A_25 = arith.addf %mul3A, %add3A_24 : vector<128x128xf32>
    %get3A_26 = arith.constant 0 : index
    %get3A_27 = arith.constant 0 : index
    %get3A_28 = vector.load %arg4[%get3A_26, %get3A_27] : memref<16x2xf32, #tpu.memory_space<vmem>>, vector<16x2xf32>
    %jit3A = arith.constant 0 : i32
    %convert_element_type3A = arith.sitofp %jit3A : i32 to f32
    %pad3A = vector.broadcast %convert_element_type3A : f32 to vector<112x2xf32>
    %pad3A_29 = tpu.concatenate %get3A_28, %pad3A in 0 : vector<16x2xf32>, vector<112x2xf32> -> vector<128x2xf32>
    %pad3A_30 = vector.broadcast %convert_element_type3A : f32 to vector<128x14xf32>
    %pad3A_31 = tpu.concatenate %pad3A_29, %pad3A_30 in 1 : vector<128x2xf32>, vector<128x14xf32> -> vector<128x16xf32>
    %jit3A_32 = arith.constant 0 : i32
    %convert_element_type3A_33 = arith.sitofp %jit3A_32 : i32 to f32
    %pad3A_34 = vector.broadcast %convert_element_type3A_33 : f32 to vector<16x2xf32>
    %pad3A_35 = tpu.concatenate %pad3A_34, %get3A_28 in 0 : vector<16x2xf32>, vector<16x2xf32> -> vector<32x2xf32>
    %pad3A_36 = vector.broadcast %convert_element_type3A_33 : f32 to vector<96x2xf32>
    %pad3A_37 = tpu.concatenate %pad3A_35, %pad3A_36 in 0 : vector<32x2xf32>, vector<96x2xf32> -> vector<128x2xf32>
    %pad3A_38 = vector.broadcast %convert_element_type3A_33 : f32 to vector<128x2xf32>
    %pad3A_39 = tpu.concatenate %pad3A_38, %pad3A_37 in 1 : vector<128x2xf32>, vector<128x2xf32> -> vector<128x4xf32>
    %pad3A_40 = vector.broadcast %convert_element_type3A_33 : f32 to vector<128x12xf32>
    %pad3A_41 = tpu.concatenate %pad3A_39, %pad3A_40 in 1 : vector<128x4xf32>, vector<128x12xf32> -> vector<128x16xf32>
    %add3A_42 = arith.addf %pad3A_31, %pad3A_41 : vector<128x16xf32>
    %jit3A_43 = arith.constant 0 : i32
    %convert_element_type3A_44 = arith.sitofp %jit3A_43 : i32 to f32
    %pad3A_45 = vector.broadcast %convert_element_type3A_44 : f32 to vector<32x2xf32>
    %pad3A_46 = tpu.concatenate %pad3A_45, %get3A_28 in 0 : vector<32x2xf32>, vector<16x2xf32> -> vector<48x2xf32>
    %pad3A_47 = vector.broadcast %convert_element_type3A_44 : f32 to vector<80x2xf32>
    %pad3A_48 = tpu.concatenate %pad3A_46, %pad3A_47 in 0 : vector<48x2xf32>, vector<80x2xf32> -> vector<128x2xf32>
    %pad3A_49 = vector.broadcast %convert_element_type3A_44 : f32 to vector<128x4xf32>
    %pad3A_50 = tpu.concatenate %pad3A_49, %pad3A_48 in 1 : vector<128x4xf32>, vector<128x2xf32> -> vector<128x6xf32>
    %pad3A_51 = vector.broadcast %convert_element_type3A_44 : f32 to vector<128x10xf32>
    %pad3A_52 = tpu.concatenate %pad3A_50, %pad3A_51 in 1 : vector<128x6xf32>, vector<128x10xf32> -> vector<128x16xf32>
    %add3A_53 = arith.addf %add3A_42, %pad3A_52 : vector<128x16xf32>
    %jit3A_54 = arith.constant 0 : i32
    %convert_element_type3A_55 = arith.sitofp %jit3A_54 : i32 to f32
    %pad3A_56 = vector.broadcast %convert_element_type3A_55 : f32 to vector<48x2xf32>
    %pad3A_57 = tpu.concatenate %pad3A_56, %get3A_28 in 0 : vector<48x2xf32>, vector<16x2xf32> -> vector<64x2xf32>
    %pad3A_58 = vector.broadcast %convert_element_type3A_55 : f32 to vector<64x2xf32>
    %pad3A_59 = tpu.concatenate %pad3A_57, %pad3A_58 in 0 : vector<64x2xf32>, vector<64x2xf32> -> vector<128x2xf32>
    %pad3A_60 = vector.broadcast %convert_element_type3A_55 : f32 to vector<128x6xf32>
    %pad3A_61 = tpu.concatenate %pad3A_60, %pad3A_59 in 1 : vector<128x6xf32>, vector<128x2xf32> -> vector<128x8xf32>
    %pad3A_62 = vector.broadcast %convert_element_type3A_55 : f32 to vector<128x8xf32>
    %pad3A_63 = tpu.concatenate %pad3A_61, %pad3A_62 in 1 : vector<128x8xf32>, vector<128x8xf32> -> vector<128x16xf32>
    %add3A_64 = arith.addf %add3A_53, %pad3A_63 : vector<128x16xf32>
    %jit3A_65 = arith.constant 0 : i32
    %convert_element_type3A_66 = arith.sitofp %jit3A_65 : i32 to f32
    %pad3A_67 = vector.broadcast %convert_element_type3A_66 : f32 to vector<64x2xf32>
    %pad3A_68 = tpu.concatenate %pad3A_67, %get3A_28 in 0 : vector<64x2xf32>, vector<16x2xf32> -> vector<80x2xf32>
    %pad3A_69 = vector.broadcast %convert_element_type3A_66 : f32 to vector<48x2xf32>
    %pad3A_70 = tpu.concatenate %pad3A_68, %pad3A_69 in 0 : vector<80x2xf32>, vector<48x2xf32> -> vector<128x2xf32>
    %pad3A_71 = vector.broadcast %convert_element_type3A_66 : f32 to vector<128x8xf32>
    %pad3A_72 = tpu.concatenate %pad3A_71, %pad3A_70 in 1 : vector<128x8xf32>, vector<128x2xf32> -> vector<128x10xf32>
    %pad3A_73 = vector.broadcast %convert_element_type3A_66 : f32 to vector<128x6xf32>
    %pad3A_74 = tpu.concatenate %pad3A_72, %pad3A_73 in 1 : vector<128x10xf32>, vector<128x6xf32> -> vector<128x16xf32>
    %add3A_75 = arith.addf %add3A_64, %pad3A_74 : vector<128x16xf32>
    %jit3A_76 = arith.constant 0 : i32
    %convert_element_type3A_77 = arith.sitofp %jit3A_76 : i32 to f32
    %pad3A_78 = vector.broadcast %convert_element_type3A_77 : f32 to vector<80x2xf32>
    %pad3A_79 = tpu.concatenate %pad3A_78, %get3A_28 in 0 : vector<80x2xf32>, vector<16x2xf32> -> vector<96x2xf32>
    %pad3A_80 = vector.broadcast %convert_element_type3A_77 : f32 to vector<32x2xf32>
    %pad3A_81 = tpu.concatenate %pad3A_79, %pad3A_80 in 0 : vector<96x2xf32>, vector<32x2xf32> -> vector<128x2xf32>
    %pad3A_82 = vector.broadcast %convert_element_type3A_77 : f32 to vector<128x10xf32>
    %pad3A_83 = tpu.concatenate %pad3A_82, %pad3A_81 in 1 : vector<128x10xf32>, vector<128x2xf32> -> vector<128x12xf32>
    %pad3A_84 = vector.broadcast %convert_element_type3A_77 : f32 to vector<128x4xf32>
    %pad3A_85 = tpu.concatenate %pad3A_83, %pad3A_84 in 1 : vector<128x12xf32>, vector<128x4xf32> -> vector<128x16xf32>
    %add3A_86 = arith.addf %add3A_75, %pad3A_85 : vector<128x16xf32>
    %jit3A_87 = arith.constant 0 : i32
    %convert_element_type3A_88 = arith.sitofp %jit3A_87 : i32 to f32
    %pad3A_89 = vector.broadcast %convert_element_type3A_88 : f32 to vector<96x2xf32>
    %pad3A_90 = tpu.concatenate %pad3A_89, %get3A_28 in 0 : vector<96x2xf32>, vector<16x2xf32> -> vector<112x2xf32>
    %pad3A_91 = vector.broadcast %convert_element_type3A_88 : f32 to vector<16x2xf32>
    %pad3A_92 = tpu.concatenate %pad3A_90, %pad3A_91 in 0 : vector<112x2xf32>, vector<16x2xf32> -> vector<128x2xf32>
    %pad3A_93 = vector.broadcast %convert_element_type3A_88 : f32 to vector<128x12xf32>
    %pad3A_94 = tpu.concatenate %pad3A_93, %pad3A_92 in 1 : vector<128x12xf32>, vector<128x2xf32> -> vector<128x14xf32>
    %pad3A_95 = vector.broadcast %convert_element_type3A_88 : f32 to vector<128x2xf32>
    %pad3A_96 = tpu.concatenate %pad3A_94, %pad3A_95 in 1 : vector<128x14xf32>, vector<128x2xf32> -> vector<128x16xf32>
    %add3A_97 = arith.addf %add3A_86, %pad3A_96 : vector<128x16xf32>
    %jit3A_98 = arith.constant 0 : i32
    %convert_element_type3A_99 = arith.sitofp %jit3A_98 : i32 to f32
    %pad3A_100 = vector.broadcast %convert_element_type3A_99 : f32 to vector<112x2xf32>
    %pad3A_101 = tpu.concatenate %pad3A_100, %get3A_28 in 0 : vector<112x2xf32>, vector<16x2xf32> -> vector<128x2xf32>
    %pad3A_102 = vector.broadcast %convert_element_type3A_99 : f32 to vector<128x14xf32>
    %pad3A_103 = tpu.concatenate %pad3A_102, %pad3A_101 in 1 : vector<128x14xf32>, vector<128x2xf32> -> vector<128x16xf32>
    %add3A_104 = arith.addf %add3A_97, %pad3A_103 : vector<128x16xf32>
    %dot_general3A = arith.constant dense<0.000000e+00> : vector<128x16xf32>
    %dot_general3A_105 = tpu.matmul %add3A_25, %add3A_104, %dot_general3A {dimension_numbers = #tpu.dot_dimension_numbers<[1], [0], [0], [1], [0, 0, 1, 1], [], []>, transpose_lhs_hint = false} : vector<128x128xf32>, vector<128x16xf32>, vector<128x16xf32> -> vector<128x16xf32>
    %get3A_106 = arith.constant 0 : index
    %get3A_107 = arith.constant 0 : index
    %get3A_108 = vector.load %arg6[%get3A_106, %get3A_107] : memref<1x16xf32, #tpu.memory_space<vmem>>, vector<1x16xf32>
    %add3A_109 = vector.broadcast %get3A_108 : vector<1x16xf32> to vector<128x16xf32>
    %add3A_110 = arith.addf %dot_general3A_105, %add3A_109 : vector<128x16xf32>
    %iota3A = tpu.iota {dimensions = array<i32: 1>} : vector<128x16xi32>
    %slice3A_111 = vector.extract_strided_slice %add3A_110 {offsets = [0, 1], sizes = [128, 15], strides = [1, 1]} : vector<128x16xf32> to vector<128x15xf32>
    %slice3A_112 = vector.extract_strided_slice %add3A_110 {offsets = [0, 0], sizes = [128, 1], strides = [1, 1]} : vector<128x16xf32> to vector<128x1xf32>
    %concatenate3A = tpu.concatenate %slice3A_111, %slice3A_112 in 1 : vector<128x15xf32>, vector<128x1xf32> -> vector<128x16xf32>
    %slice3A_113 = vector.extract_strided_slice %add3A_110 {offsets = [0, 15], sizes = [128, 1], strides = [1, 1]} : vector<128x16xf32> to vector<128x1xf32>
    %slice3A_114 = vector.extract_strided_slice %add3A_110 {offsets = [0, 0], sizes = [128, 15], strides = [1, 1]} : vector<128x16xf32> to vector<128x15xf32>
    %concatenate3A_115 = tpu.concatenate %slice3A_113, %slice3A_114 in 1 : vector<128x1xf32>, vector<128x15xf32> -> vector<128x16xf32>
    %jit3A_116 = arith.constant 2 : i32
    %eq3A = arith.constant 0 : i32
    %eq3A_117 = arith.cmpi eq, %jit3A_116, %eq3A : i32
    %jit3A_118 = arith.constant 1 : i32
    %select_n3A = arith.select %eq3A_117, %jit3A_118, %jit3A_116 : i32
    %rem3A = vector.broadcast %select_n3A : i32 to vector<128x16xi32>
    %rem3A_119 = arith.remsi %iota3A, %rem3A : vector<128x16xi32>
    %ne3A = arith.constant 0 : i32
    %ne3A_120 = vector.broadcast %ne3A : i32 to vector<128x16xi32>
    %ne3A_121 = arith.cmpi ne, %rem3A_119, %ne3A_120 : vector<128x16xi32>
    %lt3A = arith.constant 0 : i32
    %lt3A_122 = vector.broadcast %lt3A : i32 to vector<128x16xi32>
    %lt3A_123 = arith.cmpi slt, %rem3A_119, %lt3A_122 : vector<128x16xi32>
    %lt3A_124 = arith.constant 0 : i32
    %lt3A_125 = arith.cmpi slt, %select_n3A, %lt3A_124 : i32
    %ne3A_126 = vector.broadcast %lt3A_125 : i1 to vector<128x16xi1>
    %ne3A_127 = vector.broadcast %ne3A_126 : vector<128x16xi1> to vector<128x16xi1>
    %ne3A_128 = arith.xori %lt3A_123, %ne3A_127 : vector<128x16xi1>
    %and3A = arith.andi %ne3A_128, %ne3A_121 : vector<128x16xi1>
    %add3A_129 = vector.broadcast %select_n3A : i32 to vector<128x16xi32>
    %add3A_130 = arith.addi %rem3A_119, %add3A_129 : vector<128x16xi32>
    %select_n3A_131 = arith.select %and3A, %add3A_130, %rem3A_119 : vector<128x16xi1>, vector<128x16xi32>
    %eq3A_132 = arith.constant 0 : i32
    %eq3A_133 = vector.broadcast %eq3A_132 : i32 to vector<128x16xi32>
    %eq3A_134 = arith.cmpi eq, %select_n3A_131, %eq3A_133 : vector<128x16xi32>
    %select_n3A_135 = arith.select %eq3A_134, %concatenate3A, %concatenate3A_115 : vector<128x16xi1>, vector<128x16xf32>
    %max3A = arith.maximumf %add3A_110, %select_n3A_135 : vector<128x16xf32>
    %sub3A = arith.subf %add3A_110, %max3A : vector<128x16xf32>
    %exp3A = math.exp %sub3A : vector<128x16xf32>
    %sub3A_136 = arith.subf %select_n3A_135, %max3A : vector<128x16xf32>
    %exp3A_137 = math.exp %sub3A_136 : vector<128x16xf32>
    %add3A_138 = arith.addf %exp3A, %exp3A_137 : vector<128x16xf32>
    %log3A = math.log %add3A_138 : vector<128x16xf32>
    %add3A_139 = arith.addf %max3A, %log3A : vector<128x16xf32>
    %sub3A_140 = arith.subf %add3A_110, %add3A_139 : vector<128x16xf32>
    %swap3A = arith.constant 0 : index
    %swap3A_141 = arith.constant 0 : index
    %swap3A_142 = vector.load %arg7[%swap3A, %swap3A_141] : memref<128x16xf32, #tpu.memory_space<vmem>>, vector<128x16xf32>
    tpu.vector_store %arg7[%swap3A, %swap3A_141], %sub3A_140 {strides = array<i32>} : memref<128x16xf32, #tpu.memory_space<vmem>>, vector<128x16xf32>,
    return
  }
  func.func @transform_0(%arg0: i32) -> (i32, i32, i32) {
    %c0_i32 = arith.constant 0 : i32
    %c0_i32_0 = arith.constant 0 : i32
    %c0_i32_1 = arith.constant 0 : i32
    return %c0_i32, %arg0, %c0_i32_0 : i32, i32, i32
  }
  func.func @transform_1(%arg0: i32) -> (i32, i32) {
    %c0_i32 = arith.constant 0 : i32
    %c0_i32_0 = arith.constant 0 : i32
    return %arg0, %c0_i32 : i32, i32
  }
  func.func @transform_2(%arg0: i32) -> (i32, i32, i32) {
    %c0_i32 = arith.constant 0 : i32
    %c0_i32_0 = arith.constant 0 : i32
    %c0_i32_1 = arith.constant 0 : i32
    return %c0_i32, %arg0, %c0_i32_0 : i32, i32, i32
  }
  func.func @transform_3(%arg0: i32) -> (i32, i32) {
    %c0_i32 = arith.constant 0 : i32
    %c0_i32_0 = arith.constant 0 : i32
    %c0_i32_1 = arith.constant 0 : i32
    return %c0_i32, %c0_i32_0 : i32, i32
  }
  func.func @transform_4(%arg0: i32) -> (i32, i32) {
    %c0_i32 = arith.constant 0 : i32
    %c0_i32_0 = arith.constant 0 : i32
    %c0_i32_1 = arith.constant 0 : i32
    return %c0_i32, %c0_i32_0 : i32, i32
  }
  func.func @transform_5(%arg0: i32) -> (i32, i32) {
    %c0_i32 = arith.constant 0 : i32
    %c0_i32_0 = arith.constant 0 : i32
    %c0_i32_1 = arith.constant 0 : i32
    return %c0_i32, %c0_i32_0 : i32, i32
  }
  func.func @transform_6(%arg0: i32) -> (i32, i32) {
    %c0_i32 = arith.constant 0 : i32
    %c0_i32_0 = arith.constant 0 : i32
    return %arg0, %c0_i32 : i32, i32
  }
}

</mosaic_0001>

<sc_bundles>
// kernel: kernel.11.cloned.1.call-start
scs
__scs_entry_jumppad:
0x0: {  	(pc) =	sbr.rel $0x88, $3  }
0x1: {  	(tag) =	ssettag $0x0;
	lr =	simm.s32 $0x1  }
0x2: {  	[smem:$0x3F99] =	sst lr;
	_ =	strace $0xD0000000  }
0x3: {  	_ = 	snop  }
0x4: {  	_ = 	snop  }
0x5: {  	_ = 	snop  }
0x6: {  	_ = 	snop  }
0x7: {  	_ = 	snop  }
__scs_overlays_trampoline_lowered:
0x8: {  	[smem:$0x3FA8] =	sst s0  }
0x9: {  	[smem:$0x3FA9] =	sst s1  }
0xa: {  	[smem:$0x3FAA] =	sst s2  }
0xb: {  	[smem:$0x3FAB] =	sst s3  }
0xc: {  	[smem:$0x3FAC] =	sst s4  }
0xd: {  	[smem:$0x3FAD] =	sst s5  }
0xe: {  	[smem:$0x3FAE] =	sst s6  }
0xf: {  	[smem:$0x3FAF] =	sst s7  }
0x10: {  	[smem:$0x3FB0] =	sst s8  }
0x11: {  	[smem:$0x3FB1] =	sst s9;
	s0 =	simm.s32 @!p0 $0x0  }
0x12: {  	s1 =	sld [smem:$0x3F97];
	s0 =	simm.s32 @p0 $0x1  }
0x13: {  	[smem:$0x3FB2] =	sst s0;
	s0 =	simm.s32 @!p1 $0x0  }
0x14: {  	s2 =	sld [smem:$0x3F96];
	s0 =	simm.s32 @p1 $0x1  }
0x15: {  	[smem:$0x3FB3] =	sst s0;
	s0 =	simm.s32 @!p2 $0x0  }
0x16: {  	s3 =	sld [smem:$0x3FDB];
	s0 =	simm.s32 @p2 $0x1  }
0x17: {  	s4 =	simm.s32 $0x1BF5;
	[smem:$0x3FB5] =	sst s0  }
0x18: {  	s0 =	sld [smem:$0x3F98];
	_ =	swait.ge [sflag:s4], $0x0  }
0x19: {  	s7 =	sld [smem:$0x3F99]  }
0x1a: {  	s8 =	sadd.s32 $0xFFFFE003, lr  }
0x1b: {  	s9 =	sadd.s32 $0xFFFFFEF7, lr;
	s5 =	simm.s32 $0xFFFFFFFF;
	p2 =	slt.u32 s8, $0xFFFFF086  }
0x1c: {  	p1 =	slt.u32 s9, $0xF7A;
	s5 =	simm.s32 @!p2 $0x0  }
0x1d: {  	s5 =	simm.s32 @p1 $0x1;
	p0 =	seq.s32 s7, s2  }
0x1e: {  	s7 =	smul.u32 @!p0 $0xF7A, s2;
	p2 =	seq.s32 @!p0 s5, $0x0  }
0x1f: {  	s9 =	smul.u32 $0xF7A, s1;
	s8 =	simm.s32 @!p0 $0x1BF5;
	p2 =	por !p2, p0  }
0x20: {  	[sflag:s8] =	ssyncset.s32 @!p0 $0xFFFFF086;
	s6 =	sadd.s32 @!p0 s3, s7;
	s7 =	simm.s32 @!p0 $0x108  }
0x21: {  	s3 =	sadd.s32 s3, s9;
	s6 =	sadd.s32 @!p0 $0x88, s6;
	s7 =	simm.s32 @p2 $0x1082  }
0x22: {  	[simem:s7], [sflag:s8] =	dma.local @!p0 [hbm:s6], $0xF7A  }
0x23: {  	s9 =	sor.u32 $0xD0000000, s2;
	s6 =	simm.s32 $0x108;
	_ =	swait.ge @!p0 [sflag:s8], $0x0  }
0x24: {  	s3 =	sadd.s32 $0x88, s3;
	s6 =	simm.s32 @!p1 $0x1082;
	[sflag:s4] =	ssyncset.s32 $0xFFFFF086  }
0x25: {  	[simem:s6], [sflag:s4] =	dma.local [hbm:s3], $0xF7A  }
0x26: {  	[smem:$0x3F99] =	sst s1;
	(tag) =	ssettag s2;
	_ =	strace s9  }
0x27: {  	s1 =	sld [smem:$0x3FA9]  }
0x28: {  	s2 =	sld [smem:$0x3FAA]  }
0x29: {  	s4 =	sld [smem:$0x3FAC]  }
0x2a: {  	p0 =	seq.s32 s5, $0x0;
	s5 =	sld [smem:$0x3FAD]  }
0x2b: {  	s6 =	sld [smem:$0x3FAE]  }
0x2c: {  	s7 =	sld [smem:$0x3FAF]  }
0x2d: {  	s3 =	simm.s32 $0x108;
	s8 =	sld [smem:$0x3FB0]  }
0x2e: {  	s3 =	simm.s32 @!p0 $0x1082;
	s9 =	sld [smem:$0x3FB1]  }
0x2f: {  	lr =	sadd.s32 s0, s3;
	s0 =	sld [smem:$0x3FA8]  }
0x30: {  	s3 =	sld [smem:$0x3FAB]  }
0x31: {  	[smem:$0x3FB4] =	sst s10  }
0x32: {  	s10 =	sld [smem:$0x3FB2];
	_ =	sdelay $0x3  }
0x33: {  	p0 =	seq.s32 s10, $0x1;
	s10 =	sld [smem:$0x3FB4];
	_ =	sdelay $0x3  }
0x34: {  	[smem:$0x3FB4] =	sst s10  }
0x35: {  	s10 =	sld [smem:$0x3FB3];
	_ =	sdelay $0x3  }
0x36: {  	p1 =	seq.s32 s10, $0x1;
	s10 =	sld [smem:$0x3FB4];
	_ =	sdelay $0x3  }
0x37: {  	[smem:$0x3FB4] =	sst s10  }
0x38: {  	s10 =	sld [smem:$0x3FB5]  }
0x39: {  	_ = 	snop;
	(pc) =	sbr.ind lr, $3  }
0x3a: {  	_ = 	snop  }
0x3b: {  	_ = 	snop  }
0x3c: {  	p2 =	seq.s32 s10, $0x1;
	s10 =	sld [smem:$0x3FB4]  }
0x3d: {  	_ =	shalt  }
0x3e: {  	_ =	shalt  }
0x3f: {  	_ =	shalt  }
0x40: {  	_ =	shalt  }
0x41: {  	_ =	shalt  }
0x42: {  	_ =	shalt  }
0x43: {  	_ =	shalt  }
0x44: {  	_ =	shalt  }
0x45: {  	_ =	shalt  }
0x46: {  	_ =	shalt  }
0x47: {  	_ =	shalt  }
0x48: {  	_ =	shalt  }
0x49: {  	_ =	shalt  }
0x4a: {  	_ =	shalt  }
0x4b: {  	_ =	shalt  }
0x4c: {  	_ =	shalt  }
0x4d: {  	_ =	shalt  }
0x4e: {  	_ =	shalt  }
0x4f: {  	_ =	shalt  }
0x50: {  	_ =	shalt  }
0x51: {  	_ =	shalt  }
0x52: {  	_ =	shalt  }
0x53: {  	_ =	shalt  }
0x54: {  	_ =	shalt  }
0x55: {  	_ =	shalt  }
0x56: {  	_ =	shalt  }
0x57: {  	_ =	shalt  }
0x58: {  	_ =	shalt  }
0x59: {  	_ =	shalt  }
0x5a: {  	_ =	shalt  }
0x5b: {  	_ =	shalt  }
0x5c: {  	_ =	shalt  }
0x5d: {  	_ =	shalt  }
0x5e: {  	_ =	shalt  }
0x5f: {  	_ =	shalt  }
0x60: {  	_ =	shalt  }
0x61: {  	_ =	shalt  }
0x62: {  	_ =	shalt  }
0x63: {  	_ =	shalt  }
0x64: {  	_ =	shalt  }
0x65: {  	_ =	shalt  }
0x66: {  	_ =	shalt  }
0x67: {  	_ =	shalt  }
0x68: {  	_ =	shalt  }
0x69: {  	_ =	shalt  }
0x6a: {  	_ =	shalt  }
0x6b: {  	_ =	shalt  }
0x6c: {  	_ =	shalt  }
0x6d: {  	_ =	shalt  }
0x6e: {  	_ =	shalt  }
0x6f: {  	_ =	shalt  }
0x70: {  	_ =	shalt  }
0x71: {  	_ =	shalt  }
0x72: {  	_ =	shalt  }
0x73: {  	_ =	shalt  }
0x74: {  	_ =	shalt  }
0x75: {  	_ =	shalt  }
0x76: {  	_ =	shalt  }
0x77: {  	_ =	shalt  }
0x78: {  	_ =	shalt  }
0x79: {  	_ =	shalt  }
0x7a: {  	_ =	shalt  }
0x7b: {  	_ =	shalt  }
0x7c: {  	_ =	shalt  }
0x7d: {  	_ =	shalt  }
0x7e: {  	_ =	shalt  }
0x7f: {  	_ =	shalt  }
0x80: {  	_ =	shalt  }
0x81: {  	_ =	shalt  }
0x82: {  	_ =	shalt  }
0x83: {  	_ =	shalt  }
0x84: {  	_ =	shalt  }
0x85: {  	_ =	shalt  }
0x86: {  	_ =	shalt  }
0x87: {  	_ =	shalt  }
.Lfunc_end0:
.L_simem_size_0:
called_computation.1_lowered:
.L_overlay_start_0:
0x88: {  	s2 =	sld [smem:$0x3FD9]  }
0x89: {  	s3 =	sld [smem:$0x3FFE];
	_ =	sdelay $0x1  }
0x8a: {  	s1 =	srdreg.scid  }
0x8b: {  	s0 =	sand.u32 $0x1, s1  }
0x8c: {  	s16 =	sshll.u32 s0, $0xA;
	s2 =	sadd.s32 s3, s2  }
0x8d: {  	s2 =	sadd.s32 s2, s16  }
0x8e: {  	[smem:$0x3FC0] =	sst s2  }
0x8f: {  	_ = 	snop  }
0x90: {  	(tm) =	ssettm $0x1  }
0x91: {  	s17 =	sld [smem:$0x3FFB];
	_ =	sdelay $0x3  }
0x92: {  	_ =	strace s17  }
0x93: {  	s2 =	sld [smem:$0x3FFC];
	_ =	sdelay $0x3  }
0x94: {  	_ =	strace s2  }
0x95: {  	s2 =	sld [smem:$0x3FFD];
	_ =	sdelay $0x3  }
0x96: {  	_ =	strace s2  }
0x97: {  	_ =	strace $0x8FFFFFFF  }
0x98: {  	s18 =	sld [smem:$0x3FDB];
	_ =	sdelay $0x1  }
0x99: {  	s19 =	simm.s32 $_scs_section_size  }
0x9a: {  	s4 =	simm.s32 $_size__tile_overlayer_lowered;
	s5 =	simm.s32 $_tile_overlayer_lowered  }
0x9b: {  	s22 =	simm.s32 $0x1BFF;
	s21 =	sshll.u32 s5, $0x1;
	s2 =	sadd.s32 s19, s18  }
0x9c: {  	s6 =	simm.s32 $0x0;
	s20 =	sshll.u32 s4, $0x1;
	s4 =	sadd.s32 s21, s2  }
0x9d: {  	[timem:s6], [sflag:s22] =	dma.local [hbm:s4], s20  }
0x9e: {  	_ =	swait.ge [sflag:s22], s20  }
0x9f: {  	s3 =	ssub.s32 $0x0, s20;
	[sflag:s22] =	ssyncset.done $0x0  }
0xa0: {  	[sflag:s22] =	ssyncadd.s32 s3;
	_ =	sdelay $0x1  }
0xa1: {  	s23 =	simm.s32 $0x1B8B  }
0xa2: {  	_ =	swait.ge [sflag:s23], $0x1  }
0xa3: {  	[sflag:s23] =	ssyncset.done $0x0  }
0xa4: {  	s25 =	simm.s32 $0x1B8E;
	s24 =	sld [smem:$0x3FFE];
	[sflag:s23] =	ssyncadd.s32 $0xFFFFFFFF  }
0xa5: {  	s26 =	simm.s32 $execute0_lowered;
	[smem:$0x3FD2] =	sst s25  }
0xa6: {  	s4 =	sshll.u32 s26, $0x1;
	_ =	strace $0x80000049;
	[dreg:$0x1] =	wrdreg $0xFFFFFFFF  }
0xa7: {  	s28 =	simm.s32 $_size_execute0_lowered;
	s2 =	sadd.s32 s2, s4;
	[dreg:$0x0] =	wrdreg $0x0  }
0xa8: {  	s4 =	sshll.u32 s28, $0x1;
	[dreg:$0x2] =	wrdreg s2  }
0xa9: {  	[dreg:$0x3] =	wrdreg s4  }
0xaa: {  	[dreg:$0x4] =	wrdreg $0xC0  }
0xab: {  	_ =	task [dreg:s6], $0x5FFFF  }
0xac: {  	[dreg:$0x1] =	wrdreg $0xFFFFFFFF  }
0xad: {  	[dreg:$0x0] =	wrdreg $0x60  }
0xae: {  	[dreg:$0x2] =	wrdreg s24  }
0xaf: {  	[dreg:$0x3] =	wrdreg $0x178000  }
0xb0: {  	[dreg:$0x4] =	wrdreg $0x9  }
0xb1: {  	_ =	task.clear_ibuf [dreg:s6], $0x5FFFF;
	_ =	strace $0x90000049  }
0xb2: {  	s29 =	simm.s32 $0x9;
	_ =	strace $0x8000004B  }
0xb3: {  	_ =	swait.ge [sflag:s29], $0x1  }
0xb4: {  	[sflag:s29] =	ssyncadd.s32 $0xFFFFFFFF  }
0xb5: {  	_ =	strace $0x9000004B  }
0xb6: {  	_ =	sfence  }
0xb7: {  	s30 =	sld [smem:$0x0];
	_ =	sdelay $0x2  }
0xb8: {  	s31 =	sshll.u32 s1, $0xD;
	s1 =	sshrl.u32 s1, $0x2  }
0xb9: {  	s3 =	sand.u32 $0x4000, s31;
	s1 =	sadd.s32 s1, s30  }
0xba: {  	s0 =	sor.u32 s3, s0;
	s1 =	sshll.u32 s1, $0x11  }
0xbb: {  	s0 =	sor.u32 s1, s0  }
0xbc: {  	s0 =	sadd.s32 $0x8F2B, s0  }
0xbd: {  	[sflag:s0] =	ssyncadd.remote.s32 $0x1  }
0xbe: {  	_ =	sfence.sel $0xFFFF  }
0xbf: {  	[dreg:$0x0] =	wrdreg $0xFFFFFFFF;
	(pc) =	sbr.abs _section_cstart, $3  }
0xc0: {  	[dreg:$0x1] =	wrdreg $0xFFFFFFFF  }
0xc1: {  	_ =	task.clear_ibuf [dreg:s6], $0x2FFFF;
	_ =	strace $0x9FFFFFFF  }
0xc2: {  	(tm) =	ssettm $0x7FFFFFFF  }
0xc3: {  	_ =	shalt  }
tec
execute0_lowered:
.L_overlay_start_1:
0x0: {  	(tag) =	ssettag $0x1  }
0x1: {  	s0 =	rddreg [dreg:$0x0]  }
0x2: {  	s2 =	rddreg [dreg:$0x1]  }
0x3: {  	s3 =	simm.s32 $0x0;
	s1 =	srdreg.scid;
	s8 =	stileid.u32  }
0x4: {  	s14 =	simm.s32 $0x1400;
	s15 =	simm.s32 $0x16800;
	s16 =	simm.s32 $0xC  }
0x5: {  	s17 =	simm.s32 $0xB;
	s18 =	simm.s32 $0x200;
	s19 =	simm.s32 $0x2800  }
0x6: {  	s20 =	simm.s32 $0x6800;
	s28 =	simm.s32 $0xE800;
	s29 =	simm.s32 $0x3  }
0x7: {  	s30 =	simm.s32 $0x5;
	s31 =	simm.s32 $0x9;
	s5 =	smul.u32 $0x5000, s8  }
0x8: {  	s1 =	sand.u32 $0x1, s1;
	s4 =	sshll.u32 s8, $0x1;
	s8 =	smul.u32 $0x14000, s8  }
0x9: {  	[smem:$0x7FF] =	sst s3;
	s6 =	sor.u32 s1, s4;
	s7 =	smul.u32 $0x50000, s1  }
0xa: {  	_ =	strace $0x8000004A;
	s4 =	sadd.s32 $0xCC00, s0;
	s1 =	ssub.s32 $0x2, s1  }
0xb: {  	s6 =	smul.u32 $0x280, s6;
	s9 =	sshrl.u32 s1, $0x1;
	s21 =	sshrl.u32 s8, $0x2  }
0xc: {  	s7 =	sadd.s32 s5, s7;
	s1 =	ssub.s32 s1, s9;
	s23 =	sadd.s32 s21, s2  }
0xd: {  	s21 =	simm.s32 $0x1;
	s6 =	sadd.s32 s6, s0;
	s7 =	sshrl.u32 s7, $0x3  }
0xe: {  	s24 =	sadd.s32 $0x1000, s23;
	s25 =	sadd.s32 $0x2000, s23;
	s26 =	sadd.s32 $0x3000, s23  }
0xf: {  	s11 =	sadd.s32 $0x4000, s23;
	s13 =	smax.u32 s1, $0x1;
	s23 =	simm.s32 $0xA800  }
0x10: {  	s1 =	simm.s32 $0x4;
	s0 =	sadd.s32 s7, s0;
	[dreg:$0x5] =	wrdreg s24  }
0x11: {  	s22 =	sadd.s32 $0x2200, s6;
	s6 =	sadd.s32 $0x7200, s6;
	[dreg:$0x6] =	wrdreg s25  }
0x12: {  	s7 =	sadd.s32 s5, s2;
	[dreg:$0x7] =	wrdreg s26;
	s24 =	simm.s32 $0x2  }
0x13: {  	s25 =	simm.s32 $0x6;
	s26 =	simm.s32 $0x8;
	[dreg:$0x3] =	wrdreg s22  }
0x14: {  	s5 =	simm.s32 $0xA;
	[dreg:$0x4] =	wrdreg s6;
	s12 =	sadd.s32 $0x16C00, s0  }
0x15: {  	v0 =	vimm.f32 $0.0e+00;
	s0 =	simm.s32 $0x12800;
	s22 =	simm.s32 $0x7;
	s6 =	simm.s32 $0x0  }
.LBB2_1:
0x16: {  	s8 =	rddreg [dreg:$0x3]  }
0x17: {  	[tilespmem:s3], [sflag:$0xB] =	stream.linear.gather [hbm4b:s8+s3], $0x1400, $0x38;
	[tilespmem:$0x1C800] =	vst v63  }
0x18: {  	s10 =	rddreg [dreg:$0x4];
	s9 =	simm.s32 $0x0;
	s8 =	simm.s32 $0x80  }
0x19: {  	[tilespmem:s14], [sflag:$0xB] =	stream.linear.gather [hbm4b:s10+s3], $0x1400, $0x38;
	[tilespmem:$0x1C800] =	vst v63  }
.LBB2_2:
0x1a: {  	p0 =	sne.s32 s8, $0x3F80;
	[tilespmem:s9+$0x16800] =	vst v0;
	s10 =	smov.u32 s8;
	s8 =	sadd.s32 $0x80, s8  }
.Ltmp0:
0x1b: {  	[tilespmem:s9+$0x16810] =	vst v0;
	(pc) =	sbr.rel @p0 .LBB2_2-.Ltmp0, $2  }
0x1c: {  	_ =	sdelay $0x2  }
0x1d: {  	s9 =	sshra.s32 s10, $0x2  }
0x1e: {  	[tilespmem:s9+$0x16800] =	vst v0  }
0x1f: {  	[tilespmem:s9+$0x16810] =	vst v0  }
0x20: {  	[spmem:s7] =	stream.linear.scatter [tilespmem:s15], [sflag:$0xC], $0x1000, $0x38;
	[tilespmem:$0x1C800] =	vst v63  }
0x21: {  	_ =	swait.ge [sflag:s16], $0x1000  }
0x22: {  	[sflag:s16] =	ssyncset.done $0x0  }
0x23: {  	s8 =	rddreg [dreg:$0x5];
	[sflag:s16] =	ssyncadd.s32 $0xFFFFF000  }
0x24: {  	[spmem:s8] =	stream.linear.scatter [tilespmem:s15], [sflag:$0xC], $0x1000, $0x38;
	[tilespmem:$0x1C800] =	vst v63  }
0x25: {  	_ =	swait.ge [sflag:s16], $0x1000  }
0x26: {  	[sflag:s16] =	ssyncset.done $0x0  }
0x27: {  	s10 =	rddreg [dreg:$0x6];
	[sflag:s16] =	ssyncadd.s32 $0xFFFFF000  }
0x28: {  	[spmem:s10] =	stream.linear.scatter [tilespmem:s15], [sflag:$0xC], $0x1000, $0x38;
	[tilespmem:$0x1C800] =	vst v63  }
0x29: {  	_ =	swait.ge [sflag:s16], $0x1000  }
0x2a: {  	[sflag:s16] =	ssyncset.done $0x0  }
0x2b: {  	s9 =	rddreg [dreg:$0x7];
	[sflag:s16] =	ssyncadd.s32 $0xFFFFF000  }
0x2c: {  	[spmem:s9] =	stream.linear.scatter [tilespmem:s15], [sflag:$0xC], $0x1000, $0x38;
	[tilespmem:$0x1C800] =	vst v63  }
0x2d: {  	_ =	swait.ge [sflag:s16], $0x1000  }
0x2e: {  	[sflag:s16] =	ssyncset.done $0x0  }
0x2f: {  	[sflag:s16] =	ssyncadd.s32 $0xFFFFF000  }
0x30: {  	[spmem:s11] =	stream.linear.scatter [tilespmem:s15], [sflag:$0xC], $0x1000, $0x38;
	[tilespmem:$0x1C800] =	vst v63  }
0x31: {  	_ =	swait.ge [sflag:s16], $0x1000  }
0x32: {  	[sflag:s16] =	ssyncset.done $0x0  }
0x33: {  	[sflag:s16] =	ssyncadd.s32 $0xFFFFF000  }
0x34: {  	_ =	swait.ge [sflag:s17], $0x1400  }
0x35: {  	[sflag:s17] =	ssyncset.done $0x0  }
0x36: {  	[sflag:s17] =	ssyncadd.s32 $0xFFFFEC00  }
0x37: {  	_ =	swait.ge [sflag:s17], $0x1400  }
0x38: {  	[sflag:s17] =	ssyncset.done $0x0  }
0x39: {  	[sflag:s17] =	ssyncadd.s32 $0xFFFFEC00  }
0x3a: {  	[bflag:$0x0] =	sbarrier.arrive $0xFFFF  }
0x3b: {  	[tilespmem:s19], [sflag:$0x1] =	stream.indirect.gather [hbm4b:s4+s18], $0x20, s3, s18, $0xb8;
	[tilespmem:$0x1C800] =	vst v63  }
0x3c: {  	_ = 	snop  }
0x3d: {  	[tilespmem:s20], [sflag:$0x2] =	stream.indirect.gather [hbm4b:s4+s18], $0x20, s18, s18, $0xb8;
	[tilespmem:$0x1C800] =	vst v63  }
0x3e: {  	_ =	swait.ge [sflag:s21], $0x4000  }
0x3f: {  	[sflag:s21] =	ssyncset.done $0x0  }
0x40: {  	[sflag:s21] =	ssyncadd.s32 $0xFFFFC000  }
0x41: {  	[spmem:s2] =	stream.indirect.scatter.add.f32 [tilespmem:s19], [sflag:$0x6], $0x20, s14, s18, $0xb8;
	[tilespmem:$0x1C800] =	vst v63  }
0x42: {  	s10 =	simm.s32 $0x400  }
0x43: {  	[tilespmem:s23], [sflag:$0x3] =	stream.indirect.gather [hbm4b:s4+s18], $0x20, s10, s18, $0xb8;
	[tilespmem:$0x1C800] =	vst v63  }
0x44: {  	_ =	swait.ge [sflag:s24], $0x4000  }
0x45: {  	[sflag:s24] =	ssyncset.done $0x0  }
0x46: {  	s9 =	simm.s32 $0x1600;
	[sflag:s24] =	ssyncadd.s32 $0xFFFFC000  }
0x47: {  	[spmem:s2] =	stream.indirect.scatter.add.f32 [tilespmem:s20], [sflag:$0x7], $0x20, s9, s18, $0xb8;
	[tilespmem:$0x1C800] =	vst v63  }
0x48: {  	s10 =	simm.s32 $0x600  }
0x49: {  	[tilespmem:s28], [sflag:$0x4] =	stream.indirect.gather [hbm4b:s4+s18], $0x20, s10, s18, $0xb8;
	[tilespmem:$0x1C800] =	vst v63  }
0x4a: {  	_ =	swait.ge [sflag:s29], $0x4000  }
0x4b: {  	[sflag:s29] =	ssyncset.done $0x0  }
0x4c: {  	s9 =	simm.s32 $0x1800;
	[sflag:s29] =	ssyncadd.s32 $0xFFFFC000  }
0x4d: {  	[spmem:s2] =	stream.indirect.scatter.add.f32 [tilespmem:s23], [sflag:$0x8], $0x20, s9, s18, $0xb8;
	[tilespmem:$0x1C800] =	vst v63  }
0x4e: {  	s10 =	simm.s32 $0x800  }
0x4f: {  	[tilespmem:s0], [sflag:$0x5] =	stream.indirect.gather [hbm4b:s4+s18], $0x20, s10, s18, $0xb8;
	[tilespmem:$0x1C800] =	vst v63  }
0x50: {  	_ =	swait.ge [sflag:s1], $0x4000  }
0x51: {  	[sflag:s1] =	ssyncset.done $0x0  }
0x52: {  	s9 =	simm.s32 $0x1A00;
	[sflag:s1] =	ssyncadd.s32 $0xFFFFC000  }
0x53: {  	[spmem:s2] =	stream.indirect.scatter.add.f32 [tilespmem:s28], [sflag:$0x9], $0x20, s9, s18, $0xb8;
	[tilespmem:$0x1C800] =	vst v63  }
0x54: {  	_ =	swait.ge [sflag:s25], $0x4000  }
0x55: {  	[sflag:s25] =	ssyncset.done $0x0  }
0x56: {  	s10 =	simm.s32 $0xA00;
	[sflag:s25] =	ssyncadd.s32 $0xFFFFC000  }
0x57: {  	[tilespmem:s19], [sflag:$0x1] =	stream.indirect.gather [hbm4b:s4+s18], $0x20, s10, s18, $0xb8;
	[tilespmem:$0x1C800] =	vst v63  }
0x58: {  	_ =	swait.ge [sflag:s30], $0x4000  }
0x59: {  	[sflag:s30] =	ssyncset.done $0x0  }
0x5a: {  	s9 =	simm.s32 $0x1C00;
	[sflag:s30] =	ssyncadd.s32 $0xFFFFC000  }
0x5b: {  	[spmem:s2] =	stream.indirect.scatter.add.f32 [tilespmem:s0], [sflag:$0xA], $0x20, s9, s18, $0xb8;
	[tilespmem:$0x1C800] =	vst v63  }
0x5c: {  	_ =	swait.ge [sflag:s22], $0x4000  }
0x5d: {  	[sflag:s22] =	ssyncset.done $0x0  }
0x5e: {  	s10 =	simm.s32 $0xC00;
	[sflag:s22] =	ssyncadd.s32 $0xFFFFC000  }
0x5f: {  	[tilespmem:s20], [sflag:$0x2] =	stream.indirect.gather [hbm4b:s4+s18], $0x20, s10, s18, $0xb8;
	[tilespmem:$0x1C800] =	vst v63  }
0x60: {  	_ =	swait.ge [sflag:s21], $0x4000  }
0x61: {  	[sflag:s21] =	ssyncset.done $0x0  }
0x62: {  	s9 =	simm.s32 $0x1E00;
	[sflag:s21] =	ssyncadd.s32 $0xFFFFC000  }
0x63: {  	[spmem:s2] =	stream.indirect.scatter.add.f32 [tilespmem:s19], [sflag:$0x6], $0x20, s9, s18, $0xb8;
	[tilespmem:$0x1C800] =	vst v63  }
0x64: {  	_ =	swait.ge [sflag:s26], $0x4000  }
0x65: {  	[sflag:s26] =	ssyncset.done $0x0  }
0x66: {  	s10 =	simm.s32 $0xE00;
	[sflag:s26] =	ssyncadd.s32 $0xFFFFC000  }
0x67: {  	[tilespmem:s23], [sflag:$0x3] =	stream.indirect.gather [hbm4b:s4+s18], $0x20, s10, s18, $0xb8;
	[tilespmem:$0x1C800] =	vst v63  }
0x68: {  	_ =	swait.ge [sflag:s24], $0x4000  }
0x69: {  	[sflag:s24] =	ssyncset.done $0x0  }
0x6a: {  	s9 =	simm.s32 $0x2000;
	[sflag:s24] =	ssyncadd.s32 $0xFFFFC000  }
0x6b: {  	[spmem:s2] =	stream.indirect.scatter.add.f32 [tilespmem:s20], [sflag:$0x7], $0x20, s9, s18, $0xb8;
	[tilespmem:$0x1C800] =	vst v63  }
0x6c: {  	_ =	swait.ge [sflag:s31], $0x4000  }
0x6d: {  	[sflag:s31] =	ssyncset.done $0x0  }
0x6e: {  	s10 =	simm.s32 $0x1000;
	[sflag:s31] =	ssyncadd.s32 $0xFFFFC000  }
0x6f: {  	[tilespmem:s28], [sflag:$0x4] =	stream.indirect.gather [hbm4b:s4+s18], $0x20, s10, s18, $0xb8;
	[tilespmem:$0x1C800] =	vst v63  }
0x70: {  	_ =	swait.ge [sflag:s29], $0x4000  }
0x71: {  	[sflag:s29] =	ssyncset.done $0x0  }
0x72: {  	s9 =	simm.s32 $0x2200;
	[sflag:s29] =	ssyncadd.s32 $0xFFFFC000  }
0x73: {  	[spmem:s2] =	stream.indirect.scatter.add.f32 [tilespmem:s23], [sflag:$0x8], $0x20, s9, s18, $0xb8;
	[tilespmem:$0x1C800] =	vst v63  }
0x74: {  	_ =	swait.ge [sflag:s5], $0x4000  }
0x75: {  	[sflag:s5] =	ssyncset.done $0x0  }
0x76: {  	s10 =	simm.s32 $0x1200;
	[sflag:s5] =	ssyncadd.s32 $0xFFFFC000  }
0x77: {  	[tilespmem:s0], [sflag:$0x5] =	stream.indirect.gather [hbm4b:s4+s18], $0x20, s10, s18, $0xb8;
	[tilespmem:$0x1C800] =	vst v63  }
0x78: {  	_ =	swait.ge [sflag:s1], $0x4000  }
0x79: {  	[sflag:s1] =	ssyncset.done $0x0  }
0x7a: {  	s9 =	simm.s32 $0x2400;
	[sflag:s1] =	ssyncadd.s32 $0xFFFFC000  }
0x7b: {  	[spmem:s2] =	stream.indirect.scatter.add.f32 [tilespmem:s28], [sflag:$0x9], $0x20, s9, s18, $0xb8;
	[tilespmem:$0x1C800] =	vst v63  }
0x7c: {  	_ =	swait.ge [sflag:s25], $0x4000  }
0x7d: {  	[sflag:s25] =	ssyncset.done $0x0  }
0x7e: {  	[sflag:s25] =	ssyncadd.s32 $0xFFFFC000  }
0x7f: {  	_ =	swait.ge [sflag:s30], $0x4000  }
0x80: {  	[sflag:s30] =	ssyncset.done $0x0  }
0x81: {  	s10 =	simm.s32 $0x2600;
	[sflag:s30] =	ssyncadd.s32 $0xFFFFC000  }
0x82: {  	[spmem:s2] =	stream.indirect.scatter.add.f32 [tilespmem:s0], [sflag:$0xA], $0x20, s10, s18, $0xb8;
	[tilespmem:$0x1C800] =	vst v63  }
0x83: {  	_ =	swait.ge [sflag:s22], $0x4000  }
0x84: {  	[sflag:s22] =	ssyncset.done $0x0  }
0x85: {  	[sflag:s22] =	ssyncadd.s32 $0xFFFFC000  }
0x86: {  	_ =	swait.ge [sflag:s26], $0x4000  }
0x87: {  	[sflag:s26] =	ssyncset.done $0x0  }
0x88: {  	[sflag:s26] =	ssyncadd.s32 $0xFFFFC000  }
0x89: {  	_ =	swait.ge [sflag:s31], $0x4000  }
0x8a: {  	[sflag:s31] =	ssyncset.done $0x0  }
0x8b: {  	[sflag:s31] =	ssyncadd.s32 $0xFFFFC000  }
0x8c: {  	s9 =	stileid.u32;
	_ =	swait.ge [sflag:s5], $0x4000  }
0x8d: {  	s6 =	sadd.s32 $0x1, s6;
	s8 =	sshll.u32 s9, $0x6;
	[sflag:s5] =	ssyncset.done $0x0  }
0x8e: {  	p0 =	sne.s32 s6, s13;
	s8 =	sor.u32 $0x1C0C, s8;
	[sflag:s5] =	ssyncadd.s32 $0xFFFFC000  }
.Ltmp1:
0x8f: {  	s10 =	sshrl.u32 s7, $0x3;
	[bflag:$0x0] =	sbarrier.arrive $0xFFFF;
	(pc) =	sbr.rel @p0 .LBB2_1-.Ltmp1, $4  }
0x90: {  	[hbm:s12], [sflag:s8] =	dma.local [spmem:s10], $0xA00  }
0x91: {  	_ =	swait.ge [sflag:s16], $0xA00  }
0x92: {  	[sflag:s16] =	ssyncset.done $0x0  }
0x93: {  	[sflag:s16] =	ssyncadd.s32 $0xFFFFF600  }
0x94: {  	_ =	sfence.sel $0x180000  }
0x95: {  	[bflag:$0x0] =	sbarrier.arrive $0xFFFF  }
0x96: {  	_ =	strace $0x9000004A  }
0x97: {  	s0 =	stileid.u32;
	[bflag:$0x2] =	sbarrier.arrive $0xFFFF  }
0x98: {  	p0 =	sne.s32 s0, $0x0;
	s0 =	rddreg [dreg:$0x2]  }
0x99: {  	s0 =	sadd.s32 @!p0 $0x100000, s0  }
0x9a: {  	[sflag:s0] =	ssyncadd.tile.s32 @!p0 $0x1;
	_ =	shalt  }
.Lfunc_end2:
_tile_overlayer_lowered:
.L_overlay_start_2:
0x9b: {  	(tag) =	ssettag $0x2  }
0x9c: {  	s0 =	rddreg [dreg:$0x0];
	s2 =	stileid.u32  }
0x9d: {  	s1 =	rddreg [dreg:$0x1];
	p0 =	sne.s32 s2, $0x0  }
0x9e: {  	s3 =	rddreg [dreg:$0x2];
	[bflag:$0x3] =	sbarrier.arrive $0xFFFF;
	s2 =	simm.s32 @!p0 $0x1C0C  }
0x9f: {  	[timem:s3], [sflag:s2] =	dma.local @!p0 [hbm:s0], s1  }
0xa0: {  	s0 =	simm.s32 @!p0 $0xC  }
0xa1: {  	_ =	swait.ge @!p0 [sflag:s0], s1  }
0xa2: {  	s1 =	ssub.s32 @!p0 $0x0, s1;
	[sflag:s0] =	ssyncset.done @!p0 $0x0  }
0xa3: {  	[sflag:s0] =	ssyncadd.s32 @!p0 s1  }
0xa4: {  	[bflag:$0x3] =	sbarrier.arrive $0xFFFF  }
0xa5: {  	_ =	shalt  }

// kernel: kernel.14.cloned.1.call-start
scs
__scs_entry_jumppad:
0x0: {  	(pc) =	sbr.rel $0x88, $3  }
0x1: {  	(tag) =	ssettag $0x0;
	lr =	simm.s32 $0x1  }
0x2: {  	[smem:$0x3F99] =	sst lr;
	_ =	strace $0xD0000000  }
0x3: {  	_ = 	snop  }
0x4: {  	_ = 	snop  }
0x5: {  	_ = 	snop  }
0x6: {  	_ = 	snop  }
0x7: {  	_ = 	snop  }
__scs_overlays_trampoline_lowered:
0x8: {  	[smem:$0x3FA8] =	sst s0  }
0x9: {  	[smem:$0x3FA9] =	sst s1  }
0xa: {  	[smem:$0x3FAA] =	sst s2  }
0xb: {  	[smem:$0x3FAB] =	sst s3  }
0xc: {  	[smem:$0x3FAC] =	sst s4  }
0xd: {  	[smem:$0x3FAD] =	sst s5  }
0xe: {  	[smem:$0x3FAE] =	sst s6  }
0xf: {  	[smem:$0x3FAF] =	sst s7  }
0x10: {  	[smem:$0x3FB0] =	sst s8  }
0x11: {  	[smem:$0x3FB1] =	sst s9;
	s0 =	simm.s32 @!p0 $0x0  }
0x12: {  	s1 =	sld [smem:$0x3F97];
	s0 =	simm.s32 @p0 $0x1  }
0x13: {  	[smem:$0x3FB2] =	sst s0;
	s0 =	simm.s32 @!p1 $0x0  }
0x14: {  	s2 =	sld [smem:$0x3F96];
	s0 =	simm.s32 @p1 $0x1  }
0x15: {  	[smem:$0x3FB3] =	sst s0;
	s0 =	simm.s32 @!p2 $0x0  }
0x16: {  	s3 =	sld [smem:$0x3FDB];
	s0 =	simm.s32 @p2 $0x1  }
0x17: {  	s4 =	simm.s32 $0x1BF5;
	[smem:$0x3FB5] =	sst s0  }
0x18: {  	s0 =	sld [smem:$0x3F98];
	_ =	swait.ge [sflag:s4], $0x0  }
0x19: {  	s7 =	sld [smem:$0x3F99]  }
0x1a: {  	s8 =	sadd.s32 $0xFFFFE003, lr  }
0x1b: {  	s9 =	sadd.s32 $0xFFFFFEF7, lr;
	s5 =	simm.s32 $0xFFFFFFFF;
	p2 =	slt.u32 s8, $0xFFFFF086  }
0x1c: {  	p1 =	slt.u32 s9, $0xF7A;
	s5 =	simm.s32 @!p2 $0x0  }
0x1d: {  	s5 =	simm.s32 @p1 $0x1;
	p0 =	seq.s32 s7, s2  }
0x1e: {  	s7 =	smul.u32 @!p0 $0xF7A, s2;
	p2 =	seq.s32 @!p0 s5, $0x0  }
0x1f: {  	s9 =	smul.u32 $0xF7A, s1;
	s8 =	simm.s32 @!p0 $0x1BF5;
	p2 =	por !p2, p0  }
0x20: {  	[sflag:s8] =	ssyncset.s32 @!p0 $0xFFFFF086;
	s6 =	sadd.s32 @!p0 s3, s7;
	s7 =	simm.s32 @!p0 $0x108  }
0x21: {  	s3 =	sadd.s32 s3, s9;
	s6 =	sadd.s32 @!p0 $0x88, s6;
	s7 =	simm.s32 @p2 $0x1082  }
0x22: {  	[simem:s7], [sflag:s8] =	dma.local @!p0 [hbm:s6], $0xF7A  }
0x23: {  	s9 =	sor.u32 $0xD0000000, s2;
	s6 =	simm.s32 $0x108;
	_ =	swait.ge @!p0 [sflag:s8], $0x0  }
0x24: {  	s3 =	sadd.s32 $0x88, s3;
	s6 =	simm.s32 @!p1 $0x1082;
	[sflag:s4] =	ssyncset.s32 $0xFFFFF086  }
0x25: {  	[simem:s6], [sflag:s4] =	dma.local [hbm:s3], $0xF7A  }
0x26: {  	[smem:$0x3F99] =	sst s1;
	(tag) =	ssettag s2;
	_ =	strace s9  }
0x27: {  	s1 =	sld [smem:$0x3FA9]  }
0x28: {  	s2 =	sld [smem:$0x3FAA]  }
0x29: {  	s4 =	sld [smem:$0x3FAC]  }
0x2a: {  	p0 =	seq.s32 s5, $0x0;
	s5 =	sld [smem:$0x3FAD]  }
0x2b: {  	s6 =	sld [smem:$0x3FAE]  }
0x2c: {  	s7 =	sld [smem:$0x3FAF]  }
0x2d: {  	s3 =	simm.s32 $0x108;
	s8 =	sld [smem:$0x3FB0]  }
0x2e: {  	s3 =	simm.s32 @!p0 $0x1082;
	s9 =	sld [smem:$0x3FB1]  }
0x2f: {  	lr =	sadd.s32 s0, s3;
	s0 =	sld [smem:$0x3FA8]  }
0x30: {  	s3 =	sld [smem:$0x3FAB]  }
0x31: {  	[smem:$0x3FB4] =	sst s10  }
0x32: {  	s10 =	sld [smem:$0x3FB2];
	_ =	sdelay $0x3  }
0x33: {  	p0 =	seq.s32 s10, $0x1;
	s10 =	sld [smem:$0x3FB4];
	_ =	sdelay $0x3  }
0x34: {  	[smem:$0x3FB4] =	sst s10  }
0x35: {  	s10 =	sld [smem:$0x3FB3];
	_ =	sdelay $0x3  }
0x36: {  	p1 =	seq.s32 s10, $0x1;
	s10 =	sld [smem:$0x3FB4];
	_ =	sdelay $0x3  }
0x37: {  	[smem:$0x3FB4] =	sst s10  }
0x38: {  	s10 =	sld [smem:$0x3FB5]  }
0x39: {  	_ = 	snop;
	(pc) =	sbr.ind lr, $3  }
0x3a: {  	_ = 	snop  }
0x3b: {  	_ = 	snop  }
0x3c: {  	p2 =	seq.s32 s10, $0x1;
	s10 =	sld [smem:$0x3FB4]  }
0x3d: {  	_ =	shalt  }
0x3e: {  	_ =	shalt  }
0x3f: {  	_ =	shalt  }
0x40: {  	_ =	shalt  }
0x41: {  	_ =	shalt  }
0x42: {  	_ =	shalt  }
0x43: {  	_ =	shalt  }
0x44: {  	_ =	shalt  }
0x45: {  	_ =	shalt  }
0x46: {  	_ =	shalt  }
0x47: {  	_ =	shalt  }
0x48: {  	_ =	shalt  }
0x49: {  	_ =	shalt  }
0x4a: {  	_ =	shalt  }
0x4b: {  	_ =	shalt  }
0x4c: {  	_ =	shalt  }
0x4d: {  	_ =	shalt  }
0x4e: {  	_ =	shalt  }
0x4f: {  	_ =	shalt  }
0x50: {  	_ =	shalt  }
0x51: {  	_ =	shalt  }
0x52: {  	_ =	shalt  }
0x53: {  	_ =	shalt  }
0x54: {  	_ =	shalt  }
0x55: {  	_ =	shalt  }
0x56: {  	_ =	shalt  }
0x57: {  	_ =	shalt  }
0x58: {  	_ =	shalt  }
0x59: {  	_ =	shalt  }
0x5a: {  	_ =	shalt  }
0x5b: {  	_ =	shalt  }
0x5c: {  	_ =	shalt  }
0x5d: {  	_ =	shalt  }
0x5e: {  	_ =	shalt  }
0x5f: {  	_ =	shalt  }
0x60: {  	_ =	shalt  }
0x61: {  	_ =	shalt  }
0x62: {  	_ =	shalt  }
0x63: {  	_ =	shalt  }
0x64: {  	_ =	shalt  }
0x65: {  	_ =	shalt  }
0x66: {  	_ =	shalt  }
0x67: {  	_ =	shalt  }
0x68: {  	_ =	shalt  }
0x69: {  	_ =	shalt  }
0x6a: {  	_ =	shalt  }
0x6b: {  	_ =	shalt  }
0x6c: {  	_ =	shalt  }
0x6d: {  	_ =	shalt  }
0x6e: {  	_ =	shalt  }
0x6f: {  	_ =	shalt  }
0x70: {  	_ =	shalt  }
0x71: {  	_ =	shalt  }
0x72: {  	_ =	shalt  }
0x73: {  	_ =	shalt  }
0x74: {  	_ =	shalt  }
0x75: {  	_ =	shalt  }
0x76: {  	_ =	shalt  }
0x77: {  	_ =	shalt  }
0x78: {  	_ =	shalt  }
0x79: {  	_ =	shalt  }
0x7a: {  	_ =	shalt  }
0x7b: {  	_ =	shalt  }
0x7c: {  	_ =	shalt  }
0x7d: {  	_ =	shalt  }
0x7e: {  	_ =	shalt  }
0x7f: {  	_ =	shalt  }
0x80: {  	_ =	shalt  }
0x81: {  	_ =	shalt  }
0x82: {  	_ =	shalt  }
0x83: {  	_ =	shalt  }
0x84: {  	_ =	shalt  }
0x85: {  	_ =	shalt  }
0x86: {  	_ =	shalt  }
0x87: {  	_ =	shalt  }
.Lfunc_end0:
.L_simem_size_0:
called_computation.2_lowered:
.L_overlay_start_0:
0x88: {  	s2 =	sld [smem:$0x3FD9]  }
0x89: {  	s3 =	sld [smem:$0x3FFE];
	_ =	sdelay $0x1  }
0x8a: {  	s1 =	srdreg.scid  }
0x8b: {  	s0 =	sand.u32 $0x1, s1  }
0x8c: {  	s16 =	sshll.u32 s0, $0xA;
	s2 =	sadd.s32 s3, s2  }
0x8d: {  	s2 =	sadd.s32 s2, s16  }
0x8e: {  	[smem:$0x3FC0] =	sst s2  }
0x8f: {  	_ = 	snop  }
0x90: {  	(tm) =	ssettm $0x1  }
0x91: {  	s17 =	sld [smem:$0x3FFB];
	_ =	sdelay $0x3  }
0x92: {  	_ =	strace s17  }
0x93: {  	s2 =	sld [smem:$0x3FFC];
	_ =	sdelay $0x3  }
0x94: {  	_ =	strace s2  }
0x95: {  	s2 =	sld [smem:$0x3FFD];
	_ =	sdelay $0x3  }
0x96: {  	_ =	strace s2  }
0x97: {  	_ =	strace $0x8FFFFFFF  }
0x98: {  	s18 =	sld [smem:$0x3FDB];
	_ =	sdelay $0x1  }
0x99: {  	s19 =	simm.s32 $_scs_section_size  }
0x9a: {  	s4 =	simm.s32 $_size__tile_overlayer_lowered;
	s5 =	simm.s32 $_tile_overlayer_lowered  }
0x9b: {  	s22 =	simm.s32 $0x1BFF;
	s21 =	sshll.u32 s5, $0x1;
	s2 =	sadd.s32 s19, s18  }
0x9c: {  	s6 =	simm.s32 $0x0;
	s20 =	sshll.u32 s4, $0x1;
	s4 =	sadd.s32 s21, s2  }
0x9d: {  	[timem:s6], [sflag:s22] =	dma.local [hbm:s4], s20  }
0x9e: {  	_ =	swait.ge [sflag:s22], s20  }
0x9f: {  	s3 =	ssub.s32 $0x0, s20;
	[sflag:s22] =	ssyncset.done $0x0  }
0xa0: {  	[sflag:s22] =	ssyncadd.s32 s3;
	_ =	sdelay $0x1  }
0xa1: {  	s23 =	simm.s32 $0x1B8B  }
0xa2: {  	_ =	swait.ge [sflag:s23], $0x1  }
0xa3: {  	[sflag:s23] =	ssyncset.done $0x0  }
0xa4: {  	s25 =	simm.s32 $0x1B8E;
	s24 =	sld [smem:$0x3FFE];
	[sflag:s23] =	ssyncadd.s32 $0xFFFFFFFF  }
0xa5: {  	s26 =	simm.s32 $execute0_lowered;
	[smem:$0x3FD2] =	sst s25  }
0xa6: {  	s4 =	sshll.u32 s26, $0x1;
	_ =	strace $0x8000004C;
	[dreg:$0x1] =	wrdreg $0xFFFFFFFF  }
0xa7: {  	s28 =	simm.s32 $_size_execute0_lowered;
	s2 =	sadd.s32 s2, s4;
	[dreg:$0x0] =	wrdreg $0x0  }
0xa8: {  	s4 =	sshll.u32 s28, $0x1;
	[dreg:$0x2] =	wrdreg s2  }
0xa9: {  	[dreg:$0x3] =	wrdreg s4  }
0xaa: {  	[dreg:$0x4] =	wrdreg $0xC0  }
0xab: {  	_ =	task [dreg:s6], $0x5FFFF  }
0xac: {  	[dreg:$0x1] =	wrdreg $0xFFFFFFFF  }
0xad: {  	[dreg:$0x0] =	wrdreg $0x60  }
0xae: {  	[dreg:$0x2] =	wrdreg s24  }
0xaf: {  	[dreg:$0x3] =	wrdreg $0xD0000  }
0xb0: {  	[dreg:$0x4] =	wrdreg $0x9  }
0xb1: {  	_ =	task.clear_ibuf [dreg:s6], $0x5FFFF;
	_ =	strace $0x9000004C  }
0xb2: {  	s29 =	simm.s32 $0x9;
	_ =	strace $0x8000004E  }
0xb3: {  	_ =	swait.ge [sflag:s29], $0x1  }
0xb4: {  	[sflag:s29] =	ssyncadd.s32 $0xFFFFFFFF  }
0xb5: {  	_ =	strace $0x9000004E  }
0xb6: {  	_ =	sfence  }
0xb7: {  	s30 =	sld [smem:$0x0];
	_ =	sdelay $0x2  }
0xb8: {  	s31 =	sshll.u32 s1, $0xD;
	s1 =	sshrl.u32 s1, $0x2  }
0xb9: {  	s3 =	sand.u32 $0x4000, s31;
	s1 =	sadd.s32 s1, s30  }
0xba: {  	s0 =	sor.u32 s3, s0;
	s1 =	sshll.u32 s1, $0x11  }
0xbb: {  	s0 =	sor.u32 s1, s0  }
0xbc: {  	s0 =	sadd.s32 $0x8F2B, s0  }
0xbd: {  	[sflag:s0] =	ssyncadd.remote.s32 $0x1  }
0xbe: {  	_ =	sfence.sel $0xFFFF  }
0xbf: {  	[dreg:$0x0] =	wrdreg $0xFFFFFFFF;
	(pc) =	sbr.abs _section_cstart, $3  }
0xc0: {  	[dreg:$0x1] =	wrdreg $0xFFFFFFFF  }
0xc1: {  	_ =	task.clear_ibuf [dreg:s6], $0x2FFFF;
	_ =	strace $0x9FFFFFFF  }
0xc2: {  	(tm) =	ssettm $0x7FFFFFFF  }
0xc3: {  	_ =	shalt  }
tec
execute0_lowered:
.L_overlay_start_1:
0x0: {  	(tag) =	ssettag $0x1  }
0x1: {  	s0 =	rddreg [dreg:$0x0]  }
0x2: {  	s2 =	rddreg [dreg:$0x1];
	s3 =	simm.s32 $0x0;
	s1 =	srdreg.scid  }
0x3: {  	s8 =	stileid.u32;
	s14 =	simm.s32 $0x1400;
	s15 =	simm.s32 $0xC800  }
0x4: {  	s16 =	simm.s32 $0xC;
	s17 =	simm.s32 $0xB;
	s18 =	simm.s32 $0x200  }
0x5: {  	s19 =	simm.s32 $0x2800;
	s20 =	simm.s32 $0x4800;
	s21 =	simm.s32 $0x1  }
0x6: {  	s28 =	simm.s32 $0x8800;
	s29 =	simm.s32 $0x3;
	s30 =	simm.s32 $0x5  }
0x7: {  	s31 =	simm.s32 $0x9;
	s1 =	sand.u32 $0x1, s1;
	s5 =	smul.u32 $0x2800, s8  }
0x8: {  	s4 =	sshll.u32 s8, $0x1;
	[smem:$0x7FF] =	sst s3;
	s8 =	smul.u32 $0xA000, s8  }
0x9: {  	s6 =	sor.u32 s1, s4;
	s7 =	smul.u32 $0x28000, s1;
	_ =	strace $0x8000004D  }
0xa: {  	s4 =	sadd.s32 $0xC200, s0;
	s1 =	ssub.s32 $0x2, s1;
	s6 =	smul.u32 $0x280, s6  }
0xb: {  	s9 =	sshrl.u32 s1, $0x1;
	s22 =	sshrl.u32 s8, $0x2;
	s7 =	sadd.s32 s5, s7  }
0xc: {  	s1 =	ssub.s32 s1, s9;
	s24 =	sadd.s32 s22, s2;
	s22 =	simm.s32 $0x7  }
0xd: {  	s6 =	sadd.s32 s6, s0;
	s7 =	sshrl.u32 s7, $0x3;
	s25 =	sadd.s32 $0x800, s24  }
0xe: {  	s26 =	sadd.s32 $0x1000, s24;
	s10 =	sadd.s32 $0x1800, s24;
	s11 =	sadd.s32 $0x2000, s24  }
0xf: {  	s13 =	smax.u32 s1, $0x1;
	s24 =	simm.s32 $0x2;
	s1 =	simm.s32 $0x4  }
0x10: {  	s0 =	sadd.s32 s7, s0;
	s23 =	sadd.s32 $0x2200, s6;
	[dreg:$0x5] =	wrdreg s25  }
0x11: {  	s6 =	sadd.s32 $0x7200, s6;
	s7 =	sadd.s32 s5, s2;
	[dreg:$0x6] =	wrdreg s26  }
0x12: {  	s25 =	simm.s32 $0x6;
	s26 =	simm.s32 $0x8;
	[dreg:$0x3] =	wrdreg s23  }
0x13: {  	s5 =	simm.s32 $0xA;
	[dreg:$0x4] =	wrdreg s6;
	s12 =	sadd.s32 $0x11200, s0  }
0x14: {  	v0 =	vimm.f32 $0.0e+00;
	s23 =	simm.s32 $0x6800;
	s0 =	simm.s32 $0xA800;
	s6 =	simm.s32 $0x0  }
.LBB2_1:
0x15: {  	s8 =	rddreg [dreg:$0x3]  }
0x16: {  	[tilespmem:s3], [sflag:$0xB] =	stream.linear.gather [hbm4b:s8+s3], $0x1400, $0x38;
	[tilespmem:$0xF800] =	vst v63  }
0x17: {  	s9 =	rddreg [dreg:$0x4]  }
0x18: {  	[tilespmem:s14], [sflag:$0xB] =	stream.linear.gather [hbm4b:s9+s3], $0x1400, $0x38;
	[tilespmem:$0xF800] =	vst v63  }
0x19: {  	s8 =	simm.s32 $0x40;
	s9 =	simm.s32 $0x0  }
.LBB2_2:
0x1a: {  	p0 =	sne.s32 s8, $0x1FC0;
	[tilespmem:s9+$0xC800] =	vst v0;
	s9 =	smov.u32 s8;
	s8 =	sadd.s32 $0x40, s8  }
.Ltmp0:
0x1b: {  	(pc) =	sbr.rel @p0 .LBB2_2-.Ltmp0, $2  }
0x1c: {  	_ =	sdelay $0x2  }
0x1d: {  	s9 =	sshra.s32 s9, $0x2  }
0x1e: {  	[tilespmem:s9+$0xC800] =	vst v0  }
0x1f: {  	[spmem:s7] =	stream.linear.scatter [tilespmem:s15], [sflag:$0xC], $0x800, $0x38;
	[tilespmem:$0xF800] =	vst v63  }
0x20: {  	_ =	swait.ge [sflag:s16], $0x800  }
0x21: {  	[sflag:s16] =	ssyncset.done $0x0  }
0x22: {  	s8 =	rddreg [dreg:$0x5];
	[sflag:s16] =	ssyncadd.s32 $0xFFFFF800  }
0x23: {  	[spmem:s8] =	stream.linear.scatter [tilespmem:s15], [sflag:$0xC], $0x800, $0x38;
	[tilespmem:$0xF800] =	vst v63  }
0x24: {  	_ =	swait.ge [sflag:s16], $0x800  }
0x25: {  	[sflag:s16] =	ssyncset.done $0x0  }
0x26: {  	s9 =	rddreg [dreg:$0x6];
	[sflag:s16] =	ssyncadd.s32 $0xFFFFF800  }
0x27: {  	[spmem:s9] =	stream.linear.scatter [tilespmem:s15], [sflag:$0xC], $0x800, $0x38;
	[tilespmem:$0xF800] =	vst v63  }
0x28: {  	_ =	swait.ge [sflag:s16], $0x800  }
0x29: {  	[sflag:s16] =	ssyncset.done $0x0  }
0x2a: {  	[sflag:s16] =	ssyncadd.s32 $0xFFFFF800  }
0x2b: {  	[spmem:s10] =	stream.linear.scatter [tilespmem:s15], [sflag:$0xC], $0x800, $0x38;
	[tilespmem:$0xF800] =	vst v63  }
0x2c: {  	_ =	swait.ge [sflag:s16], $0x800  }
0x2d: {  	[sflag:s16] =	ssyncset.done $0x0  }
0x2e: {  	[sflag:s16] =	ssyncadd.s32 $0xFFFFF800  }
0x2f: {  	[spmem:s11] =	stream.linear.scatter [tilespmem:s15], [sflag:$0xC], $0x800, $0x38;
	[tilespmem:$0xF800] =	vst v63  }
0x30: {  	_ =	swait.ge [sflag:s16], $0x800  }
0x31: {  	[sflag:s16] =	ssyncset.done $0x0  }
0x32: {  	[sflag:s16] =	ssyncadd.s32 $0xFFFFF800  }
0x33: {  	_ =	swait.ge [sflag:s17], $0x1400  }
0x34: {  	[sflag:s17] =	ssyncset.done $0x0  }
0x35: {  	[sflag:s17] =	ssyncadd.s32 $0xFFFFEC00  }
0x36: {  	_ =	swait.ge [sflag:s17], $0x1400  }
0x37: {  	[sflag:s17] =	ssyncset.done $0x0  }
0x38: {  	[sflag:s17] =	ssyncadd.s32 $0xFFFFEC00  }
0x39: {  	[bflag:$0x0] =	sbarrier.arrive $0xFFFF  }
0x3a: {  	[tilespmem:s19], [sflag:$0x1] =	stream.indirect.gather [hbm4b:s4+s18], $0x10, s3, s18, $0xb8;
	[tilespmem:$0xF800] =	vst v63  }
0x3b: {  	_ = 	snop  }
0x3c: {  	[tilespmem:s20], [sflag:$0x2] =	stream.indirect.gather [hbm4b:s4+s18], $0x10, s18, s18, $0xb8;
	[tilespmem:$0xF800] =	vst v63  }
0x3d: {  	_ =	swait.ge [sflag:s21], $0x2000  }
0x3e: {  	[sflag:s21] =	ssyncset.done $0x0  }
0x3f: {  	[sflag:s21] =	ssyncadd.s32 $0xFFFFE000  }
0x40: {  	[spmem:s2] =	stream.indirect.scatter.add.f32 [tilespmem:s19], [sflag:$0x6], $0x10, s14, s18, $0xb8;
	[tilespmem:$0xF800] =	vst v63  }
0x41: {  	s9 =	simm.s32 $0x400  }
0x42: {  	[tilespmem:s23], [sflag:$0x3] =	stream.indirect.gather [hbm4b:s4+s18], $0x10, s9, s18, $0xb8;
	[tilespmem:$0xF800] =	vst v63  }
0x43: {  	_ =	swait.ge [sflag:s24], $0x2000  }
0x44: {  	[sflag:s24] =	ssyncset.done $0x0  }
0x45: {  	s9 =	simm.s32 $0x1600;
	[sflag:s24] =	ssyncadd.s32 $0xFFFFE000  }
0x46: {  	[spmem:s2] =	stream.indirect.scatter.add.f32 [tilespmem:s20], [sflag:$0x7], $0x10, s9, s18, $0xb8;
	[tilespmem:$0xF800] =	vst v63  }
0x47: {  	s9 =	simm.s32 $0x600  }
0x48: {  	[tilespmem:s28], [sflag:$0x4] =	stream.indirect.gather [hbm4b:s4+s18], $0x10, s9, s18, $0xb8;
	[tilespmem:$0xF800] =	vst v63  }
0x49: {  	_ =	swait.ge [sflag:s29], $0x2000  }
0x4a: {  	[sflag:s29] =	ssyncset.done $0x0  }
0x4b: {  	s9 =	simm.s32 $0x1800;
	[sflag:s29] =	ssyncadd.s32 $0xFFFFE000  }
0x4c: {  	[spmem:s2] =	stream.indirect.scatter.add.f32 [tilespmem:s23], [sflag:$0x8], $0x10, s9, s18, $0xb8;
	[tilespmem:$0xF800] =	vst v63  }
0x4d: {  	s9 =	simm.s32 $0x800  }
0x4e: {  	[tilespmem:s0], [sflag:$0x5] =	stream.indirect.gather [hbm4b:s4+s18], $0x10, s9, s18, $0xb8;
	[tilespmem:$0xF800] =	vst v63  }
0x4f: {  	_ =	swait.ge [sflag:s1], $0x2000  }
0x50: {  	[sflag:s1] =	ssyncset.done $0x0  }
0x51: {  	s9 =	simm.s32 $0x1A00;
	[sflag:s1] =	ssyncadd.s32 $0xFFFFE000  }
0x52: {  	[spmem:s2] =	stream.indirect.scatter.add.f32 [tilespmem:s28], [sflag:$0x9], $0x10, s9, s18, $0xb8;
	[tilespmem:$0xF800] =	vst v63  }
0x53: {  	_ =	swait.ge [sflag:s25], $0x2000  }
0x54: {  	[sflag:s25] =	ssyncset.done $0x0  }
0x55: {  	s9 =	simm.s32 $0xA00;
	[sflag:s25] =	ssyncadd.s32 $0xFFFFE000  }
0x56: {  	[tilespmem:s19], [sflag:$0x1] =	stream.indirect.gather [hbm4b:s4+s18], $0x10, s9, s18, $0xb8;
	[tilespmem:$0xF800] =	vst v63  }
0x57: {  	_ =	swait.ge [sflag:s30], $0x2000  }
0x58: {  	[sflag:s30] =	ssyncset.done $0x0  }
0x59: {  	s9 =	simm.s32 $0x1C00;
	[sflag:s30] =	ssyncadd.s32 $0xFFFFE000  }
0x5a: {  	[spmem:s2] =	stream.indirect.scatter.add.f32 [tilespmem:s0], [sflag:$0xA], $0x10, s9, s18, $0xb8;
	[tilespmem:$0xF800] =	vst v63  }
0x5b: {  	_ =	swait.ge [sflag:s22], $0x2000  }
0x5c: {  	[sflag:s22] =	ssyncset.done $0x0  }
0x5d: {  	s9 =	simm.s32 $0xC00;
	[sflag:s22] =	ssyncadd.s32 $0xFFFFE000  }
0x5e: {  	[tilespmem:s20], [sflag:$0x2] =	stream.indirect.gather [hbm4b:s4+s18], $0x10, s9, s18, $0xb8;
	[tilespmem:$0xF800] =	vst v63  }
0x5f: {  	_ =	swait.ge [sflag:s21], $0x2000  }
0x60: {  	[sflag:s21] =	ssyncset.done $0x0  }
0x61: {  	s9 =	simm.s32 $0x1E00;
	[sflag:s21] =	ssyncadd.s32 $0xFFFFE000  }
0x62: {  	[spmem:s2] =	stream.indirect.scatter.add.f32 [tilespmem:s19], [sflag:$0x6], $0x10, s9, s18, $0xb8;
	[tilespmem:$0xF800] =	vst v63  }
0x63: {  	_ =	swait.ge [sflag:s26], $0x2000  }
0x64: {  	[sflag:s26] =	ssyncset.done $0x0  }
0x65: {  	s9 =	simm.s32 $0xE00;
	[sflag:s26] =	ssyncadd.s32 $0xFFFFE000  }
0x66: {  	[tilespmem:s23], [sflag:$0x3] =	stream.indirect.gather [hbm4b:s4+s18], $0x10, s9, s18, $0xb8;
	[tilespmem:$0xF800] =	vst v63  }
0x67: {  	_ =	swait.ge [sflag:s24], $0x2000  }
0x68: {  	[sflag:s24] =	ssyncset.done $0x0  }
0x69: {  	s9 =	simm.s32 $0x2000;
	[sflag:s24] =	ssyncadd.s32 $0xFFFFE000  }
0x6a: {  	[spmem:s2] =	stream.indirect.scatter.add.f32 [tilespmem:s20], [sflag:$0x7], $0x10, s9, s18, $0xb8;
	[tilespmem:$0xF800] =	vst v63  }
0x6b: {  	_ =	swait.ge [sflag:s31], $0x2000  }
0x6c: {  	[sflag:s31] =	ssyncset.done $0x0  }
0x6d: {  	s9 =	simm.s32 $0x1000;
	[sflag:s31] =	ssyncadd.s32 $0xFFFFE000  }
0x6e: {  	[tilespmem:s28], [sflag:$0x4] =	stream.indirect.gather [hbm4b:s4+s18], $0x10, s9, s18, $0xb8;
	[tilespmem:$0xF800] =	vst v63  }
0x6f: {  	_ =	swait.ge [sflag:s29], $0x2000  }
0x70: {  	[sflag:s29] =	ssyncset.done $0x0  }
0x71: {  	s9 =	simm.s32 $0x2200;
	[sflag:s29] =	ssyncadd.s32 $0xFFFFE000  }
0x72: {  	[spmem:s2] =	stream.indirect.scatter.add.f32 [tilespmem:s23], [sflag:$0x8], $0x10, s9, s18, $0xb8;
	[tilespmem:$0xF800] =	vst v63  }
0x73: {  	_ =	swait.ge [sflag:s5], $0x2000  }
0x74: {  	[sflag:s5] =	ssyncset.done $0x0  }
0x75: {  	s9 =	simm.s32 $0x1200;
	[sflag:s5] =	ssyncadd.s32 $0xFFFFE000  }
0x76: {  	[tilespmem:s0], [sflag:$0x5] =	stream.indirect.gather [hbm4b:s4+s18], $0x10, s9, s18, $0xb8;
	[tilespmem:$0xF800] =	vst v63  }
0x77: {  	_ =	swait.ge [sflag:s1], $0x2000  }
0x78: {  	[sflag:s1] =	ssyncset.done $0x0  }
0x79: {  	s9 =	simm.s32 $0x2400;
	[sflag:s1] =	ssyncadd.s32 $0xFFFFE000  }
0x7a: {  	[spmem:s2] =	stream.indirect.scatter.add.f32 [tilespmem:s28], [sflag:$0x9], $0x10, s9, s18, $0xb8;
	[tilespmem:$0xF800] =	vst v63  }
0x7b: {  	_ =	swait.ge [sflag:s25], $0x2000  }
0x7c: {  	[sflag:s25] =	ssyncset.done $0x0  }
0x7d: {  	[sflag:s25] =	ssyncadd.s32 $0xFFFFE000  }
0x7e: {  	_ =	swait.ge [sflag:s30], $0x2000  }
0x7f: {  	[sflag:s30] =	ssyncset.done $0x0  }
0x80: {  	s9 =	simm.s32 $0x2600;
	[sflag:s30] =	ssyncadd.s32 $0xFFFFE000  }
0x81: {  	[spmem:s2] =	stream.indirect.scatter.add.f32 [tilespmem:s0], [sflag:$0xA], $0x10, s9, s18, $0xb8;
	[tilespmem:$0xF800] =	vst v63  }
0x82: {  	_ =	swait.ge [sflag:s22], $0x2000  }
0x83: {  	[sflag:s22] =	ssyncset.done $0x0  }
0x84: {  	[sflag:s22] =	ssyncadd.s32 $0xFFFFE000  }
0x85: {  	_ =	swait.ge [sflag:s26], $0x2000  }
0x86: {  	[sflag:s26] =	ssyncset.done $0x0  }
0x87: {  	[sflag:s26] =	ssyncadd.s32 $0xFFFFE000  }
0x88: {  	_ =	swait.ge [sflag:s31], $0x2000  }
0x89: {  	[sflag:s31] =	ssyncset.done $0x0  }
0x8a: {  	[sflag:s31] =	ssyncadd.s32 $0xFFFFE000  }
0x8b: {  	s6 =	sadd.s32 $0x1, s6;
	_ =	swait.ge [sflag:s5], $0x2000  }
0x8c: {  	p0 =	sne.s32 s6, s13;
	s9 =	stileid.u32;
	[sflag:s5] =	ssyncset.done $0x0  }
0x8d: {  	s8 =	sshll.u32 s9, $0x6;
	s9 =	sshrl.u32 s7, $0x3;
	[sflag:s5] =	ssyncadd.s32 $0xFFFFE000  }
.Ltmp1:
0x8e: {  	s8 =	sor.u32 $0x1C0C, s8;
	[bflag:$0x0] =	sbarrier.arrive $0xFFFF;
	(pc) =	sbr.rel @p0 .LBB2_1-.Ltmp1, $4  }
0x8f: {  	[hbm:s12], [sflag:s8] =	dma.local [spmem:s9], $0x500  }
0x90: {  	_ =	swait.ge [sflag:s16], $0x500  }
0x91: {  	[sflag:s16] =	ssyncset.done $0x0  }
0x92: {  	[sflag:s16] =	ssyncadd.s32 $0xFFFFFB00  }
0x93: {  	_ =	sfence.sel $0x180000  }
0x94: {  	[bflag:$0x0] =	sbarrier.arrive $0xFFFF  }
0x95: {  	_ =	strace $0x9000004D  }
0x96: {  	s0 =	stileid.u32;
	[bflag:$0x2] =	sbarrier.arrive $0xFFFF  }
0x97: {  	p0 =	sne.s32 s0, $0x0;
	s0 =	rddreg [dreg:$0x2]  }
0x98: {  	s0 =	sadd.s32 @!p0 $0x100000, s0  }
0x99: {  	[sflag:s0] =	ssyncadd.tile.s32 @!p0 $0x1;
	_ =	shalt  }
.Lfunc_end2:
_tile_overlayer_lowered:
.L_overlay_start_2:
0x9a: {  	(tag) =	ssettag $0x2  }
0x9b: {  	s0 =	rddreg [dreg:$0x0];
	s2 =	stileid.u32  }
0x9c: {  	s1 =	rddreg [dreg:$0x1];
	p0 =	sne.s32 s2, $0x0  }
0x9d: {  	s3 =	rddreg [dreg:$0x2];
	[bflag:$0x3] =	sbarrier.arrive $0xFFFF;
	s2 =	simm.s32 @!p0 $0x1C0C  }
0x9e: {  	[timem:s3], [sflag:s2] =	dma.local @!p0 [hbm:s0], s1  }
0x9f: {  	s0 =	simm.s32 @!p0 $0xC  }
0xa0: {  	_ =	swait.ge @!p0 [sflag:s0], s1  }
0xa1: {  	s1 =	ssub.s32 @!p0 $0x0, s1;
	[sflag:s0] =	ssyncset.done @!p0 $0x0  }
0xa2: {  	[sflag:s0] =	ssyncadd.s32 @!p0 s1  }
0xa3: {  	[bflag:$0x3] =	sbarrier.arrive $0xFFFF  }
0xa4: {  	_ =	shalt  }

// kernel: kernel.8.cloned.1.call-start
scs
__scs_entry_jumppad:
0x0: {  	(pc) =	sbr.rel $0x88, $3  }
0x1: {  	(tag) =	ssettag $0x0;
	lr =	simm.s32 $0x1  }
0x2: {  	[smem:$0x3F99] =	sst lr;
	_ =	strace $0xD0000000  }
0x3: {  	_ = 	snop  }
0x4: {  	_ = 	snop  }
0x5: {  	_ = 	snop  }
0x6: {  	_ = 	snop  }
0x7: {  	_ = 	snop  }
__scs_overlays_trampoline_lowered:
0x8: {  	[smem:$0x3FA8] =	sst s0  }
0x9: {  	[smem:$0x3FA9] =	sst s1  }
0xa: {  	[smem:$0x3FAA] =	sst s2  }
0xb: {  	[smem:$0x3FAB] =	sst s3  }
0xc: {  	[smem:$0x3FAC] =	sst s4  }
0xd: {  	[smem:$0x3FAD] =	sst s5  }
0xe: {  	[smem:$0x3FAE] =	sst s6  }
0xf: {  	[smem:$0x3FAF] =	sst s7  }
0x10: {  	[smem:$0x3FB0] =	sst s8  }
0x11: {  	[smem:$0x3FB1] =	sst s9;
	s0 =	simm.s32 @!p0 $0x0  }
0x12: {  	s1 =	sld [smem:$0x3F97];
	s0 =	simm.s32 @p0 $0x1  }
0x13: {  	[smem:$0x3FB2] =	sst s0;
	s0 =	simm.s32 @!p1 $0x0  }
0x14: {  	s2 =	sld [smem:$0x3F96];
	s0 =	simm.s32 @p1 $0x1  }
0x15: {  	[smem:$0x3FB3] =	sst s0;
	s0 =	simm.s32 @!p2 $0x0  }
0x16: {  	s3 =	sld [smem:$0x3FDB];
	s0 =	simm.s32 @p2 $0x1  }
0x17: {  	s4 =	simm.s32 $0x1BF5;
	[smem:$0x3FB5] =	sst s0  }
0x18: {  	s0 =	sld [smem:$0x3F98];
	_ =	swait.ge [sflag:s4], $0x0  }
0x19: {  	s7 =	sld [smem:$0x3F99]  }
0x1a: {  	s8 =	sadd.s32 $0xFFFFE003, lr  }
0x1b: {  	s9 =	sadd.s32 $0xFFFFFEF7, lr;
	s5 =	simm.s32 $0xFFFFFFFF;
	p2 =	slt.u32 s8, $0xFFFFF086  }
0x1c: {  	p1 =	slt.u32 s9, $0xF7A;
	s5 =	simm.s32 @!p2 $0x0  }
0x1d: {  	s5 =	simm.s32 @p1 $0x1;
	p0 =	seq.s32 s7, s2  }
0x1e: {  	s7 =	smul.u32 @!p0 $0xF7A, s2;
	p2 =	seq.s32 @!p0 s5, $0x0  }
0x1f: {  	s9 =	smul.u32 $0xF7A, s1;
	s8 =	simm.s32 @!p0 $0x1BF5;
	p2 =	por !p2, p0  }
0x20: {  	[sflag:s8] =	ssyncset.s32 @!p0 $0xFFFFF086;
	s6 =	sadd.s32 @!p0 s3, s7;
	s7 =	simm.s32 @!p0 $0x108  }
0x21: {  	s3 =	sadd.s32 s3, s9;
	s6 =	sadd.s32 @!p0 $0x88, s6;
	s7 =	simm.s32 @p2 $0x1082  }
0x22: {  	[simem:s7], [sflag:s8] =	dma.local @!p0 [hbm:s6], $0xF7A  }
0x23: {  	s9 =	sor.u32 $0xD0000000, s2;
	s6 =	simm.s32 $0x108;
	_ =	swait.ge @!p0 [sflag:s8], $0x0  }
0x24: {  	s3 =	sadd.s32 $0x88, s3;
	s6 =	simm.s32 @!p1 $0x1082;
	[sflag:s4] =	ssyncset.s32 $0xFFFFF086  }
0x25: {  	[simem:s6], [sflag:s4] =	dma.local [hbm:s3], $0xF7A  }
0x26: {  	[smem:$0x3F99] =	sst s1;
	(tag) =	ssettag s2;
	_ =	strace s9  }
0x27: {  	s1 =	sld [smem:$0x3FA9]  }
0x28: {  	s2 =	sld [smem:$0x3FAA]  }
0x29: {  	s4 =	sld [smem:$0x3FAC]  }
0x2a: {  	p0 =	seq.s32 s5, $0x0;
	s5 =	sld [smem:$0x3FAD]  }
0x2b: {  	s6 =	sld [smem:$0x3FAE]  }
0x2c: {  	s7 =	sld [smem:$0x3FAF]  }
0x2d: {  	s3 =	simm.s32 $0x108;
	s8 =	sld [smem:$0x3FB0]  }
0x2e: {  	s3 =	simm.s32 @!p0 $0x1082;
	s9 =	sld [smem:$0x3FB1]  }
0x2f: {  	lr =	sadd.s32 s0, s3;
	s0 =	sld [smem:$0x3FA8]  }
0x30: {  	s3 =	sld [smem:$0x3FAB]  }
0x31: {  	[smem:$0x3FB4] =	sst s10  }
0x32: {  	s10 =	sld [smem:$0x3FB2];
	_ =	sdelay $0x3  }
0x33: {  	p0 =	seq.s32 s10, $0x1;
	s10 =	sld [smem:$0x3FB4];
	_ =	sdelay $0x3  }
0x34: {  	[smem:$0x3FB4] =	sst s10  }
0x35: {  	s10 =	sld [smem:$0x3FB3];
	_ =	sdelay $0x3  }
0x36: {  	p1 =	seq.s32 s10, $0x1;
	s10 =	sld [smem:$0x3FB4];
	_ =	sdelay $0x3  }
0x37: {  	[smem:$0x3FB4] =	sst s10  }
0x38: {  	s10 =	sld [smem:$0x3FB5]  }
0x39: {  	_ = 	snop;
	(pc) =	sbr.ind lr, $3  }
0x3a: {  	_ = 	snop  }
0x3b: {  	_ = 	snop  }
0x3c: {  	p2 =	seq.s32 s10, $0x1;
	s10 =	sld [smem:$0x3FB4]  }
0x3d: {  	_ =	shalt  }
0x3e: {  	_ =	shalt  }
0x3f: {  	_ =	shalt  }
0x40: {  	_ =	shalt  }
0x41: {  	_ =	shalt  }
0x42: {  	_ =	shalt  }
0x43: {  	_ =	shalt  }
0x44: {  	_ =	shalt  }
0x45: {  	_ =	shalt  }
0x46: {  	_ =	shalt  }
0x47: {  	_ =	shalt  }
0x48: {  	_ =	shalt  }
0x49: {  	_ =	shalt  }
0x4a: {  	_ =	shalt  }
0x4b: {  	_ =	shalt  }
0x4c: {  	_ =	shalt  }
0x4d: {  	_ =	shalt  }
0x4e: {  	_ =	shalt  }
0x4f: {  	_ =	shalt  }
0x50: {  	_ =	shalt  }
0x51: {  	_ =	shalt  }
0x52: {  	_ =	shalt  }
0x53: {  	_ =	shalt  }
0x54: {  	_ =	shalt  }
0x55: {  	_ =	shalt  }
0x56: {  	_ =	shalt  }
0x57: {  	_ =	shalt  }
0x58: {  	_ =	shalt  }
0x59: {  	_ =	shalt  }
0x5a: {  	_ =	shalt  }
0x5b: {  	_ =	shalt  }
0x5c: {  	_ =	shalt  }
0x5d: {  	_ =	shalt  }
0x5e: {  	_ =	shalt  }
0x5f: {  	_ =	shalt  }
0x60: {  	_ =	shalt  }
0x61: {  	_ =	shalt  }
0x62: {  	_ =	shalt  }
0x63: {  	_ =	shalt  }
0x64: {  	_ =	shalt  }
0x65: {  	_ =	shalt  }
0x66: {  	_ =	shalt  }
0x67: {  	_ =	shalt  }
0x68: {  	_ =	shalt  }
0x69: {  	_ =	shalt  }
0x6a: {  	_ =	shalt  }
0x6b: {  	_ =	shalt  }
0x6c: {  	_ =	shalt  }
0x6d: {  	_ =	shalt  }
0x6e: {  	_ =	shalt  }
0x6f: {  	_ =	shalt  }
0x70: {  	_ =	shalt  }
0x71: {  	_ =	shalt  }
0x72: {  	_ =	shalt  }
0x73: {  	_ =	shalt  }
0x74: {  	_ =	shalt  }
0x75: {  	_ =	shalt  }
0x76: {  	_ =	shalt  }
0x77: {  	_ =	shalt  }
0x78: {  	_ =	shalt  }
0x79: {  	_ =	shalt  }
0x7a: {  	_ =	shalt  }
0x7b: {  	_ =	shalt  }
0x7c: {  	_ =	shalt  }
0x7d: {  	_ =	shalt  }
0x7e: {  	_ =	shalt  }
0x7f: {  	_ =	shalt  }
0x80: {  	_ =	shalt  }
0x81: {  	_ =	shalt  }
0x82: {  	_ =	shalt  }
0x83: {  	_ =	shalt  }
0x84: {  	_ =	shalt  }
0x85: {  	_ =	shalt  }
0x86: {  	_ =	shalt  }
0x87: {  	_ =	shalt  }
.Lfunc_end0:
.L_simem_size_0:
called_computation_lowered:
.L_overlay_start_0:
0x88: {  	s2 =	sld [smem:$0x3FD9]  }
0x89: {  	s3 =	sld [smem:$0x3FFE];
	_ =	sdelay $0x1  }
0x8a: {  	s1 =	srdreg.scid  }
0x8b: {  	s0 =	sand.u32 $0x1, s1  }
0x8c: {  	s16 =	sshll.u32 s0, $0xA;
	s2 =	sadd.s32 s3, s2  }
0x8d: {  	s2 =	sadd.s32 s2, s16  }
0x8e: {  	[smem:$0x3FC0] =	sst s2  }
0x8f: {  	_ = 	snop  }
0x90: {  	(tm) =	ssettm $0x1  }
0x91: {  	s17 =	sld [smem:$0x3FFB];
	_ =	sdelay $0x3  }
0x92: {  	_ =	strace s17  }
0x93: {  	s2 =	sld [smem:$0x3FFC];
	_ =	sdelay $0x3  }
0x94: {  	_ =	strace s2  }
0x95: {  	s2 =	sld [smem:$0x3FFD];
	_ =	sdelay $0x3  }
0x96: {  	_ =	strace s2  }
0x97: {  	_ =	strace $0x8FFFFFFF  }
0x98: {  	s18 =	sld [smem:$0x3FDB];
	_ =	sdelay $0x1  }
0x99: {  	s19 =	simm.s32 $_scs_section_size  }
0x9a: {  	s4 =	simm.s32 $_size__tile_overlayer_lowered;
	s5 =	simm.s32 $_tile_overlayer_lowered  }
0x9b: {  	s22 =	simm.s32 $0x1BFF;
	s21 =	sshll.u32 s5, $0x1;
	s2 =	sadd.s32 s19, s18  }
0x9c: {  	s6 =	simm.s32 $0x0;
	s20 =	sshll.u32 s4, $0x1;
	s4 =	sadd.s32 s21, s2  }
0x9d: {  	[timem:s6], [sflag:s22] =	dma.local [hbm:s4], s20  }
0x9e: {  	_ =	swait.ge [sflag:s22], s20  }
0x9f: {  	s3 =	ssub.s32 $0x0, s20;
	[sflag:s22] =	ssyncset.done $0x0  }
0xa0: {  	[sflag:s22] =	ssyncadd.s32 s3;
	_ =	sdelay $0x1  }
0xa1: {  	s23 =	simm.s32 $0x1B8B  }
0xa2: {  	_ =	swait.ge [sflag:s23], $0x1  }
0xa3: {  	[sflag:s23] =	ssyncset.done $0x0  }
0xa4: {  	s25 =	simm.s32 $0x1B8E;
	s24 =	sld [smem:$0x3FFE];
	[sflag:s23] =	ssyncadd.s32 $0xFFFFFFFF  }
0xa5: {  	s26 =	simm.s32 $execute0_lowered;
	[smem:$0x3FD2] =	sst s25  }
0xa6: {  	s4 =	sshll.u32 s26, $0x1;
	_ =	strace $0x80000046;
	[dreg:$0x1] =	wrdreg $0xFFFFFFFF  }
0xa7: {  	s28 =	simm.s32 $_size_execute0_lowered;
	s2 =	sadd.s32 s2, s4;
	[dreg:$0x0] =	wrdreg $0x0  }
0xa8: {  	s4 =	sshll.u32 s28, $0x1;
	[dreg:$0x2] =	wrdreg s2  }
0xa9: {  	[dreg:$0x3] =	wrdreg s4  }
0xaa: {  	[dreg:$0x4] =	wrdreg $0xC0  }
0xab: {  	_ =	task [dreg:s6], $0x5FFFF  }
0xac: {  	[dreg:$0x1] =	wrdreg $0xFFFFFFFF  }
0xad: {  	[dreg:$0x0] =	wrdreg $0x60  }
0xae: {  	[dreg:$0x2] =	wrdreg s24  }
0xaf: {  	[dreg:$0x3] =	wrdreg $0x18800  }
0xb0: {  	[dreg:$0x4] =	wrdreg $0x9  }
0xb1: {  	_ =	task.clear_ibuf [dreg:s6], $0x5FFFF;
	_ =	strace $0x90000046  }
0xb2: {  	s29 =	simm.s32 $0x9;
	_ =	strace $0x80000048  }
0xb3: {  	_ =	swait.ge [sflag:s29], $0x1  }
0xb4: {  	[sflag:s29] =	ssyncadd.s32 $0xFFFFFFFF  }
0xb5: {  	_ =	strace $0x90000048  }
0xb6: {  	_ =	sfence  }
0xb7: {  	s30 =	sld [smem:$0x0];
	_ =	sdelay $0x2  }
0xb8: {  	s31 =	sshll.u32 s1, $0xD;
	s1 =	sshrl.u32 s1, $0x2  }
0xb9: {  	s3 =	sand.u32 $0x4000, s31;
	s1 =	sadd.s32 s1, s30  }
0xba: {  	s0 =	sor.u32 s3, s0;
	s1 =	sshll.u32 s1, $0x11  }
0xbb: {  	s0 =	sor.u32 s1, s0  }
0xbc: {  	s0 =	sadd.s32 $0x8F2B, s0  }
0xbd: {  	[sflag:s0] =	ssyncadd.remote.s32 $0x1  }
0xbe: {  	_ =	sfence.sel $0xFFFF  }
0xbf: {  	[dreg:$0x0] =	wrdreg $0xFFFFFFFF;
	(pc) =	sbr.abs _section_cstart, $3  }
0xc0: {  	[dreg:$0x1] =	wrdreg $0xFFFFFFFF  }
0xc1: {  	_ =	task.clear_ibuf [dreg:s6], $0x2FFFF;
	_ =	strace $0x9FFFFFFF  }
0xc2: {  	(tm) =	ssettm $0x7FFFFFFF  }
0xc3: {  	_ =	shalt  }
tec
execute0_lowered:
.L_overlay_start_1:
0x0: {  	(tag) =	ssettag $0x1  }
0x1: {  	s4 =	rddreg [dreg:$0x0]  }
0x2: {  	s2 =	rddreg [dreg:$0x1]  }
0x3: {  	s0 =	rddreg [dreg:$0x2];
	s3 =	srdreg.scid  }
0x4: {  	s1 =	stileid.u32;
	s10 =	simm.s32 $0x200;
	s11 =	simm.s32 $0x1400  }
0x5: {  	s12 =	simm.s32 $0x400;
	s13 =	simm.s32 $0x600;
	s14 =	simm.s32 $0x800  }
0x6: {  	s15 =	simm.s32 $0xA00;
	s16 =	simm.s32 $0xC00;
	s17 =	simm.s32 $0xE00  }
0x7: {  	s18 =	simm.s32 $0x1000;
	s19 =	simm.s32 $0x1200;
	s5 =	sand.u32 $0x1, s3  }
0x8: {  	s6 =	sshll.u32 s1, $0x1;
	s7 =	smul.u32 $0x280, s1;
	s3 =	simm.s32 $0x0  }
0x9: {  	s20 =	sshll.u32 s1, $0x6;
	s6 =	sor.u32 s5, s6;
	s8 =	smul.u32 $0x2800, s5  }
0xa: {  	[smem:$0x7FF] =	sst s3;
	s5 =	ssub.s32 $0x2, s5;
	s20 =	sor.u32 $0x1C01, s20  }
0xb: {  	s6 =	smul.u32 $0x280, s6;
	_ =	strace $0x80000047;
	s9 =	sshrl.u32 s5, $0x1  }
0xc: {  	s8 =	sadd.s32 s7, s8;
	s9 =	ssub.s32 s5, s9;
	s5 =	sadd.s32 s7, s2  }
0xd: {  	s6 =	sadd.s32 s6, s4;
	s8 =	sshrl.u32 s8, $0x3;
	s7 =	smax.u32 s9, $0x1  }
0xe: {  	s9 =	simm.s32 $0x1600;
	s21 =	sshrl.u32 s5, $0x3;
	s8 =	sadd.s32 s8, s4  }
0xf: {  	v0 =	vimm.f32 $1.000000000e+00;
	v1 =	vimm.f32 $0.0e+00;
	s4 =	sadd.s32 $0x7200, s6;
	s6 =	sadd.s32 $0xC200, s8;
	s8 =	simm.s32 $0x1  }
.LBB2_1:
0x10: {  	[tilespmem:s3], [sflag:$0x1] =	stream.linear.gather [hbm4b:s4+s3], $0x1400, $0x38;
	[tilespmem:$0x1B00] =	vst v63  }
0x11: {  	_ =	swait.ge [sflag:s8], $0x1400  }
0x12: {  	[sflag:s8] =	ssyncset.done $0x0  }
0x13: {  	[sflag:s8] =	ssyncadd.s32 $0xFFFFEC00  }
0x14: {  	[tilespmem:$0x1400] =	vst v0  }
0x15: {  	[tilespmem:$0x1410] =	vst v0  }
0x16: {  	[tilespmem:$0x1420] =	vst v0  }
0x17: {  	[tilespmem:$0x1430] =	vst v0  }
0x18: {  	[tilespmem:$0x1440] =	vst v0  }
0x19: {  	[tilespmem:$0x1450] =	vst v0  }
0x1a: {  	[tilespmem:$0x1460] =	vst v0  }
0x1b: {  	[tilespmem:$0x1470] =	vst v0  }
0x1c: {  	[tilespmem:$0x1480] =	vst v0  }
0x1d: {  	[tilespmem:$0x1490] =	vst v0  }
0x1e: {  	[tilespmem:$0x14A0] =	vst v0  }
0x1f: {  	[tilespmem:$0x14B0] =	vst v0  }
0x20: {  	[tilespmem:$0x14C0] =	vst v0  }
0x21: {  	[tilespmem:$0x14D0] =	vst v0  }
0x22: {  	[tilespmem:$0x14E0] =	vst v0  }
0x23: {  	[tilespmem:$0x14F0] =	vst v0  }
0x24: {  	[tilespmem:$0x1500] =	vst v0  }
0x25: {  	[tilespmem:$0x1510] =	vst v0  }
0x26: {  	[tilespmem:$0x1520] =	vst v0  }
0x27: {  	[tilespmem:$0x1530] =	vst v0  }
0x28: {  	[tilespmem:$0x1540] =	vst v0  }
0x29: {  	[tilespmem:$0x1550] =	vst v0  }
0x2a: {  	[tilespmem:$0x1560] =	vst v0  }
0x2b: {  	[tilespmem:$0x1570] =	vst v0  }
0x2c: {  	[tilespmem:$0x1580] =	vst v0  }
0x2d: {  	[tilespmem:$0x1590] =	vst v0  }
0x2e: {  	[tilespmem:$0x15A0] =	vst v0  }
0x2f: {  	[tilespmem:$0x15B0] =	vst v0  }
0x30: {  	[tilespmem:$0x15C0] =	vst v0  }
0x31: {  	[tilespmem:$0x15D0] =	vst v0  }
0x32: {  	[tilespmem:$0x15E0] =	vst v0  }
0x33: {  	[tilespmem:$0x15F0] =	vst v0  }
0x34: {  	[tilespmem:$0x1600] =	vst v1  }
0x35: {  	[tilespmem:$0x1610] =	vst v1  }
0x36: {  	[tilespmem:$0x1620] =	vst v1  }
0x37: {  	[tilespmem:$0x1630] =	vst v1  }
0x38: {  	[tilespmem:$0x1640] =	vst v1  }
0x39: {  	[tilespmem:$0x1650] =	vst v1  }
0x3a: {  	[tilespmem:$0x1660] =	vst v1  }
0x3b: {  	[tilespmem:$0x1670] =	vst v1  }
0x3c: {  	[tilespmem:$0x1680] =	vst v1  }
0x3d: {  	[tilespmem:$0x1690] =	vst v1  }
0x3e: {  	[tilespmem:$0x16A0] =	vst v1  }
0x3f: {  	[tilespmem:$0x16B0] =	vst v1  }
0x40: {  	[tilespmem:$0x16C0] =	vst v1  }
0x41: {  	[tilespmem:$0x16D0] =	vst v1  }
0x42: {  	[tilespmem:$0x16E0] =	vst v1  }
0x43: {  	[tilespmem:$0x16F0] =	vst v1  }
0x44: {  	[tilespmem:$0x1700] =	vst v1  }
0x45: {  	[tilespmem:$0x1710] =	vst v1  }
0x46: {  	[tilespmem:$0x1720] =	vst v1  }
0x47: {  	[tilespmem:$0x1730] =	vst v1  }
0x48: {  	[tilespmem:$0x1740] =	vst v1  }
0x49: {  	[tilespmem:$0x1750] =	vst v1  }
0x4a: {  	[tilespmem:$0x1760] =	vst v1  }
0x4b: {  	[tilespmem:$0x1770] =	vst v1  }
0x4c: {  	[tilespmem:$0x1780] =	vst v1  }
0x4d: {  	[tilespmem:$0x1790] =	vst v1  }
0x4e: {  	[tilespmem:$0x17A0] =	vst v1  }
0x4f: {  	[tilespmem:$0x17B0] =	vst v1  }
0x50: {  	[tilespmem:$0x17C0] =	vst v1  }
0x51: {  	[tilespmem:$0x17D0] =	vst v1  }
0x52: {  	[tilespmem:$0x17E0] =	vst v1  }
0x53: {  	[tilespmem:$0x17F0] =	vst v1  }
0x54: {  	[tilespmem:$0x1800] =	vst v1  }
0x55: {  	[tilespmem:$0x1810] =	vst v1  }
0x56: {  	[tilespmem:$0x1820] =	vst v1  }
0x57: {  	[tilespmem:$0x1830] =	vst v1  }
0x58: {  	[tilespmem:$0x1840] =	vst v1  }
0x59: {  	[tilespmem:$0x1850] =	vst v1  }
0x5a: {  	[tilespmem:$0x1860] =	vst v1  }
0x5b: {  	[tilespmem:$0x1870] =	vst v1  }
0x5c: {  	[spmem:s5] =	stream.linear.scatter [tilespmem:s9], [sflag:$0x1], $0x280, $0x38;
	[tilespmem:$0x1B00] =	vst v63  }
0x5d: {  	_ =	swait.ge [sflag:s8], $0x280  }
0x5e: {  	[sflag:s8] =	ssyncset.done $0x0  }
0x5f: {  	[sflag:s8] =	ssyncadd.s32 $0xFFFFFD80  }
0x60: {  	[bflag:$0x0] =	sbarrier.arrive $0xFFFF  }
0x61: {  	[spmem:s2] =	stream.indirect.scatter.add.f32 [tilespmem:s11], [sflag:$0x1], $0x1, s3, s10, $0xb8;
	[tilespmem:$0x1B00] =	vst v63  }
0x62: {  	_ =	swait.ge [sflag:s8], $0x200  }
0x63: {  	[sflag:s8] =	ssyncset.done $0x0  }
0x64: {  	[sflag:s8] =	ssyncadd.s32 $0xFFFFFE00  }
0x65: {  	[spmem:s2] =	stream.indirect.scatter.add.f32 [tilespmem:s11], [sflag:$0x1], $0x1, s10, s10, $0xb8;
	[tilespmem:$0x1B00] =	vst v63  }
0x66: {  	_ =	swait.ge [sflag:s8], $0x200  }
0x67: {  	[sflag:s8] =	ssyncset.done $0x0  }
0x68: {  	[sflag:s8] =	ssyncadd.s32 $0xFFFFFE00  }
0x69: {  	[spmem:s2] =	stream.indirect.scatter.add.f32 [tilespmem:s11], [sflag:$0x1], $0x1, s12, s10, $0xb8;
	[tilespmem:$0x1B00] =	vst v63  }
0x6a: {  	_ =	swait.ge [sflag:s8], $0x200  }
0x6b: {  	[sflag:s8] =	ssyncset.done $0x0  }
0x6c: {  	[sflag:s8] =	ssyncadd.s32 $0xFFFFFE00  }
0x6d: {  	[spmem:s2] =	stream.indirect.scatter.add.f32 [tilespmem:s11], [sflag:$0x1], $0x1, s13, s10, $0xb8;
	[tilespmem:$0x1B00] =	vst v63  }
0x6e: {  	_ =	swait.ge [sflag:s8], $0x200  }
0x6f: {  	[sflag:s8] =	ssyncset.done $0x0  }
0x70: {  	[sflag:s8] =	ssyncadd.s32 $0xFFFFFE00  }
0x71: {  	[spmem:s2] =	stream.indirect.scatter.add.f32 [tilespmem:s11], [sflag:$0x1], $0x1, s14, s10, $0xb8;
	[tilespmem:$0x1B00] =	vst v63  }
0x72: {  	_ =	swait.ge [sflag:s8], $0x200  }
0x73: {  	[sflag:s8] =	ssyncset.done $0x0  }
0x74: {  	[sflag:s8] =	ssyncadd.s32 $0xFFFFFE00  }
0x75: {  	[spmem:s2] =	stream.indirect.scatter.add.f32 [tilespmem:s11], [sflag:$0x1], $0x1, s15, s10, $0xb8;
	[tilespmem:$0x1B00] =	vst v63  }
0x76: {  	_ =	swait.ge [sflag:s8], $0x200  }
0x77: {  	[sflag:s8] =	ssyncset.done $0x0  }
0x78: {  	[sflag:s8] =	ssyncadd.s32 $0xFFFFFE00  }
0x79: {  	[spmem:s2] =	stream.indirect.scatter.add.f32 [tilespmem:s11], [sflag:$0x1], $0x1, s16, s10, $0xb8;
	[tilespmem:$0x1B00] =	vst v63  }
0x7a: {  	_ =	swait.ge [sflag:s8], $0x200  }
0x7b: {  	[sflag:s8] =	ssyncset.done $0x0  }
0x7c: {  	[sflag:s8] =	ssyncadd.s32 $0xFFFFFE00  }
0x7d: {  	[spmem:s2] =	stream.indirect.scatter.add.f32 [tilespmem:s11], [sflag:$0x1], $0x1, s17, s10, $0xb8;
	[tilespmem:$0x1B00] =	vst v63  }
0x7e: {  	_ =	swait.ge [sflag:s8], $0x200  }
0x7f: {  	[sflag:s8] =	ssyncset.done $0x0  }
0x80: {  	[sflag:s8] =	ssyncadd.s32 $0xFFFFFE00  }
0x81: {  	[spmem:s2] =	stream.indirect.scatter.add.f32 [tilespmem:s11], [sflag:$0x1], $0x1, s18, s10, $0xb8;
	[tilespmem:$0x1B00] =	vst v63  }
0x82: {  	_ =	swait.ge [sflag:s8], $0x200  }
0x83: {  	[sflag:s8] =	ssyncset.done $0x0  }
0x84: {  	[sflag:s8] =	ssyncadd.s32 $0xFFFFFE00  }
0x85: {  	[spmem:s2] =	stream.indirect.scatter.add.f32 [tilespmem:s11], [sflag:$0x1], $0x1, s19, s10, $0xb8;
	[tilespmem:$0x1B00] =	vst v63  }
0x86: {  	_ =	swait.ge [sflag:s8], $0x200  }
0x87: {  	[sflag:s8] =	ssyncset.done $0x0  }
0x88: {  	p0 =	sne.s32 s7, $0x1;
	[sflag:s8] =	ssyncadd.s32 $0xFFFFFE00  }
.Ltmp0:
0x89: {  	[bflag:$0x0] =	sbarrier.arrive $0xFFFF;
	(pc) =	sbr.rel @p0 .LBB2_1-.Ltmp0, $4  }
0x8a: {  	[hbm:s6], [sflag:s20] =	dma.local [spmem:s21], $0x50  }
0x8b: {  	_ =	swait.ge [sflag:s8], $0x50  }
0x8c: {  	[sflag:s8] =	ssyncset.done $0x0  }
0x8d: {  	s7 =	sadd.s32 $0xFFFFFFFF, s7;
	[sflag:s8] =	ssyncadd.s32 $0xFFFFFFB0  }
0x8e: {  	_ =	sfence.sel $0x180000  }
0x8f: {  	[bflag:$0x0] =	sbarrier.arrive $0xFFFF  }
0x90: {  	p0 =	sne.s32 s1, $0x0;
	_ =	strace $0x90000047  }
0x91: {  	s0 =	sadd.s32 @!p0 $0x100000, s0;
	[bflag:$0x2] =	sbarrier.arrive $0xFFFF  }
0x92: {  	[sflag:s0] =	ssyncadd.tile.s32 @!p0 $0x1;
	_ =	shalt  }
.Lfunc_end2:
_tile_overlayer_lowered:
.L_overlay_start_2:
0x93: {  	(tag) =	ssettag $0x2  }
0x94: {  	s0 =	rddreg [dreg:$0x0];
	s2 =	stileid.u32  }
0x95: {  	s1 =	rddreg [dreg:$0x1];
	p0 =	sne.s32 s2, $0x0  }
0x96: {  	s3 =	rddreg [dreg:$0x2];
	[bflag:$0x3] =	sbarrier.arrive $0xFFFF;
	s2 =	simm.s32 @!p0 $0x1C01  }
0x97: {  	[timem:s3], [sflag:s2] =	dma.local @!p0 [hbm:s0], s1  }
0x98: {  	s0 =	simm.s32 @!p0 $0x1  }
0x99: {  	_ =	swait.ge @!p0 [sflag:s0], s1  }
0x9a: {  	s1 =	ssub.s32 @!p0 $0x0, s1;
	[sflag:s0] =	ssyncset.done @!p0 $0x0  }
0x9b: {  	[sflag:s0] =	ssyncadd.s32 @!p0 s1  }
0x9c: {  	[bflag:$0x3] =	sbarrier.arrive $0xFFFF  }
0x9d: {  	_ =	shalt  }

</sc_bundles>
